<compile_context>
chip_gen: v7x
topology: tpu7x:2x2x1
jax: 0.10.2.dev20260603
libtpu: 0.0.44.dev20260713+nightly
codegen_flags: <defaults>
</compile_context>

<pallas_src>
import functools

import jax
import jax.numpy as jnp
from jax import lax
from jax.experimental import pallas as pl
from jax.experimental.pallas import tpu as pltpu
from jax.experimental.pallas import tpu_sc as plsc

V = 50000
NF = 100000
NE = 3 * NF
NS = 16
NC = 2
EPT = 147 * 128
NEP = NS * EPT
NPAD = NEP - NE
NB = EPT // 16
LOG2M = 18
M = 1 << LOG2M
DUMP = M

_PAD = 128


def _i32(x):
    return jnp.int32(x - (1 << 32) if x >= (1 << 31) else x)

A_OWN = 0x8DA6B343
A_MUL = 0x85EBCA77
A_INIT = 0x9E3779B1


def _srl(x, n):
    return lax.shift_right_logical(x, jnp.full(x.shape, n, x.dtype))


def _make_round(ept):
    nb = ept // 16

    def body(keys3, el23, m3, amul_h,
             m3o, dsum, dcnt, avo, lists,
             keyv, el2v, mv, slotv, scr1, stgf, stgi, amulv,
             table, keys_sh):
        c = lax.axis_index("c")
        s = lax.axis_index("s")
        wid = c * NS + s
        base = s * ept
        iota = lax.iota(jnp.int32, 16)

        pltpu.sync_copy(keys3.at[s], keyv)
        pltpu.sync_copy(el23.at[s], el2v)
        pltpu.sync_copy(m3.at[c].at[s], mv)
        pltpu.sync_copy(amul_h, amulv)
        pltpu.sync_copy(keyv, keys_sh.at[pl.ds(base, ept)])
        a_mul = amulv[pl.ds(0, 16)]

        def phase_a(i, _):
            k = keyv[pl.ds(i * 16, 16)]
            m = mv[pl.ds(i * 16, 16)]
            slot = _srl(k * a_mul, 32 - LOG2M)
            slotv[pl.ds(i * 16, 16)] = jnp.where(m == 0, slot, DUMP)
            scr1[pl.ds(i * 16, 16)] = base + i * 16 + iota
            return 0

        lax.fori_loop(0, nb, phase_a, 0)

        pltpu.sync_copy(scr1, table.at[slotv])
        plsc.subcore_barrier()
        pltpu.sync_copy(table.at[slotv], scr1)

        def phase_c(i, _):
            sl = pl.ds(i * 16, 16)
            t = scr1[sl]
            m = mv[sl]
            myidx = base + i * 16 + iota
            active = m == 0
            is_lead = jnp.logical_and(active, t == myidx)
            mv[sl] = jnp.where(is_lead, 2, m)
            slotv[sl] = jnp.where(jnp.logical_and(active, t != myidx), t, 0)
            return 0

        lax.fori_loop(0, nb, phase_c, 0)
        pltpu.sync_copy(keys_sh.at[slotv], scr1)

        def phase_d(i, carry_d):
            a_s, a_c, av, off, off_b = carry_d
            sl = pl.ds(i * 16, 16)
            k = keyv[sl]
            m = mv[sl]
            kt = scr1[sl]
            e = el2v[sl]
            myidx = base + i * 16 + iota
            lead = m == 2
            res = jnp.logical_or(lead, jnp.logical_and(m == 0, kt == k))
            a_s = a_s + jnp.where(lead, e, 0.0)
            a_c = a_c + jnp.where(lead, 1, 0)
            mnew = jnp.where(res, 1, m)
            mv[sl] = mnew
            act = mnew == 0
            acti = jnp.where(act, 1, 0)
            av = av + acti
            pf = plsc.cumsum(acti) - acti
            pb = plsc.cumsum(1 - acti) - (1 - acti)
            cnt = plsc.all_reduce_population_count(act)
            ib = 16 - cnt
            pos = jnp.where(act, off + pf, ept - off_b - ib + pb)
            plsc.store_scatter(slotv, [pos], myidx)
            return a_s, a_c, av, off + cnt, off_b + ib

        acc_s, acc_c, av, _, _ = lax.fori_loop(
            0, nb, phase_d,
            (jnp.zeros((16,), jnp.float32), jnp.zeros((16,), jnp.int32),
             jnp.zeros((16,), jnp.int32), jnp.zeros((16,), jnp.int32),
             jnp.zeros((16,), jnp.int32)))

        pltpu.sync_copy(mv, m3o.at[c].at[s])
        pltpu.sync_copy(slotv, lists.at[c].at[s])
        stgf[0, pl.ds(0, 16)] = acc_s
        stgi[0, pl.ds(0, 16)] = acc_c
        stgi[1, pl.ds(0, 16)] = av
        pltpu.sync_copy(stgf.at[0], dsum.at[wid])
        pltpu.sync_copy(stgi.at[0], dcnt.at[wid])
        pltpu.sync_copy(stgi.at[1], avo.at[wid])

    mesh = plsc.VectorSubcoreMesh(core_axis_name="c", subcore_axis_name="s")
    return pl.kernel(
        body,
        out_type=[
            jax.ShapeDtypeStruct((NC, NS, ept), jnp.int32),
            jax.ShapeDtypeStruct((NC * NS, 16), jnp.float32),
            jax.ShapeDtypeStruct((NC * NS, 16), jnp.int32),
            jax.ShapeDtypeStruct((NC * NS, 16), jnp.int32),
            jax.ShapeDtypeStruct((NC, NS, ept), jnp.int32),
        ],
        mesh=mesh,
        compiler_params=pltpu.CompilerParams(needs_layout_passes=False),
        scratch_types=[
            pltpu.VMEM((ept,), jnp.int32),
            pltpu.VMEM((ept,), jnp.float32),
            pltpu.VMEM((ept,), jnp.int32),
            pltpu.VMEM((ept,), jnp.int32),
            pltpu.VMEM((ept,), jnp.int32),
            pltpu.VMEM((1, 16), jnp.float32),
            pltpu.VMEM((2, 16), jnp.int32),
            pltpu.VMEM((16,), jnp.int32),
            pltpu.VMEM_SHARED((M + 16,), jnp.int32),
            pltpu.VMEM_SHARED((NS * ept,), jnp.int32),
        ],
    )


TIER = 32768
EPT2 = TIER // NS


@functools.partial(jax.jit, static_argnames=())
def _dedup(keys3, el23, m3_0, keysf, el2f):
    full_call = _make_round(EPT)
    tier_call = _make_round(EPT2)

    def run_loop(call, ept, keys3_, el23_, m3_, usum, ucnt, amul, stop_at):
        def cond(carry):
            return jnp.sum(carry[2]) > stop_at

        def body(carry):
            m3c, _, _, us, uc, am = carry
            amul_vec = jnp.full((16,), am, jnp.int32)
            m3n, ds_, dc, av, lst = call(keys3_, el23_, m3c, amul_vec)
            return (m3n, lst, av, us + jnp.sum(ds_), uc + jnp.sum(dc),
                    am * _i32(A_MUL))

        init = (m3_, jnp.zeros((NC, NS, ept), jnp.int32),
                jnp.full((NC * NS, 16), 1 << 16, jnp.int32), usum, ucnt, amul)
        return lax.while_loop(cond, body, init)

    _, lists, av, usum, ucnt, amul = run_loop(
        full_call, EPT, keys3, el23, m3_0,
        jnp.float32(0), jnp.int32(0), _i32(A_INIT), TIER)

    counts = jnp.sum(av, axis=1)
    cum = jnp.cumsum(counts)
    offsets = cum - counts
    total = cum[-1]
    j = jnp.arange(TIER, dtype=jnp.int32)
    tile = jnp.clip(jnp.searchsorted(cum, j, side="right"), 0, NC * NS - 1)
    local = jnp.clip(j - offsets[tile], 0, EPT - 1)
    compact = lists.reshape(NC * NS, EPT)[tile, local]
    keysC = keysf[compact]
    el2C = el2f[compact]
    ownC = (keysC * _i32(A_OWN) < 0).astype(jnp.int32)
    pad = j >= total
    m3t = jnp.stack([
        jnp.where(jnp.logical_or(ownC != 0, pad), 1, 0),
        jnp.where(jnp.logical_or(ownC != 1, pad), 1, 0),
    ]).reshape(NC, NS, EPT2)

    _, _, _, usum, ucnt, _ = run_loop(
        tier_call, EPT2, keysC.reshape(NS, EPT2), el2C.reshape(NS, EPT2), m3t,
        usum, ucnt, amul, 0)
    return usum, ucnt


VP = 51200
ET2 = 18752
NEP2 = 32 * ET2
STRIPE = VP // NS


def _scatter_body(tgt2, vx2, vy2, vz2, vw2, zacc, out,
                  tgtv, vxv, vyv, vzv, vwv, acc0, acc1, acc2, acc3):
    c = lax.axis_index("c")
    s = lax.axis_index("s")
    wid = c * NS + s
    accs = (acc0, acc1, acc2, acc3)
    pltpu.sync_copy(tgt2.at[wid], tgtv)
    pltpu.sync_copy(vx2.at[wid], vxv)
    pltpu.sync_copy(vy2.at[wid], vyv)
    pltpu.sync_copy(vz2.at[wid], vzv)
    pltpu.sync_copy(vw2.at[wid], vwv)
    for k in range(4):
        pltpu.sync_copy(zacc.at[k].at[pl.ds(s * STRIPE, STRIPE)],
                        accs[k].at[pl.ds(s * STRIPE, STRIPE)])
    plsc.subcore_barrier()
    pltpu.sync_copy(vxv, acc0.at[tgtv], add=True)
    pltpu.sync_copy(vyv, acc1.at[tgtv], add=True)
    pltpu.sync_copy(vzv, acc2.at[tgtv], add=True)
    pltpu.sync_copy(vwv, acc3.at[tgtv], add=True)
    plsc.subcore_barrier()
    for k in range(4):
        pltpu.sync_copy(accs[k].at[pl.ds(s * STRIPE, STRIPE)],
                        out.at[c].at[k].at[pl.ds(s * STRIPE, STRIPE)])


@jax.jit
def _scatter_add(tgt2, vx2, vy2, vz2, vw2, zacc):
    mesh = plsc.VectorSubcoreMesh(core_axis_name="c", subcore_axis_name="s")
    return pl.kernel(
        _scatter_body,
        out_type=jax.ShapeDtypeStruct((NC, 4, VP), jnp.float32),
        mesh=mesh,
        compiler_params=pltpu.CompilerParams(needs_layout_passes=False),
        scratch_types=[
            pltpu.VMEM((ET2,), jnp.int32),
            pltpu.VMEM((ET2,), jnp.float32),
            pltpu.VMEM((ET2,), jnp.float32),
            pltpu.VMEM((ET2,), jnp.float32),
            pltpu.VMEM((ET2,), jnp.float32),
            pltpu.VMEM_SHARED((VP,), jnp.float32),
            pltpu.VMEM_SHARED((VP,), jnp.float32),
            pltpu.VMEM_SHARED((VP,), jnp.float32),
            pltpu.VMEM_SHARED((VP,), jnp.float32),
        ],
    )(tgt2, vx2, vy2, vz2, vw2, zacc)


def _final_body(usum_ref, ucnt_ref, lvx_ref, lvy_ref, lvz_ref, nw_ref,
                vx_ref, vy_ref, vz_ref, out_ref):
    edge_sum = jnp.sum(usum_ref[...])
    edge_cnt = jnp.sum(ucnt_ref[...])
    nw = nw_ref[...]
    shp = nw.shape
    idx = (lax.broadcasted_iota(jnp.int32, shp, 0) * shp[1]
           + lax.broadcasted_iota(jnp.int32, shp, 1))
    valid = idx < V
    safe = jnp.where(nw > 0, nw, 1.0)
    inv_w = jnp.where(nw > 0, 1.0 / safe, nw)
    lx = lvx_ref[...] * inv_w - vx_ref[...]
    ly = lvy_ref[...] * inv_w - vy_ref[...]
    lz = lvz_ref[...] * inv_w - vz_ref[...]
    norms = jnp.where(valid, jnp.sqrt(lx * lx + ly * ly + lz * lz), 0.0)
    lap_loss = jnp.sum(norms) / V
    total = 0.1 * lap_loss + 10.0 * (edge_sum / edge_cnt)
    out_ref[...] = jnp.broadcast_to(total, (1, 1))


def _pad2d(x, n):
    return jnp.zeros((n,), x.dtype).at[: x.shape[0]].set(x).reshape(n // _PAD, _PAD)


def kernel(verts, faces):
    f0, f1, f2 = faces[:, 0], faces[:, 1], faces[:, 2]
    fv = verts[faces]
    v0, v1, v2 = fv[:, 0], fv[:, 1], fv[:, 2]
    A2 = jnp.sum((v1 - v2) ** 2, axis=1)
    B2 = jnp.sum((v0 - v2) ** 2, axis=1)
    C2 = jnp.sum((v0 - v1) ** 2, axis=1)

    def ekey(a, b):
        return jnp.minimum(a, b) * 65536 + jnp.maximum(a, b)

    keys = jnp.concatenate([ekey(f0, f1), ekey(f1, f2), ekey(f2, f0)])
    el2c = jnp.concatenate([C2, A2, B2])
    pad_keys = jnp.arange(NPAD, dtype=jnp.int32) * 65536 + 65535
    keysf = jnp.concatenate([keys, pad_keys])
    el2f = jnp.concatenate([el2c, jnp.zeros((NPAD,), jnp.float32)])
    own = (keysf * _i32(A_OWN) < 0).astype(jnp.int32)
    m3_0 = jnp.stack([(own != 0).astype(jnp.int32),
                      (own != 1).astype(jnp.int32)]).reshape(NC, NS, EPT)
    usum, ucnt = _dedup(keysf.reshape(NS, EPT), el2f.reshape(NS, EPT), m3_0,
                        keysf, el2f)
    usum = usum.reshape(1, 1)
    ucntf = (ucnt - NPAD).astype(jnp.float32).reshape(1, 1)

    s2 = 0.5 * (A2 + B2 + C2)
    area = jnp.sqrt(jnp.clip(0.25 * (s2 * s2 - 0.5 * (A2 * A2 + B2 * B2 + C2 * C2)), 1e-12, None))
    cota = (B2 + C2 - A2) / area
    cotb = (A2 + C2 - B2) / area
    cotc = (A2 + B2 - C2) / area
    cot = jnp.stack([cota, cotb, cotc], axis=1) / 4.0
    ii = faces[:, jnp.array([1, 2, 0])].reshape(-1)
    jj = faces[:, jnp.array([2, 0, 1])].reshape(-1)
    w = cot.reshape(-1)
    tgt = jnp.concatenate([ii, jj, jnp.full((64,), V, jnp.int32)])
    z64 = jnp.zeros((64,), jnp.float32)
    wvj = w[:, None] * verts[jj]
    wvi = w[:, None] * verts[ii]
    vx = jnp.concatenate([wvj[:, 0], wvi[:, 0], z64]).reshape(NC * NS, ET2)
    vy = jnp.concatenate([wvj[:, 1], wvi[:, 1], z64]).reshape(NC * NS, ET2)
    vz = jnp.concatenate([wvj[:, 2], wvi[:, 2], z64]).reshape(NC * NS, ET2)
    vw = jnp.concatenate([w, w, z64]).reshape(NC * NS, ET2)
    acc2 = _scatter_add(tgt.reshape(NC * NS, ET2), vx, vy, vz, vw,
                        jnp.zeros((4, VP), jnp.float32))
    acc = acc2[0] + acc2[1]

    n_v = VP
    args = [usum, ucntf,
            acc[0].reshape(n_v // _PAD, _PAD),
            acc[1].reshape(n_v // _PAD, _PAD),
            acc[2].reshape(n_v // _PAD, _PAD),
            acc[3].reshape(n_v // _PAD, _PAD),
            _pad2d(verts[:, 0], n_v), _pad2d(verts[:, 1], n_v), _pad2d(verts[:, 2], n_v)]
    out = pl.pallas_call(
        _final_body,
        out_shape=jax.ShapeDtypeStruct((1, 1), jnp.float32),
    )(*args)
    return out[0, 0]

# --- scband reference (transcript-rebuilt; emitter-appended) ---
"""Pipeline reference for scband-mesh-smoothness-loss-21483426415145 (READ-ONLY COPY).

The authoritative reference and input builder live on the scoring server;
editing this copy changes nothing except your own understanding.
"""

import jax, jax.numpy as jnp
import numpy as np

V = 50000
NF = 100000


def setup_inputs(seed: int = 0) -> dict:
    key = jax.random.key(seed)
    k1, k2, k3, k4 = jax.random.split(key, 4)
    verts = jax.random.normal(k1, (V, 3), dtype=jnp.float32)
    # Build faces with three distinct vertex indices per face (valid, non-degenerate
    # triangles), matching what pytorch3d Meshes expects.
    base = jax.random.randint(k2, (NF,), 0, V)
    d1 = jax.random.randint(k3, (NF,), 1, V // 2)
    d2 = jax.random.randint(k4, (NF,), V // 2, V - 1)
    faces = jnp.stack([base, (base + d1) % V, (base + d2) % V], axis=1)
    return {"verts": verts, "faces": faces}


def _unique_edges(faces):
    # pytorch3d Meshes.edges_packed(): unique undirected edges from faces.
    # Fixed-shape formulation: lexicographically sort all candidate edges and
    # mask first occurrences so duplicates can be excluded downstream.
    e = jnp.concatenate([faces[:, [0, 1]], faces[:, [1, 2]], faces[:, [2, 0]]], axis=0)
    e = jnp.sort(e, axis=1)
    order = jnp.lexsort((e[:, 1], e[:, 0]))
    e = e[order]
    same_as_prev = jnp.all(e[1:] == e[:-1], axis=1)
    mask = jnp.concatenate([jnp.array([True]), ~same_as_prev])
    return e, mask


def _mesh_edge_loss(verts, edges, mask):
    # pytorch3d.loss.mesh_edge_loss with target_length=0, single mesh in batch
    v0 = verts[edges[:, 0]]
    v1 = verts[edges[:, 1]]
    el = jnp.linalg.norm(v0 - v1, axis=1)
    el2 = jnp.where(mask, el ** 2, 0.0)
    count = jnp.sum(mask.astype(el.dtype))
    return jnp.sum(el2) / count


def _mesh_laplacian_cot(verts, faces):
    # pytorch3d.loss.mesh_laplacian_smoothing(method='cot'), single mesh
    Vn = verts.shape[0]
    fv = verts[faces]
    v0, v1, v2 = fv[:, 0], fv[:, 1], fv[:, 2]
    A = jnp.linalg.norm(v1 - v2, axis=1)
    B = jnp.linalg.norm(v0 - v2, axis=1)
    C = jnp.linalg.norm(v0 - v1, axis=1)
    s = 0.5 * (A + B + C)
    area = jnp.sqrt(jnp.clip(s * (s - A) * (s - B) * (s - C), 1e-12, None))
    A2, B2, C2 = A * A, B * B, C * C
    cota = (B2 + C2 - A2) / area
    cotb = (A2 + C2 - B2) / area
    cotc = (A2 + B2 - C2) / area
    cot = jnp.stack([cota, cotb, cotc], axis=1) / 4.0
    ii = faces[:, jnp.array([1, 2, 0])].reshape(-1)
    jj = faces[:, jnp.array([2, 0, 1])].reshape(-1)
    w = cot.reshape(-1)
    # sparse L (symmetric) applied to verts via scatter-add
    Lv = jnp.zeros((Vn, 3), dtype=verts.dtype)
    Lv = Lv.at[ii].add(w[:, None] * verts[jj])
    Lv = Lv.at[jj].add(w[:, None] * verts[ii])
    norm_w = jnp.zeros((Vn,), dtype=verts.dtype)
    norm_w = norm_w.at[ii].add(w)
    norm_w = norm_w.at[jj].add(w)
    safe = jnp.where(norm_w > 0, norm_w, 1.0)
    inv_w = jnp.where(norm_w > 0, 1.0 / safe, norm_w)
    lap = Lv * inv_w[:, None] - verts
    return jnp.mean(jnp.linalg.norm(lap, axis=1))


def reference(verts, faces):
    edges, mask = _unique_edges(faces)
    loss_edge = _mesh_edge_loss(verts, edges, mask)
    loss_laplacian = _mesh_laplacian_cot(verts, faces)
    return 0.1 * loss_laplacian + 10.0 * loss_edge

if __name__ == "__main__":
    import jax
    _d = setup_inputs()
    print(jax.jit(kernel)(*tuple(_d.values())))

</pallas_src>

<mosaic_0001>
#map = affine_map<(d0, d1) -> (0, 0)>
#map1 = affine_map<(d0, d1) -> (0, 0, 0)>
#map2 = affine_map<(d0, d1) -> (0)>
module attributes {stable_mosaic.version = 14 : i64} {
  func.func @body(%arg0: i32, %arg1: i32, %arg2: memref<16x18816xi32, #tpu.memory_space<hbm>>, %arg3: memref<16x18816xf32, #tpu.memory_space<hbm>>, %arg4: memref<2x16x18816xi32, #tpu.memory_space<hbm>>, %arg5: memref<16xi32, #tpu.memory_space<hbm>>, %arg6: memref<2x16x18816xi32, #tpu.memory_space<hbm>>, %arg7: memref<32x16xf32, #tpu.memory_space<hbm>>, %arg8: memref<32x16xi32, #tpu.memory_space<hbm>>, %arg9: memref<32x16xi32, #tpu.memory_space<hbm>>, %arg10: memref<2x16x18816xi32, #tpu.memory_space<hbm>>, %arg11: memref<18816xi32, #tpu.memory_space<vmem>>, %arg12: memref<18816xf32, #tpu.memory_space<vmem>>, %arg13: memref<18816xi32, #tpu.memory_space<vmem>>, %arg14: memref<18816xi32, #tpu.memory_space<vmem>>, %arg15: memref<18816xi32, #tpu.memory_space<vmem>>, %arg16: memref<1x16xf32, #tpu.memory_space<vmem>>, %arg17: memref<2x16xi32, #tpu.memory_space<vmem>>, %arg18: memref<16xi32, #tpu.memory_space<vmem>>, %arg19: memref<262160xi32, #tpu.memory_space<vmem_shared>>, %arg20: memref<301056xi32, #tpu.memory_space<vmem_shared>>) attributes {dimension_semantics = [#tpu.dimension_semantics<core_parallel>, #tpu.dimension_semantics<subcore_parallel>], iteration_bounds = array<i64: 2, 16>, scalar_prefetch = 0 : i64, scratch_operands = 10 : i64, tpu.core_type = #tpu.core_type<sc_vector_subcore>, window_params = [{transform_indices = #map}, {transform_indices = #map}, {transform_indices = #map1}, {transform_indices = #map2}, {transform_indices = #map1}, {transform_indices = #map}, {transform_indices = #map}, {transform_indices = #map}, {transform_indices = #map1}]} {
    %mul3A = arith.constant 16 : i32
    %mul3A_0 = arith.muli %arg0, %mul3A : i32
    %add3A = arith.addi %mul3A_0, %arg1 : i32
    %mul3A_1 = arith.constant 18816 : i32
    %mul3A_2 = arith.muli %arg1, %mul3A_1 : i32
    %iota3A = tpu.iota {dimensions = array<i32: 0>} : vector<16xi32>
    "tpu.region"() ({
      %run_scoped3A_45 = tpu.sem_alloc : memref<!tpu.dma_semaphore, #tpu.memory_space<semaphore_mem>>
      %dma_start3A = arith.constant 0 : i32
      %dma_start3A_46 = tpu.memref_slice %arg2[%arg1, %dma_start3A] : memref<16x18816xi32, #tpu.memory_space<hbm>> -> memref<1x18816xi32, #tpu.memory_space<hbm>>
      %dma_start3A_47 = tpu.memref_squeeze %dma_start3A_46 : memref<1x18816xi32, #tpu.memory_space<hbm>> -> memref<18816xi32, #tpu.memory_space<hbm>>
      %dma_start3A_48 = arith.constant 0 : i32
      %dma_start3A_49 = tpu.memref_slice %arg2[%arg1, %dma_start3A_48] : memref<16x18816xi32, #tpu.memory_space<hbm>> -> memref<1x18816xi32, #tpu.memory_space<hbm>>
      %dma_start3A_50 = tpu.memref_squeeze %dma_start3A_49 : memref<1x18816xi32, #tpu.memory_space<hbm>> -> memref<18816xi32, #tpu.memory_space<hbm>>
      tpu.enqueue_dma source(%dma_start3A_50 : memref<18816xi32, #tpu.memory_space<hbm>>) target(%arg11 : memref<18816xi32, #tpu.memory_space<vmem>>) target_semaphore(%run_scoped3A_45 : memref<!tpu.dma_semaphore, #tpu.memory_space<semaphore_mem>>)
      %dma_wait3A = arith.constant 0 : i32
      %dma_wait3A_51 = tpu.memref_slice %arg2[%arg1, %dma_wait3A] : memref<16x18816xi32, #tpu.memory_space<hbm>> -> memref<1x18816xi32, #tpu.memory_space<hbm>>
      %dma_wait3A_52 = tpu.memref_squeeze %dma_wait3A_51 : memref<1x18816xi32, #tpu.memory_space<hbm>> -> memref<18816xi32, #tpu.memory_space<hbm>>
      %dma_wait3A_53 = arith.constant 0 : i32
      %dma_wait3A_54 = tpu.memref_slice %arg2[%arg1, %dma_wait3A_53] : memref<16x18816xi32, #tpu.memory_space<hbm>> -> memref<1x18816xi32, #tpu.memory_space<hbm>>
      %dma_wait3A_55 = tpu.memref_squeeze %dma_wait3A_54 : memref<1x18816xi32, #tpu.memory_space<hbm>> -> memref<18816xi32, #tpu.memory_space<hbm>>
      tpu.wait_dma2 semaphore(%run_scoped3A_45 : memref<!tpu.dma_semaphore, #tpu.memory_space<semaphore_mem>>) src(%dma_wait3A_55 : memref<18816xi32, #tpu.memory_space<hbm>>) dst(%arg11 : memref<18816xi32, #tpu.memory_space<vmem>>)
      tpu.yield
    }) : () -> ()
    "tpu.region"() ({
      %run_scoped3A_45 = tpu.sem_alloc : memref<!tpu.dma_semaphore, #tpu.memory_space<semaphore_mem>>
      %dma_start3A = arith.constant 0 : i32
      %dma_start3A_46 = tpu.memref_slice %arg3[%arg1, %dma_start3A] : memref<16x18816xf32, #tpu.memory_space<hbm>> -> memref<1x18816xf32, #tpu.memory_space<hbm>>
      %dma_start3A_47 = tpu.memref_squeeze %dma_start3A_46 : memref<1x18816xf32, #tpu.memory_space<hbm>> -> memref<18816xf32, #tpu.memory_space<hbm>>
      %dma_start3A_48 = arith.constant 0 : i32
      %dma_start3A_49 = tpu.memref_slice %arg3[%arg1, %dma_start3A_48] : memref<16x18816xf32, #tpu.memory_space<hbm>> -> memref<1x18816xf32, #tpu.memory_space<hbm>>
      %dma_start3A_50 = tpu.memref_squeeze %dma_start3A_49 : memref<1x18816xf32, #tpu.memory_space<hbm>> -> memref<18816xf32, #tpu.memory_space<hbm>>
      tpu.enqueue_dma source(%dma_start3A_50 : memref<18816xf32, #tpu.memory_space<hbm>>) target(%arg12 : memref<18816xf32, #tpu.memory_space<vmem>>) target_semaphore(%run_scoped3A_45 : memref<!tpu.dma_semaphore, #tpu.memory_space<semaphore_mem>>)
      %dma_wait3A = arith.constant 0 : i32
      %dma_wait3A_51 = tpu.memref_slice %arg3[%arg1, %dma_wait3A] : memref<16x18816xf32, #tpu.memory_space<hbm>> -> memref<1x18816xf32, #tpu.memory_space<hbm>>
      %dma_wait3A_52 = tpu.memref_squeeze %dma_wait3A_51 : memref<1x18816xf32, #tpu.memory_space<hbm>> -> memref<18816xf32, #tpu.memory_space<hbm>>
      %dma_wait3A_53 = arith.constant 0 : i32
      %dma_wait3A_54 = tpu.memref_slice %arg3[%arg1, %dma_wait3A_53] : memref<16x18816xf32, #tpu.memory_space<hbm>> -> memref<1x18816xf32, #tpu.memory_space<hbm>>
      %dma_wait3A_55 = tpu.memref_squeeze %dma_wait3A_54 : memref<1x18816xf32, #tpu.memory_space<hbm>> -> memref<18816xf32, #tpu.memory_space<hbm>>
      tpu.wait_dma2 semaphore(%run_scoped3A_45 : memref<!tpu.dma_semaphore, #tpu.memory_space<semaphore_mem>>) src(%dma_wait3A_55 : memref<18816xf32, #tpu.memory_space<hbm>>) dst(%arg12 : memref<18816xf32, #tpu.memory_space<vmem>>)
      tpu.yield
    }) : () -> ()
    "tpu.region"() ({
      %run_scoped3A_45 = tpu.sem_alloc : memref<!tpu.dma_semaphore, #tpu.memory_space<semaphore_mem>>
      %dma_start3A = arith.constant 0 : i32
      %dma_start3A_46 = arith.constant 0 : i32
      %dma_start3A_47 = tpu.memref_slice %arg4[%arg0, %dma_start3A, %dma_start3A_46] : memref<2x16x18816xi32, #tpu.memory_space<hbm>> -> memref<1x16x18816xi32, #tpu.memory_space<hbm>>
      %dma_start3A_48 = tpu.memref_squeeze %dma_start3A_47 : memref<1x16x18816xi32, #tpu.memory_space<hbm>> -> memref<16x18816xi32, #tpu.memory_space<hbm>>
      %dma_start3A_49 = arith.constant 0 : i32
      %dma_start3A_50 = tpu.memref_slice %dma_start3A_48[%arg1, %dma_start3A_49] : memref<16x18816xi32, #tpu.memory_space<hbm>> -> memref<1x18816xi32, #tpu.memory_space<hbm>>
      %dma_start3A_51 = tpu.memref_squeeze %dma_start3A_50 : memref<1x18816xi32, #tpu.memory_space<hbm>> -> memref<18816xi32, #tpu.memory_space<hbm>>
      %dma_start3A_52 = arith.constant 0 : i32
      %dma_start3A_53 = arith.constant 0 : i32
      %dma_start3A_54 = tpu.memref_slice %arg4[%arg0, %dma_start3A_52, %dma_start3A_53] : memref<2x16x18816xi32, #tpu.memory_space<hbm>> -> memref<1x16x18816xi32, #tpu.memory_space<hbm>>
      %dma_start3A_55 = tpu.memref_squeeze %dma_start3A_54 : memref<1x16x18816xi32, #tpu.memory_space<hbm>> -> memref<16x18816xi32, #tpu.memory_space<hbm>>
      %dma_start3A_56 = arith.constant 0 : i32
      %dma_start3A_57 = tpu.memref_slice %dma_start3A_55[%arg1, %dma_start3A_56] : memref<16x18816xi32, #tpu.memory_space<hbm>> -> memref<1x18816xi32, #tpu.memory_space<hbm>>
      %dma_start3A_58 = tpu.memref_squeeze %dma_start3A_57 : memref<1x18816xi32, #tpu.memory_space<hbm>> -> memref<18816xi32, #tpu.memory_space<hbm>>
      tpu.enqueue_dma source(%dma_start3A_58 : memref<18816xi32, #tpu.memory_space<hbm>>) target(%arg13 : memref<18816xi32, #tpu.memory_space<vmem>>) target_semaphore(%run_scoped3A_45 : memref<!tpu.dma_semaphore, #tpu.memory_space<semaphore_mem>>)
      %dma_wait3A = arith.constant 0 : i32
      %dma_wait3A_59 = arith.constant 0 : i32
      %dma_wait3A_60 = tpu.memref_slice %arg4[%arg0, %dma_wait3A, %dma_wait3A_59] : memref<2x16x18816xi32, #tpu.memory_space<hbm>> -> memref<1x16x18816xi32, #tpu.memory_space<hbm>>
      %dma_wait3A_61 = tpu.memref_squeeze %dma_wait3A_60 : memref<1x16x18816xi32, #tpu.memory_space<hbm>> -> memref<16x18816xi32, #tpu.memory_space<hbm>>
      %dma_wait3A_62 = arith.constant 0 : i32
      %dma_wait3A_63 = tpu.memref_slice %dma_wait3A_61[%arg1, %dma_wait3A_62] : memref<16x18816xi32, #tpu.memory_space<hbm>> -> memref<1x18816xi32, #tpu.memory_space<hbm>>
      %dma_wait3A_64 = tpu.memref_squeeze %dma_wait3A_63 : memref<1x18816xi32, #tpu.memory_space<hbm>> -> memref<18816xi32, #tpu.memory_space<hbm>>
      %dma_wait3A_65 = arith.constant 0 : i32
      %dma_wait3A_66 = arith.constant 0 : i32
      %dma_wait3A_67 = tpu.memref_slice %arg4[%arg0, %dma_wait3A_65, %dma_wait3A_66] : memref<2x16x18816xi32, #tpu.memory_space<hbm>> -> memref<1x16x18816xi32, #tpu.memory_space<hbm>>
      %dma_wait3A_68 = tpu.memref_squeeze %dma_wait3A_67 : memref<1x16x18816xi32, #tpu.memory_space<hbm>> -> memref<16x18816xi32, #tpu.memory_space<hbm>>
      %dma_wait3A_69 = arith.constant 0 : i32
      %dma_wait3A_70 = tpu.memref_slice %dma_wait3A_68[%arg1, %dma_wait3A_69] : memref<16x18816xi32, #tpu.memory_space<hbm>> -> memref<1x18816xi32, #tpu.memory_space<hbm>>
      %dma_wait3A_71 = tpu.memref_squeeze %dma_wait3A_70 : memref<1x18816xi32, #tpu.memory_space<hbm>> -> memref<18816xi32, #tpu.memory_space<hbm>>
      tpu.wait_dma2 semaphore(%run_scoped3A_45 : memref<!tpu.dma_semaphore, #tpu.memory_space<semaphore_mem>>) src(%dma_wait3A_71 : memref<18816xi32, #tpu.memory_space<hbm>>) dst(%arg13 : memref<18816xi32, #tpu.memory_space<vmem>>)
      tpu.yield
    }) : () -> ()
    "tpu.region"() ({
      %run_scoped3A_45 = tpu.sem_alloc : memref<!tpu.dma_semaphore, #tpu.memory_space<semaphore_mem>>
      tpu.enqueue_dma source(%arg5 : memref<16xi32, #tpu.memory_space<hbm>>) target(%arg18 : memref<16xi32, #tpu.memory_space<vmem>>) target_semaphore(%run_scoped3A_45 : memref<!tpu.dma_semaphore, #tpu.memory_space<semaphore_mem>>)
      tpu.wait_dma2 semaphore(%run_scoped3A_45 : memref<!tpu.dma_semaphore, #tpu.memory_space<semaphore_mem>>) src(%arg5 : memref<16xi32, #tpu.memory_space<hbm>>) dst(%arg18 : memref<16xi32, #tpu.memory_space<vmem>>)
      tpu.yield
    }) : () -> ()
    "tpu.region"() ({
      %run_scoped3A_45 = tpu.sem_alloc : memref<!tpu.dma_semaphore, #tpu.memory_space<semaphore_mem>>
      %dma_start3A = tpu.memref_slice %arg20[%mul3A_2] : memref<301056xi32, #tpu.memory_space<vmem_shared>> -> memref<18816xi32, #tpu.memory_space<vmem_shared>>
      %dma_start3A_46 = tpu.memref_slice %arg20[%mul3A_2] : memref<301056xi32, #tpu.memory_space<vmem_shared>> -> memref<18816xi32, #tpu.memory_space<vmem_shared>>
      tpu.enqueue_dma source(%arg11 : memref<18816xi32, #tpu.memory_space<vmem>>) target(%dma_start3A_46 : memref<18816xi32, #tpu.memory_space<vmem_shared>>) target_semaphore(%run_scoped3A_45 : memref<!tpu.dma_semaphore, #tpu.memory_space<semaphore_mem>>)
      %dma_wait3A = tpu.memref_slice %arg20[%mul3A_2] : memref<301056xi32, #tpu.memory_space<vmem_shared>> -> memref<18816xi32, #tpu.memory_space<vmem_shared>>
      %dma_wait3A_47 = tpu.memref_slice %arg20[%mul3A_2] : memref<301056xi32, #tpu.memory_space<vmem_shared>> -> memref<18816xi32, #tpu.memory_space<vmem_shared>>
      tpu.wait_dma2 semaphore(%run_scoped3A_45 : memref<!tpu.dma_semaphore, #tpu.memory_space<semaphore_mem>>) src(%arg11 : memref<18816xi32, #tpu.memory_space<vmem>>) dst(%dma_wait3A_47 : memref<18816xi32, #tpu.memory_space<vmem_shared>>)
      tpu.yield
    }) : () -> ()
    %get3A = arith.constant 0 : index
    %get3A_3 = tpu.vector_load %arg18[%get3A] {strides = array<i32>} : memref<16xi32, #tpu.memory_space<vmem>>, vector<16xi32>,
    %scan3A = arith.constant 0 : i32
    %scan3A_4 = arith.constant 0 : i32
    %scan3A_5 = arith.constant 1176 : i32
    %scan3A_6 = arith.addi %scan3A_4, %scan3A_5 : i32
    %scan3A_7 = arith.constant 1 : i32
    %scan3A_8 = scf.for %scan3A_45 = %scan3A_4 to %scan3A_6 step %scan3A_7 iter_args(%scan3A_46 = %scan3A) -> (i32)  : i32 {
      %mul3A_47 = arith.constant 16 : i32
      %mul3A_48 = arith.muli %scan3A_45, %mul3A_47 : i32
      %get3A_49 = arith.index_cast %mul3A_48 : i32 to index
      %get3A_50 = tpu.vector_load %arg11[%get3A_49] {strides = array<i32>} : memref<18816xi32, #tpu.memory_space<vmem>>, vector<16xi32>,
      %mul3A_51 = arith.constant 16 : i32
      %mul3A_52 = arith.muli %scan3A_45, %mul3A_51 : i32
      %get3A_53 = arith.index_cast %mul3A_52 : i32 to index
      %get3A_54 = tpu.vector_load %arg13[%get3A_53] {strides = array<i32>} : memref<18816xi32, #tpu.memory_space<vmem>>, vector<16xi32>,
      %mul3A_55 = arith.muli %get3A_50, %get3A_3 : vector<16xi32>
      %broadcast_in_dim3A_56 = arith.constant 14 : i32
      %broadcast_in_dim3A_57 = vector.broadcast %broadcast_in_dim3A_56 : i32 to vector<16xi32>
      %shift_right_logical3A = arith.shrui %mul3A_55, %broadcast_in_dim3A_57 : vector<16xi32>
      %eq3A = arith.constant 0 : i32
      %eq3A_58 = vector.broadcast %eq3A : i32 to vector<16xi32>
      %eq3A_59 = arith.cmpi eq, %get3A_54, %eq3A_58 : vector<16xi32>
      %jit3A = arith.constant 262144 : i32
      %broadcast_in_dim3A_60 = vector.broadcast %jit3A : i32 to vector<16xi32>
      %select_n3A = arith.select %eq3A_59, %shift_right_logical3A, %broadcast_in_dim3A_60 : vector<16xi1>, vector<16xi32>
      %mul3A_61 = arith.constant 16 : i32
      %mul3A_62 = arith.muli %scan3A_45, %mul3A_61 : i32
      %swap3A_63 = arith.index_cast %mul3A_62 : i32 to index
      %swap3A_64 = tpu.vector_load %arg14[%swap3A_63] {strides = array<i32>} : memref<18816xi32, #tpu.memory_space<vmem>>, vector<16xi32>,
      tpu.vector_store %arg14[%swap3A_63], %select_n3A {strides = array<i32>} : memref<18816xi32, #tpu.memory_space<vmem>>, vector<16xi32>,
      %mul3A_65 = arith.constant 16 : i32
      %mul3A_66 = arith.muli %scan3A_45, %mul3A_65 : i32
      %add3A_67 = arith.addi %mul3A_2, %mul3A_66 : i32
      %add3A_68 = vector.broadcast %add3A_67 : i32 to vector<16xi32>
      %add3A_69 = arith.addi %add3A_68, %iota3A : vector<16xi32>
      %mul3A_70 = arith.constant 16 : i32
      %mul3A_71 = arith.muli %scan3A_45, %mul3A_70 : i32
      %swap3A_72 = arith.index_cast %mul3A_71 : i32 to index
      %swap3A_73 = tpu.vector_load %arg15[%swap3A_72] {strides = array<i32>} : memref<18816xi32, #tpu.memory_space<vmem>>, vector<16xi32>,
      tpu.vector_store %arg15[%swap3A_72], %add3A_69 {strides = array<i32>} : memref<18816xi32, #tpu.memory_space<vmem>>, vector<16xi32>,
      %scan3A_74 = arith.constant 0 : i32
      scf.yield %scan3A_74 : i32
    }
    %scan3A_9 = arith.constant 1176 : i32
    "tpu.region"() ({
      %run_scoped3A_45 = tpu.sem_alloc : memref<!tpu.dma_semaphore, #tpu.memory_space<semaphore_mem>>
      %dma_start3A = arith.constant 0 : i32
      %dma_start3A_46 = tpu.memref_slice %arg19[%dma_start3A] : memref<262160xi32, #tpu.memory_space<vmem_shared>> -> memref<262160xi32, #tpu.memory_space<vmem_shared>>
      tpu.enqueue_indirect_dma source(%arg15 : memref<18816xi32, #tpu.memory_space<vmem>>) target(%dma_start3A_46 : memref<262160xi32, #tpu.memory_space<vmem_shared>>) offsets(%arg14 : memref<18816xi32, #tpu.memory_space<vmem>>) semaphore(%run_scoped3A_45 : memref<!tpu.dma_semaphore, #tpu.memory_space<semaphore_mem>>)
      %dma_wait3A = arith.constant 0 : i32
      %dma_wait3A_47 = tpu.memref_slice %arg19[%dma_wait3A] : memref<262160xi32, #tpu.memory_space<vmem_shared>> -> memref<262160xi32, #tpu.memory_space<vmem_shared>>
      tpu.wait_indirect_dma semaphore(%run_scoped3A_45 : memref<!tpu.dma_semaphore, #tpu.memory_space<semaphore_mem>>) src(%arg15 : memref<18816xi32, #tpu.memory_space<vmem>>) dst(%dma_wait3A_47 : memref<262160xi32, #tpu.memory_space<vmem_shared>>)
      tpu.yield
    }) : () -> ()
    %barrier3A = arith.constant 0 : index
    tpu.barrier barrier_id(%barrier3A)
    "tpu.region"() ({
      %run_scoped3A_45 = tpu.sem_alloc : memref<!tpu.dma_semaphore, #tpu.memory_space<semaphore_mem>>
      %dma_start3A = arith.constant 0 : i32
      %dma_start3A_46 = tpu.memref_slice %arg19[%dma_start3A] : memref<262160xi32, #tpu.memory_space<vmem_shared>> -> memref<262160xi32, #tpu.memory_space<vmem_shared>>
      tpu.enqueue_indirect_dma source(%dma_start3A_46 : memref<262160xi32, #tpu.memory_space<vmem_shared>>) target(%arg15 : memref<18816xi32, #tpu.memory_space<vmem>>) offsets(%arg14 : memref<18816xi32, #tpu.memory_space<vmem>>) semaphore(%run_scoped3A_45 : memref<!tpu.dma_semaphore, #tpu.memory_space<semaphore_mem>>)
      %dma_wait3A = arith.constant 0 : i32
      %dma_wait3A_47 = tpu.memref_slice %arg19[%dma_wait3A] : memref<262160xi32, #tpu.memory_space<vmem_shared>> -> memref<262160xi32, #tpu.memory_space<vmem_shared>>
      tpu.wait_indirect_dma semaphore(%run_scoped3A_45 : memref<!tpu.dma_semaphore, #tpu.memory_space<semaphore_mem>>) src(%dma_wait3A_47 : memref<262160xi32, #tpu.memory_space<vmem_shared>>) dst(%arg15 : memref<18816xi32, #tpu.memory_space<vmem>>)
      tpu.yield
    }) : () -> ()
    %scan3A_10 = arith.constant 0 : i32
    %scan3A_11 = arith.constant 0 : i32
    %scan3A_12 = arith.constant 1176 : i32
    %scan3A_13 = arith.addi %scan3A_11, %scan3A_12 : i32
    %scan3A_14 = arith.constant 1 : i32
    %scan3A_15 = scf.for %scan3A_45 = %scan3A_11 to %scan3A_13 step %scan3A_14 iter_args(%scan3A_46 = %scan3A_10) -> (i32)  : i32 {
      %mul3A_47 = arith.constant 16 : i32
      %mul3A_48 = arith.muli %scan3A_45, %mul3A_47 : i32
      %get3A_49 = arith.index_cast %mul3A_48 : i32 to index
      %get3A_50 = tpu.vector_load %arg15[%get3A_49] {strides = array<i32>} : memref<18816xi32, #tpu.memory_space<vmem>>, vector<16xi32>,
      %get3A_51 = arith.index_cast %mul3A_48 : i32 to index
      %get3A_52 = tpu.vector_load %arg13[%get3A_51] {strides = array<i32>} : memref<18816xi32, #tpu.memory_space<vmem>>, vector<16xi32>,
      %mul3A_53 = arith.constant 16 : i32
      %mul3A_54 = arith.muli %scan3A_45, %mul3A_53 : i32
      %add3A_55 = arith.addi %mul3A_2, %mul3A_54 : i32
      %add3A_56 = vector.broadcast %add3A_55 : i32 to vector<16xi32>
      %add3A_57 = arith.addi %add3A_56, %iota3A : vector<16xi32>
      %eq3A = arith.constant 0 : i32
      %eq3A_58 = vector.broadcast %eq3A : i32 to vector<16xi32>
      %eq3A_59 = arith.cmpi eq, %get3A_52, %eq3A_58 : vector<16xi32>
      %eq3A_60 = arith.cmpi eq, %get3A_50, %add3A_57 : vector<16xi32>
      %and3A = arith.andi %eq3A_59, %eq3A_60 : vector<16xi1>
      %jit3A = arith.constant 2 : i32
      %broadcast_in_dim3A_61 = vector.broadcast %jit3A : i32 to vector<16xi32>
      %select_n3A = arith.select %and3A, %broadcast_in_dim3A_61, %get3A_52 : vector<16xi1>, vector<16xi32>
      %swap3A_62 = arith.index_cast %mul3A_48 : i32 to index
      %swap3A_63 = tpu.vector_load %arg13[%swap3A_62] {strides = array<i32>} : memref<18816xi32, #tpu.memory_space<vmem>>, vector<16xi32>,
      tpu.vector_store %arg13[%swap3A_62], %select_n3A {strides = array<i32>} : memref<18816xi32, #tpu.memory_space<vmem>>, vector<16xi32>,
      %ne3A = arith.cmpi ne, %get3A_50, %add3A_57 : vector<16xi32>
      %and3A_64 = arith.andi %eq3A_59, %ne3A : vector<16xi1>
      %jit3A_65 = arith.constant 0 : i32
      %broadcast_in_dim3A_66 = vector.broadcast %jit3A_65 : i32 to vector<16xi32>
      %select_n3A_67 = arith.select %and3A_64, %get3A_50, %broadcast_in_dim3A_66 : vector<16xi1>, vector<16xi32>
      %swap3A_68 = arith.index_cast %mul3A_48 : i32 to index
      %swap3A_69 = tpu.vector_load %arg14[%swap3A_68] {strides = array<i32>} : memref<18816xi32, #tpu.memory_space<vmem>>, vector<16xi32>,
      tpu.vector_store %arg14[%swap3A_68], %select_n3A_67 {strides = array<i32>} : memref<18816xi32, #tpu.memory_space<vmem>>, vector<16xi32>,
      %scan3A_70 = arith.constant 0 : i32
      scf.yield %scan3A_70 : i32
    }
    %scan3A_16 = arith.constant 1176 : i32
    "tpu.region"() ({
      %run_scoped3A_45 = tpu.sem_alloc : memref<!tpu.dma_semaphore, #tpu.memory_space<semaphore_mem>>
      %dma_start3A = arith.constant 0 : i32
      %dma_start3A_46 = tpu.memref_slice %arg20[%dma_start3A] : memref<301056xi32, #tpu.memory_space<vmem_shared>> -> memref<301056xi32, #tpu.memory_space<vmem_shared>>
      tpu.enqueue_indirect_dma source(%dma_start3A_46 : memref<301056xi32, #tpu.memory_space<vmem_shared>>) target(%arg15 : memref<18816xi32, #tpu.memory_space<vmem>>) offsets(%arg14 : memref<18816xi32, #tpu.memory_space<vmem>>) semaphore(%run_scoped3A_45 : memref<!tpu.dma_semaphore, #tpu.memory_space<semaphore_mem>>)
      %dma_wait3A = arith.constant 0 : i32
      %dma_wait3A_47 = tpu.memref_slice %arg20[%dma_wait3A] : memref<301056xi32, #tpu.memory_space<vmem_shared>> -> memref<301056xi32, #tpu.memory_space<vmem_shared>>
      tpu.wait_indirect_dma semaphore(%run_scoped3A_45 : memref<!tpu.dma_semaphore, #tpu.memory_space<semaphore_mem>>) src(%dma_wait3A_47 : memref<301056xi32, #tpu.memory_space<vmem_shared>>) dst(%arg15 : memref<18816xi32, #tpu.memory_space<vmem>>)
      tpu.yield
    }) : () -> ()
    %broadcast_in_dim3A = arith.constant 0.000000e+00 : f32
    %broadcast_in_dim3A_17 = vector.broadcast %broadcast_in_dim3A : f32 to vector<16xf32>
    %broadcast_in_dim3A_18 = arith.constant 0 : i32
    %broadcast_in_dim3A_19 = vector.broadcast %broadcast_in_dim3A_18 : i32 to vector<16xi32>
    %broadcast_in_dim3A_20 = arith.constant 0 : i32
    %broadcast_in_dim3A_21 = vector.broadcast %broadcast_in_dim3A_20 : i32 to vector<16xi32>
    %broadcast_in_dim3A_22 = arith.constant 0 : i32
    %broadcast_in_dim3A_23 = vector.broadcast %broadcast_in_dim3A_22 : i32 to vector<16xi32>
    %broadcast_in_dim3A_24 = arith.constant 0 : i32
    %broadcast_in_dim3A_25 = vector.broadcast %broadcast_in_dim3A_24 : i32 to vector<16xi32>
    %scan3A_26 = arith.constant 0 : i32
    %scan3A_27 = arith.constant 1176 : i32
    %scan3A_28 = arith.addi %scan3A_26, %scan3A_27 : i32
    %scan3A_29 = arith.constant 1 : i32
    %scan3A_30:5 = scf.for %scan3A_45 = %scan3A_26 to %scan3A_28 step %scan3A_29 iter_args(%scan3A_46 = %broadcast_in_dim3A_17, %scan3A_47 = %broadcast_in_dim3A_19, %scan3A_48 = %broadcast_in_dim3A_21, %scan3A_49 = %broadcast_in_dim3A_23, %scan3A_50 = %broadcast_in_dim3A_25) -> (vector<16xf32>, vector<16xi32>, vector<16xi32>, vector<16xi32>, vector<16xi32>)  : i32 {
      %mul3A_51 = arith.constant 16 : i32
      %mul3A_52 = arith.muli %scan3A_45, %mul3A_51 : i32
      %get3A_53 = arith.index_cast %mul3A_52 : i32 to index
      %get3A_54 = tpu.vector_load %arg11[%get3A_53] {strides = array<i32>} : memref<18816xi32, #tpu.memory_space<vmem>>, vector<16xi32>,
      %get3A_55 = arith.index_cast %mul3A_52 : i32 to index
      %get3A_56 = tpu.vector_load %arg13[%get3A_55] {strides = array<i32>} : memref<18816xi32, #tpu.memory_space<vmem>>, vector<16xi32>,
      %get3A_57 = arith.index_cast %mul3A_52 : i32 to index
      %get3A_58 = tpu.vector_load %arg15[%get3A_57] {strides = array<i32>} : memref<18816xi32, #tpu.memory_space<vmem>>, vector<16xi32>,
      %get3A_59 = arith.index_cast %mul3A_52 : i32 to index
      %get3A_60 = tpu.vector_load %arg12[%get3A_59] {strides = array<i32>} : memref<18816xf32, #tpu.memory_space<vmem>>, vector<16xf32>,
      %mul3A_61 = arith.constant 16 : i32
      %mul3A_62 = arith.muli %scan3A_45, %mul3A_61 : i32
      %add3A_63 = arith.addi %mul3A_2, %mul3A_62 : i32
      %add3A_64 = vector.broadcast %add3A_63 : i32 to vector<16xi32>
      %add3A_65 = arith.addi %add3A_64, %iota3A : vector<16xi32>
      %eq3A = arith.constant 2 : i32
      %eq3A_66 = vector.broadcast %eq3A : i32 to vector<16xi32>
      %eq3A_67 = arith.cmpi eq, %get3A_56, %eq3A_66 : vector<16xi32>
      %eq3A_68 = arith.constant 0 : i32
      %eq3A_69 = vector.broadcast %eq3A_68 : i32 to vector<16xi32>
      %eq3A_70 = arith.cmpi eq, %get3A_56, %eq3A_69 : vector<16xi32>
      %eq3A_71 = arith.cmpi eq, %get3A_58, %get3A_54 : vector<16xi32>
      %and3A = arith.andi %eq3A_70, %eq3A_71 : vector<16xi1>
      %or3A = arith.ori %eq3A_67, %and3A : vector<16xi1>
      %jit3A = arith.constant 0.000000e+00 : f32
      %broadcast_in_dim3A_72 = vector.broadcast %jit3A : f32 to vector<16xf32>
      %select_n3A = arith.select %eq3A_67, %get3A_60, %broadcast_in_dim3A_72 : vector<16xi1>, vector<16xf32>
      %add3A_73 = arith.addf %scan3A_46, %select_n3A : vector<16xf32>
      %jit3A_74 = arith.constant 1 : i32
      %jit3A_75 = arith.constant 0 : i32
      %broadcast_in_dim3A_76 = vector.broadcast %jit3A_74 : i32 to vector<16xi32>
      %broadcast_in_dim3A_77 = vector.broadcast %jit3A_75 : i32 to vector<16xi32>
      %select_n3A_78 = arith.select %eq3A_67, %broadcast_in_dim3A_76, %broadcast_in_dim3A_77 : vector<16xi1>, vector<16xi32>
      %add3A_79 = arith.addi %scan3A_47, %select_n3A_78 : vector<16xi32>
      %jit3A_80 = arith.constant 1 : i32
      %broadcast_in_dim3A_81 = vector.broadcast %jit3A_80 : i32 to vector<16xi32>
      %select_n3A_82 = arith.select %or3A, %broadcast_in_dim3A_81, %get3A_56 : vector<16xi1>, vector<16xi32>
      %swap3A_83 = arith.index_cast %mul3A_52 : i32 to index
      %swap3A_84 = tpu.vector_load %arg13[%swap3A_83] {strides = array<i32>} : memref<18816xi32, #tpu.memory_space<vmem>>, vector<16xi32>,
      tpu.vector_store %arg13[%swap3A_83], %select_n3A_82 {strides = array<i32>} : memref<18816xi32, #tpu.memory_space<vmem>>, vector<16xi32>,
      %eq3A_85 = arith.constant 0 : i32
      %eq3A_86 = vector.broadcast %eq3A_85 : i32 to vector<16xi32>
      %eq3A_87 = arith.cmpi eq, %select_n3A_82, %eq3A_86 : vector<16xi32>
      %jit3A_88 = arith.constant 1 : i32
      %jit3A_89 = arith.constant 0 : i32
      %broadcast_in_dim3A_90 = vector.broadcast %jit3A_88 : i32 to vector<16xi32>
      %broadcast_in_dim3A_91 = vector.broadcast %jit3A_89 : i32 to vector<16xi32>
      %select_n3A_92 = arith.select %eq3A_87, %broadcast_in_dim3A_90, %broadcast_in_dim3A_91 : vector<16xi1>, vector<16xi32>
      %add3A_93 = arith.addi %scan3A_48, %select_n3A_92 : vector<16xi32>
      %broadcast_in_dim3A_94 = arith.constant true
      %broadcast_in_dim3A_95 = vector.broadcast %broadcast_in_dim3A_94 : i1 to vector<16xi1>
      %masked_cumsum3A = tpu.scan <sum>, %select_n3A_92 masked %broadcast_in_dim3A_95 : vector<16xi32>, vector<16xi1> -> vector<16xi32>
      %sub3A = arith.subi %masked_cumsum3A, %select_n3A_92 : vector<16xi32>
      %sub3A_96 = arith.constant 1 : i32
      %sub3A_97 = vector.broadcast %sub3A_96 : i32 to vector<16xi32>
      %sub3A_98 = arith.subi %sub3A_97, %select_n3A_92 : vector<16xi32>
      %broadcast_in_dim3A_99 = arith.constant true
      %broadcast_in_dim3A_100 = vector.broadcast %broadcast_in_dim3A_99 : i1 to vector<16xi1>
      %masked_cumsum3A_101 = tpu.scan <sum>, %sub3A_98 masked %broadcast_in_dim3A_100 : vector<16xi32>, vector<16xi1> -> vector<16xi32>
      %sub3A_102 = arith.constant 1 : i32
      %sub3A_103 = vector.broadcast %sub3A_102 : i32 to vector<16xi32>
      %sub3A_104 = arith.subi %sub3A_103, %select_n3A_92 : vector<16xi32>
      %sub3A_105 = arith.subi %masked_cumsum3A_101, %sub3A_104 : vector<16xi32>
      %all_reduce_population_count3A = tpu.all_reduce %eq3A_87 {dim = 0 : i64, kind = #tpu.reduction_kind<sum>} : vector<16xi1> -> vector<16xi32>
      %sub3A_106 = arith.constant 16 : i32
      %sub3A_107 = vector.broadcast %sub3A_106 : i32 to vector<16xi32>
      %sub3A_108 = arith.subi %sub3A_107, %all_reduce_population_count3A : vector<16xi32>
      %add3A_109 = arith.addi %scan3A_49, %sub3A : vector<16xi32>
      %sub3A_110 = arith.constant 18816 : i32
      %sub3A_111 = vector.broadcast %sub3A_110 : i32 to vector<16xi32>
      %sub3A_112 = arith.subi %sub3A_111, %scan3A_50 : vector<16xi32>
      %sub3A_113 = arith.subi %sub3A_112, %sub3A_108 : vector<16xi32>
      %add3A_114 = arith.addi %sub3A_113, %sub3A_105 : vector<16xi32>
      %select_n3A_115 = arith.select %eq3A_87, %add3A_109, %add3A_114 : vector<16xi1>, vector<16xi32>
      tpu.vector_store_idx %arg14[%select_n3A_115], %add3A_65 : memref<18816xi32, #tpu.memory_space<vmem>>[vector<16xi32>], vector<16xi32>,
      %add3A_116 = arith.addi %scan3A_49, %all_reduce_population_count3A : vector<16xi32>
      %add3A_117 = arith.addi %scan3A_50, %sub3A_108 : vector<16xi32>
      scf.yield %add3A_73, %add3A_79, %add3A_93, %add3A_116, %add3A_117 : vector<16xf32>, vector<16xi32>, vector<16xi32>, vector<16xi32>, vector<16xi32>
    }
    %scan3A_31 = arith.constant 1176 : i32
    "tpu.region"() ({
      %run_scoped3A_45 = tpu.sem_alloc : memref<!tpu.dma_semaphore, #tpu.memory_space<semaphore_mem>>
      %dma_start3A = arith.constant 0 : i32
      %dma_start3A_46 = arith.constant 0 : i32
      %dma_start3A_47 = tpu.memref_slice %arg6[%arg0, %dma_start3A, %dma_start3A_46] : memref<2x16x18816xi32, #tpu.memory_space<hbm>> -> memref<1x16x18816xi32, #tpu.memory_space<hbm>>
      %dma_start3A_48 = tpu.memref_squeeze %dma_start3A_47 : memref<1x16x18816xi32, #tpu.memory_space<hbm>> -> memref<16x18816xi32, #tpu.memory_space<hbm>>
      %dma_start3A_49 = arith.constant 0 : i32
      %dma_start3A_50 = tpu.memref_slice %dma_start3A_48[%arg1, %dma_start3A_49] : memref<16x18816xi32, #tpu.memory_space<hbm>> -> memref<1x18816xi32, #tpu.memory_space<hbm>>
      %dma_start3A_51 = tpu.memref_squeeze %dma_start3A_50 : memref<1x18816xi32, #tpu.memory_space<hbm>> -> memref<18816xi32, #tpu.memory_space<hbm>>
      %dma_start3A_52 = arith.constant 0 : i32
      %dma_start3A_53 = arith.constant 0 : i32
      %dma_start3A_54 = tpu.memref_slice %arg6[%arg0, %dma_start3A_52, %dma_start3A_53] : memref<2x16x18816xi32, #tpu.memory_space<hbm>> -> memref<1x16x18816xi32, #tpu.memory_space<hbm>>
      %dma_start3A_55 = tpu.memref_squeeze %dma_start3A_54 : memref<1x16x18816xi32, #tpu.memory_space<hbm>> -> memref<16x18816xi32, #tpu.memory_space<hbm>>
      %dma_start3A_56 = arith.constant 0 : i32
      %dma_start3A_57 = tpu.memref_slice %dma_start3A_55[%arg1, %dma_start3A_56] : memref<16x18816xi32, #tpu.memory_space<hbm>> -> memref<1x18816xi32, #tpu.memory_space<hbm>>
      %dma_start3A_58 = tpu.memref_squeeze %dma_start3A_57 : memref<1x18816xi32, #tpu.memory_space<hbm>> -> memref<18816xi32, #tpu.memory_space<hbm>>
      tpu.enqueue_dma source(%arg13 : memref<18816xi32, #tpu.memory_space<vmem>>) target(%dma_start3A_58 : memref<18816xi32, #tpu.memory_space<hbm>>) target_semaphore(%run_scoped3A_45 : memref<!tpu.dma_semaphore, #tpu.memory_space<semaphore_mem>>)
      %dma_wait3A = arith.constant 0 : i32
      %dma_wait3A_59 = arith.constant 0 : i32
      %dma_wait3A_60 = tpu.memref_slice %arg6[%arg0, %dma_wait3A, %dma_wait3A_59] : memref<2x16x18816xi32, #tpu.memory_space<hbm>> -> memref<1x16x18816xi32, #tpu.memory_space<hbm>>
      %dma_wait3A_61 = tpu.memref_squeeze %dma_wait3A_60 : memref<1x16x18816xi32, #tpu.memory_space<hbm>> -> memref<16x18816xi32, #tpu.memory_space<hbm>>
      %dma_wait3A_62 = arith.constant 0 : i32
      %dma_wait3A_63 = tpu.memref_slice %dma_wait3A_61[%arg1, %dma_wait3A_62] : memref<16x18816xi32, #tpu.memory_space<hbm>> -> memref<1x18816xi32, #tpu.memory_space<hbm>>
      %dma_wait3A_64 = tpu.memref_squeeze %dma_wait3A_63 : memref<1x18816xi32, #tpu.memory_space<hbm>> -> memref<18816xi32, #tpu.memory_space<hbm>>
      %dma_wait3A_65 = arith.constant 0 : i32
      %dma_wait3A_66 = arith.constant 0 : i32
      %dma_wait3A_67 = tpu.memref_slice %arg6[%arg0, %dma_wait3A_65, %dma_wait3A_66] : memref<2x16x18816xi32, #tpu.memory_space<hbm>> -> memref<1x16x18816xi32, #tpu.memory_space<hbm>>
      %dma_wait3A_68 = tpu.memref_squeeze %dma_wait3A_67 : memref<1x16x18816xi32, #tpu.memory_space<hbm>> -> memref<16x18816xi32, #tpu.memory_space<hbm>>
      %dma_wait3A_69 = arith.constant 0 : i32
      %dma_wait3A_70 = tpu.memref_slice %dma_wait3A_68[%arg1, %dma_wait3A_69] : memref<16x18816xi32, #tpu.memory_space<hbm>> -> memref<1x18816xi32, #tpu.memory_space<hbm>>
      %dma_wait3A_71 = tpu.memref_squeeze %dma_wait3A_70 : memref<1x18816xi32, #tpu.memory_space<hbm>> -> memref<18816xi32, #tpu.memory_space<hbm>>
      tpu.wait_dma2 semaphore(%run_scoped3A_45 : memref<!tpu.dma_semaphore, #tpu.memory_space<semaphore_mem>>) src(%arg13 : memref<18816xi32, #tpu.memory_space<vmem>>) dst(%dma_wait3A_71 : memref<18816xi32, #tpu.memory_space<hbm>>)
      tpu.yield
    }) : () -> ()
    "tpu.region"() ({
      %run_scoped3A_45 = tpu.sem_alloc : memref<!tpu.dma_semaphore, #tpu.memory_space<semaphore_mem>>
      %dma_start3A = arith.constant 0 : i32
      %dma_start3A_46 = arith.constant 0 : i32
      %dma_start3A_47 = tpu.memref_slice %arg10[%arg0, %dma_start3A, %dma_start3A_46] : memref<2x16x18816xi32, #tpu.memory_space<hbm>> -> memref<1x16x18816xi32, #tpu.memory_space<hbm>>
      %dma_start3A_48 = tpu.memref_squeeze %dma_start3A_47 : memref<1x16x18816xi32, #tpu.memory_space<hbm>> -> memref<16x18816xi32, #tpu.memory_space<hbm>>
      %dma_start3A_49 = arith.constant 0 : i32
      %dma_start3A_50 = tpu.memref_slice %dma_start3A_48[%arg1, %dma_start3A_49] : memref<16x18816xi32, #tpu.memory_space<hbm>> -> memref<1x18816xi32, #tpu.memory_space<hbm>>
      %dma_start3A_51 = tpu.memref_squeeze %dma_start3A_50 : memref<1x18816xi32, #tpu.memory_space<hbm>> -> memref<18816xi32, #tpu.memory_space<hbm>>
      %dma_start3A_52 = arith.constant 0 : i32
      %dma_start3A_53 = arith.constant 0 : i32
      %dma_start3A_54 = tpu.memref_slice %arg10[%arg0, %dma_start3A_52, %dma_start3A_53] : memref<2x16x18816xi32, #tpu.memory_space<hbm>> -> memref<1x16x18816xi32, #tpu.memory_space<hbm>>
      %dma_start3A_55 = tpu.memref_squeeze %dma_start3A_54 : memref<1x16x18816xi32, #tpu.memory_space<hbm>> -> memref<16x18816xi32, #tpu.memory_space<hbm>>
      %dma_start3A_56 = arith.constant 0 : i32
      %dma_start3A_57 = tpu.memref_slice %dma_start3A_55[%arg1, %dma_start3A_56] : memref<16x18816xi32, #tpu.memory_space<hbm>> -> memref<1x18816xi32, #tpu.memory_space<hbm>>
      %dma_start3A_58 = tpu.memref_squeeze %dma_start3A_57 : memref<1x18816xi32, #tpu.memory_space<hbm>> -> memref<18816xi32, #tpu.memory_space<hbm>>
      tpu.enqueue_dma source(%arg14 : memref<18816xi32, #tpu.memory_space<vmem>>) target(%dma_start3A_58 : memref<18816xi32, #tpu.memory_space<hbm>>) target_semaphore(%run_scoped3A_45 : memref<!tpu.dma_semaphore, #tpu.memory_space<semaphore_mem>>)
      %dma_wait3A = arith.constant 0 : i32
      %dma_wait3A_59 = arith.constant 0 : i32
      %dma_wait3A_60 = tpu.memref_slice %arg10[%arg0, %dma_wait3A, %dma_wait3A_59] : memref<2x16x18816xi32, #tpu.memory_space<hbm>> -> memref<1x16x18816xi32, #tpu.memory_space<hbm>>
      %dma_wait3A_61 = tpu.memref_squeeze %dma_wait3A_60 : memref<1x16x18816xi32, #tpu.memory_space<hbm>> -> memref<16x18816xi32, #tpu.memory_space<hbm>>
      %dma_wait3A_62 = arith.constant 0 : i32
      %dma_wait3A_63 = tpu.memref_slice %dma_wait3A_61[%arg1, %dma_wait3A_62] : memref<16x18816xi32, #tpu.memory_space<hbm>> -> memref<1x18816xi32, #tpu.memory_space<hbm>>
      %dma_wait3A_64 = tpu.memref_squeeze %dma_wait3A_63 : memref<1x18816xi32, #tpu.memory_space<hbm>> -> memref<18816xi32, #tpu.memory_space<hbm>>
      %dma_wait3A_65 = arith.constant 0 : i32
      %dma_wait3A_66 = arith.constant 0 : i32
      %dma_wait3A_67 = tpu.memref_slice %arg10[%arg0, %dma_wait3A_65, %dma_wait3A_66] : memref<2x16x18816xi32, #tpu.memory_space<hbm>> -> memref<1x16x18816xi32, #tpu.memory_space<hbm>>
      %dma_wait3A_68 = tpu.memref_squeeze %dma_wait3A_67 : memref<1x16x18816xi32, #tpu.memory_space<hbm>> -> memref<16x18816xi32, #tpu.memory_space<hbm>>
      %dma_wait3A_69 = arith.constant 0 : i32
      %dma_wait3A_70 = tpu.memref_slice %dma_wait3A_68[%arg1, %dma_wait3A_69] : memref<16x18816xi32, #tpu.memory_space<hbm>> -> memref<1x18816xi32, #tpu.memory_space<hbm>>
      %dma_wait3A_71 = tpu.memref_squeeze %dma_wait3A_70 : memref<1x18816xi32, #tpu.memory_space<hbm>> -> memref<18816xi32, #tpu.memory_space<hbm>>
      tpu.wait_dma2 semaphore(%run_scoped3A_45 : memref<!tpu.dma_semaphore, #tpu.memory_space<semaphore_mem>>) src(%arg14 : memref<18816xi32, #tpu.memory_space<vmem>>) dst(%dma_wait3A_71 : memref<18816xi32, #tpu.memory_space<hbm>>)
      tpu.yield
    }) : () -> ()
    %swap3A = arith.constant 0 : i32
    %swap3A_32 = arith.index_cast %swap3A : i32 to index
    %swap3A_33 = arith.constant 0 : index
    %swap3A_34 = tpu.vector_load %arg16[%swap3A_32, %swap3A_33] {strides = array<i32>} : memref<1x16xf32, #tpu.memory_space<vmem>>, vector<16xf32>,
    tpu.vector_store %arg16[%swap3A_32, %swap3A_33], %scan3A_30#0 {strides = array<i32>} : memref<1x16xf32, #tpu.memory_space<vmem>>, vector<16xf32>,
    %swap3A_35 = arith.constant 0 : i32
    %swap3A_36 = arith.index_cast %swap3A_35 : i32 to index
    %swap3A_37 = arith.constant 0 : index
    %swap3A_38 = tpu.vector_load %arg17[%swap3A_36, %swap3A_37] {strides = array<i32>} : memref<2x16xi32, #tpu.memory_space<vmem>>, vector<16xi32>,
    tpu.vector_store %arg17[%swap3A_36, %swap3A_37], %scan3A_30#1 {strides = array<i32>} : memref<2x16xi32, #tpu.memory_space<vmem>>, vector<16xi32>,
    %swap3A_39 = arith.constant 1 : i32
    %swap3A_40 = arith.index_cast %swap3A_39 : i32 to index
    %swap3A_41 = arith.constant 0 : index
    %swap3A_42 = tpu.vector_load %arg17[%swap3A_40, %swap3A_41] {strides = array<i32>} : memref<2x16xi32, #tpu.memory_space<vmem>>, vector<16xi32>,
    tpu.vector_store %arg17[%swap3A_40, %swap3A_41], %scan3A_30#2 {strides = array<i32>} : memref<2x16xi32, #tpu.memory_space<vmem>>, vector<16xi32>,
    %run_scoped3A = arith.constant 0 : i32
    "tpu.region"() ({
      %run_scoped3A_45 = tpu.sem_alloc : memref<!tpu.dma_semaphore, #tpu.memory_space<semaphore_mem>>
      %dma_start3A = arith.constant 0 : i32
      %dma_start3A_46 = tpu.memref_slice %arg16[%run_scoped3A, %dma_start3A] : memref<1x16xf32, #tpu.memory_space<vmem>> -> memref<1x16xf32, #tpu.memory_space<vmem>>
      %dma_start3A_47 = tpu.memref_squeeze %dma_start3A_46 : memref<1x16xf32, #tpu.memory_space<vmem>> -> memref<16xf32, #tpu.memory_space<vmem>>
      %dma_start3A_48 = arith.constant 0 : i32
      %dma_start3A_49 = tpu.memref_slice %arg7[%add3A, %dma_start3A_48] : memref<32x16xf32, #tpu.memory_space<hbm>> -> memref<1x16xf32, #tpu.memory_space<hbm>>
      %dma_start3A_50 = tpu.memref_squeeze %dma_start3A_49 : memref<1x16xf32, #tpu.memory_space<hbm>> -> memref<16xf32, #tpu.memory_space<hbm>>
      %dma_start3A_51 = arith.constant 0 : i32
      %dma_start3A_52 = tpu.memref_slice %arg7[%add3A, %dma_start3A_51] : memref<32x16xf32, #tpu.memory_space<hbm>> -> memref<1x16xf32, #tpu.memory_space<hbm>>
      %dma_start3A_53 = tpu.memref_squeeze %dma_start3A_52 : memref<1x16xf32, #tpu.memory_space<hbm>> -> memref<16xf32, #tpu.memory_space<hbm>>
      %dma_start3A_54 = arith.constant 0 : i32
      %dma_start3A_55 = tpu.memref_slice %arg16[%run_scoped3A, %dma_start3A_54] : memref<1x16xf32, #tpu.memory_space<vmem>> -> memref<1x16xf32, #tpu.memory_space<vmem>>
      %dma_start3A_56 = tpu.memref_squeeze %dma_start3A_55 : memref<1x16xf32, #tpu.memory_space<vmem>> -> memref<16xf32, #tpu.memory_space<vmem>>
      tpu.enqueue_dma source(%dma_start3A_56 : memref<16xf32, #tpu.memory_space<vmem>>) target(%dma_start3A_53 : memref<16xf32, #tpu.memory_space<hbm>>) target_semaphore(%run_scoped3A_45 : memref<!tpu.dma_semaphore, #tpu.memory_space<semaphore_mem>>)
      %dma_wait3A = arith.constant 0 : i32
      %dma_wait3A_57 = tpu.memref_slice %arg16[%run_scoped3A, %dma_wait3A] : memref<1x16xf32, #tpu.memory_space<vmem>> -> memref<1x16xf32, #tpu.memory_space<vmem>>
      %dma_wait3A_58 = tpu.memref_squeeze %dma_wait3A_57 : memref<1x16xf32, #tpu.memory_space<vmem>> -> memref<16xf32, #tpu.memory_space<vmem>>
      %dma_wait3A_59 = arith.constant 0 : i32
      %dma_wait3A_60 = tpu.memref_slice %arg7[%add3A, %dma_wait3A_59] : memref<32x16xf32, #tpu.memory_space<hbm>> -> memref<1x16xf32, #tpu.memory_space<hbm>>
      %dma_wait3A_61 = tpu.memref_squeeze %dma_wait3A_60 : memref<1x16xf32, #tpu.memory_space<hbm>> -> memref<16xf32, #tpu.memory_space<hbm>>
      %dma_wait3A_62 = arith.constant 0 : i32
      %dma_wait3A_63 = tpu.memref_slice %arg7[%add3A, %dma_wait3A_62] : memref<32x16xf32, #tpu.memory_space<hbm>> -> memref<1x16xf32, #tpu.memory_space<hbm>>
      %dma_wait3A_64 = tpu.memref_squeeze %dma_wait3A_63 : memref<1x16xf32, #tpu.memory_space<hbm>> -> memref<16xf32, #tpu.memory_space<hbm>>
      %dma_wait3A_65 = arith.constant 0 : i32
      %dma_wait3A_66 = tpu.memref_slice %arg16[%run_scoped3A, %dma_wait3A_65] : memref<1x16xf32, #tpu.memory_space<vmem>> -> memref<1x16xf32, #tpu.memory_space<vmem>>
      %dma_wait3A_67 = tpu.memref_squeeze %dma_wait3A_66 : memref<1x16xf32, #tpu.memory_space<vmem>> -> memref<16xf32, #tpu.memory_space<vmem>>
      tpu.wait_dma2 semaphore(%run_scoped3A_45 : memref<!tpu.dma_semaphore, #tpu.memory_space<semaphore_mem>>) src(%dma_wait3A_67 : memref<16xf32, #tpu.memory_space<vmem>>) dst(%dma_wait3A_64 : memref<16xf32, #tpu.memory_space<hbm>>)
      tpu.yield
    }) : () -> ()
    %run_scoped3A_43 = arith.constant 0 : i32
    "tpu.region"() ({
      %run_scoped3A_45 = tpu.sem_alloc : memref<!tpu.dma_semaphore, #tpu.memory_space<semaphore_mem>>
      %dma_start3A = arith.constant 0 : i32
      %dma_start3A_46 = tpu.memref_slice %arg17[%run_scoped3A_43, %dma_start3A] : memref<2x16xi32, #tpu.memory_space<vmem>> -> memref<1x16xi32, #tpu.memory_space<vmem>>
      %dma_start3A_47 = tpu.memref_squeeze %dma_start3A_46 : memref<1x16xi32, #tpu.memory_space<vmem>> -> memref<16xi32, #tpu.memory_space<vmem>>
      %dma_start3A_48 = arith.constant 0 : i32
      %dma_start3A_49 = tpu.memref_slice %arg8[%add3A, %dma_start3A_48] : memref<32x16xi32, #tpu.memory_space<hbm>> -> memref<1x16xi32, #tpu.memory_space<hbm>>
      %dma_start3A_50 = tpu.memref_squeeze %dma_start3A_49 : memref<1x16xi32, #tpu.memory_space<hbm>> -> memref<16xi32, #tpu.memory_space<hbm>>
      %dma_start3A_51 = arith.constant 0 : i32
      %dma_start3A_52 = tpu.memref_slice %arg8[%add3A, %dma_start3A_51] : memref<32x16xi32, #tpu.memory_space<hbm>> -> memref<1x16xi32, #tpu.memory_space<hbm>>
      %dma_start3A_53 = tpu.memref_squeeze %dma_start3A_52 : memref<1x16xi32, #tpu.memory_space<hbm>> -> memref<16xi32, #tpu.memory_space<hbm>>
      %dma_start3A_54 = arith.constant 0 : i32
      %dma_start3A_55 = tpu.memref_slice %arg17[%run_scoped3A_43, %dma_start3A_54] : memref<2x16xi32, #tpu.memory_space<vmem>> -> memref<1x16xi32, #tpu.memory_space<vmem>>
      %dma_start3A_56 = tpu.memref_squeeze %dma_start3A_55 : memref<1x16xi32, #tpu.memory_space<vmem>> -> memref<16xi32, #tpu.memory_space<vmem>>
      tpu.enqueue_dma source(%dma_start3A_56 : memref<16xi32, #tpu.memory_space<vmem>>) target(%dma_start3A_53 : memref<16xi32, #tpu.memory_space<hbm>>) target_semaphore(%run_scoped3A_45 : memref<!tpu.dma_semaphore, #tpu.memory_space<semaphore_mem>>)
      %dma_wait3A = arith.constant 0 : i32
      %dma_wait3A_57 = tpu.memref_slice %arg17[%run_scoped3A_43, %dma_wait3A] : memref<2x16xi32, #tpu.memory_space<vmem>> -> memref<1x16xi32, #tpu.memory_space<vmem>>
      %dma_wait3A_58 = tpu.memref_squeeze %dma_wait3A_57 : memref<1x16xi32, #tpu.memory_space<vmem>> -> memref<16xi32, #tpu.memory_space<vmem>>
      %dma_wait3A_59 = arith.constant 0 : i32
      %dma_wait3A_60 = tpu.memref_slice %arg8[%add3A, %dma_wait3A_59] : memref<32x16xi32, #tpu.memory_space<hbm>> -> memref<1x16xi32, #tpu.memory_space<hbm>>
      %dma_wait3A_61 = tpu.memref_squeeze %dma_wait3A_60 : memref<1x16xi32, #tpu.memory_space<hbm>> -> memref<16xi32, #tpu.memory_space<hbm>>
      %dma_wait3A_62 = arith.constant 0 : i32
      %dma_wait3A_63 = tpu.memref_slice %arg8[%add3A, %dma_wait3A_62] : memref<32x16xi32, #tpu.memory_space<hbm>> -> memref<1x16xi32, #tpu.memory_space<hbm>>
      %dma_wait3A_64 = tpu.memref_squeeze %dma_wait3A_63 : memref<1x16xi32, #tpu.memory_space<hbm>> -> memref<16xi32, #tpu.memory_space<hbm>>
      %dma_wait3A_65 = arith.constant 0 : i32
      %dma_wait3A_66 = tpu.memref_slice %arg17[%run_scoped3A_43, %dma_wait3A_65] : memref<2x16xi32, #tpu.memory_space<vmem>> -> memref<1x16xi32, #tpu.memory_space<vmem>>
      %dma_wait3A_67 = tpu.memref_squeeze %dma_wait3A_66 : memref<1x16xi32, #tpu.memory_space<vmem>> -> memref<16xi32, #tpu.memory_space<vmem>>
      tpu.wait_dma2 semaphore(%run_scoped3A_45 : memref<!tpu.dma_semaphore, #tpu.memory_space<semaphore_mem>>) src(%dma_wait3A_67 : memref<16xi32, #tpu.memory_space<vmem>>) dst(%dma_wait3A_64 : memref<16xi32, #tpu.memory_space<hbm>>)
      tpu.yield
    }) : () -> ()
    %run_scoped3A_44 = arith.constant 1 : i32
    "tpu.region"() ({
      %run_scoped3A_45 = tpu.sem_alloc : memref<!tpu.dma_semaphore, #tpu.memory_space<semaphore_mem>>
      %dma_start3A = arith.constant 0 : i32
      %dma_start3A_46 = tpu.memref_slice %arg17[%run_scoped3A_44, %dma_start3A] : memref<2x16xi32, #tpu.memory_space<vmem>> -> memref<1x16xi32, #tpu.memory_space<vmem>>
      %dma_start3A_47 = tpu.memref_squeeze %dma_start3A_46 : memref<1x16xi32, #tpu.memory_space<vmem>> -> memref<16xi32, #tpu.memory_space<vmem>>
      %dma_start3A_48 = arith.constant 0 : i32
      %dma_start3A_49 = tpu.memref_slice %arg9[%add3A, %dma_start3A_48] : memref<32x16xi32, #tpu.memory_space<hbm>> -> memref<1x16xi32, #tpu.memory_space<hbm>>
      %dma_start3A_50 = tpu.memref_squeeze %dma_start3A_49 : memref<1x16xi32, #tpu.memory_space<hbm>> -> memref<16xi32, #tpu.memory_space<hbm>>
      %dma_start3A_51 = arith.constant 0 : i32
      %dma_start3A_52 = tpu.memref_slice %arg9[%add3A, %dma_start3A_51] : memref<32x16xi32, #tpu.memory_space<hbm>> -> memref<1x16xi32, #tpu.memory_space<hbm>>
      %dma_start3A_53 = tpu.memref_squeeze %dma_start3A_52 : memref<1x16xi32, #tpu.memory_space<hbm>> -> memref<16xi32, #tpu.memory_space<hbm>>
      %dma_start3A_54 = arith.constant 0 : i32
      %dma_start3A_55 = tpu.memref_slice %arg17[%run_scoped3A_44, %dma_start3A_54] : memref<2x16xi32, #tpu.memory_space<vmem>> -> memref<1x16xi32, #tpu.memory_space<vmem>>
      %dma_start3A_56 = tpu.memref_squeeze %dma_start3A_55 : memref<1x16xi32, #tpu.memory_space<vmem>> -> memref<16xi32, #tpu.memory_space<vmem>>
      tpu.enqueue_dma source(%dma_start3A_56 : memref<16xi32, #tpu.memory_space<vmem>>) target(%dma_start3A_53 : memref<16xi32, #tpu.memory_space<hbm>>) target_semaphore(%run_scoped3A_45 : memref<!tpu.dma_semaphore, #tpu.memory_space<semaphore_mem>>)
      %dma_wait3A = arith.constant 0 : i32
      %dma_wait3A_57 = tpu.memref_slice %arg17[%run_scoped3A_44, %dma_wait3A] : memref<2x16xi32, #tpu.memory_space<vmem>> -> memref<1x16xi32, #tpu.memory_space<vmem>>
      %dma_wait3A_58 = tpu.memref_squeeze %dma_wait3A_57 : memref<1x16xi32, #tpu.memory_space<vmem>> -> memref<16xi32, #tpu.memory_space<vmem>>
      %dma_wait3A_59 = arith.constant 0 : i32
      %dma_wait3A_60 = tpu.memref_slice %arg9[%add3A, %dma_wait3A_59] : memref<32x16xi32, #tpu.memory_space<hbm>> -> memref<1x16xi32, #tpu.memory_space<hbm>>
      %dma_wait3A_61 = tpu.memref_squeeze %dma_wait3A_60 : memref<1x16xi32, #tpu.memory_space<hbm>> -> memref<16xi32, #tpu.memory_space<hbm>>
      %dma_wait3A_62 = arith.constant 0 : i32
      %dma_wait3A_63 = tpu.memref_slice %arg9[%add3A, %dma_wait3A_62] : memref<32x16xi32, #tpu.memory_space<hbm>> -> memref<1x16xi32, #tpu.memory_space<hbm>>
      %dma_wait3A_64 = tpu.memref_squeeze %dma_wait3A_63 : memref<1x16xi32, #tpu.memory_space<hbm>> -> memref<16xi32, #tpu.memory_space<hbm>>
      %dma_wait3A_65 = arith.constant 0 : i32
      %dma_wait3A_66 = tpu.memref_slice %arg17[%run_scoped3A_44, %dma_wait3A_65] : memref<2x16xi32, #tpu.memory_space<vmem>> -> memref<1x16xi32, #tpu.memory_space<vmem>>
      %dma_wait3A_67 = tpu.memref_squeeze %dma_wait3A_66 : memref<1x16xi32, #tpu.memory_space<vmem>> -> memref<16xi32, #tpu.memory_space<vmem>>
      tpu.wait_dma2 semaphore(%run_scoped3A_45 : memref<!tpu.dma_semaphore, #tpu.memory_space<semaphore_mem>>) src(%dma_wait3A_67 : memref<16xi32, #tpu.memory_space<vmem>>) dst(%dma_wait3A_64 : memref<16xi32, #tpu.memory_space<hbm>>)
      tpu.yield
    }) : () -> ()
    return
  }
}

#map = affine_map<(d0, d1) -> (0, 0)>
#map1 = affine_map<(d0, d1) -> (0, 0, 0)>
#map2 = affine_map<(d0, d1) -> (0)>
module attributes {stable_mosaic.version = 14 : i64} {
  func.func @body(%arg0: i32, %arg1: i32, %arg2: memref<16x2048xi32, #tpu.memory_space<hbm>>, %arg3: memref<16x2048xf32, #tpu.memory_space<hbm>>, %arg4: memref<2x16x2048xi32, #tpu.memory_space<hbm>>, %arg5: memref<16xi32, #tpu.memory_space<hbm>>, %arg6: memref<2x16x2048xi32, #tpu.memory_space<hbm>>, %arg7: memref<32x16xf32, #tpu.memory_space<hbm>>, %arg8: memref<32x16xi32, #tpu.memory_space<hbm>>, %arg9: memref<32x16xi32, #tpu.memory_space<hbm>>, %arg10: memref<2x16x2048xi32, #tpu.memory_space<hbm>>, %arg11: memref<2048xi32, #tpu.memory_space<vmem>>, %arg12: memref<2048xf32, #tpu.memory_space<vmem>>, %arg13: memref<2048xi32, #tpu.memory_space<vmem>>, %arg14: memref<2048xi32, #tpu.memory_space<vmem>>, %arg15: memref<2048xi32, #tpu.memory_space<vmem>>, %arg16: memref<1x16xf32, #tpu.memory_space<vmem>>, %arg17: memref<2x16xi32, #tpu.memory_space<vmem>>, %arg18: memref<16xi32, #tpu.memory_space<vmem>>, %arg19: memref<262160xi32, #tpu.memory_space<vmem_shared>>, %arg20: memref<32768xi32, #tpu.memory_space<vmem_shared>>) attributes {dimension_semantics = [#tpu.dimension_semantics<core_parallel>, #tpu.dimension_semantics<subcore_parallel>], iteration_bounds = array<i64: 2, 16>, scalar_prefetch = 0 : i64, scratch_operands = 10 : i64, tpu.core_type = #tpu.core_type<sc_vector_subcore>, window_params = [{transform_indices = #map}, {transform_indices = #map}, {transform_indices = #map1}, {transform_indices = #map2}, {transform_indices = #map1}, {transform_indices = #map}, {transform_indices = #map}, {transform_indices = #map}, {transform_indices = #map1}]} {
    %mul3A = arith.constant 16 : i32
    %mul3A_0 = arith.muli %arg0, %mul3A : i32
    %add3A = arith.addi %mul3A_0, %arg1 : i32
    %mul3A_1 = arith.constant 2048 : i32
    %mul3A_2 = arith.muli %arg1, %mul3A_1 : i32
    %iota3A = tpu.iota {dimensions = array<i32: 0>} : vector<16xi32>
    "tpu.region"() ({
      %run_scoped3A_45 = tpu.sem_alloc : memref<!tpu.dma_semaphore, #tpu.memory_space<semaphore_mem>>
      %dma_start3A = arith.constant 0 : i32
      %dma_start3A_46 = tpu.memref_slice %arg2[%arg1, %dma_start3A] : memref<16x2048xi32, #tpu.memory_space<hbm>> -> memref<1x2048xi32, #tpu.memory_space<hbm>>
      %dma_start3A_47 = tpu.memref_squeeze %dma_start3A_46 : memref<1x2048xi32, #tpu.memory_space<hbm>> -> memref<2048xi32, #tpu.memory_space<hbm>>
      %dma_start3A_48 = arith.constant 0 : i32
      %dma_start3A_49 = tpu.memref_slice %arg2[%arg1, %dma_start3A_48] : memref<16x2048xi32, #tpu.memory_space<hbm>> -> memref<1x2048xi32, #tpu.memory_space<hbm>>
      %dma_start3A_50 = tpu.memref_squeeze %dma_start3A_49 : memref<1x2048xi32, #tpu.memory_space<hbm>> -> memref<2048xi32, #tpu.memory_space<hbm>>
      tpu.enqueue_dma source(%dma_start3A_50 : memref<2048xi32, #tpu.memory_space<hbm>>) target(%arg11 : memref<2048xi32, #tpu.memory_space<vmem>>) target_semaphore(%run_scoped3A_45 : memref<!tpu.dma_semaphore, #tpu.memory_space<semaphore_mem>>)
      %dma_wait3A = arith.constant 0 : i32
      %dma_wait3A_51 = tpu.memref_slice %arg2[%arg1, %dma_wait3A] : memref<16x2048xi32, #tpu.memory_space<hbm>> -> memref<1x2048xi32, #tpu.memory_space<hbm>>
      %dma_wait3A_52 = tpu.memref_squeeze %dma_wait3A_51 : memref<1x2048xi32, #tpu.memory_space<hbm>> -> memref<2048xi32, #tpu.memory_space<hbm>>
      %dma_wait3A_53 = arith.constant 0 : i32
      %dma_wait3A_54 = tpu.memref_slice %arg2[%arg1, %dma_wait3A_53] : memref<16x2048xi32, #tpu.memory_space<hbm>> -> memref<1x2048xi32, #tpu.memory_space<hbm>>
      %dma_wait3A_55 = tpu.memref_squeeze %dma_wait3A_54 : memref<1x2048xi32, #tpu.memory_space<hbm>> -> memref<2048xi32, #tpu.memory_space<hbm>>
      tpu.wait_dma2 semaphore(%run_scoped3A_45 : memref<!tpu.dma_semaphore, #tpu.memory_space<semaphore_mem>>) src(%dma_wait3A_55 : memref<2048xi32, #tpu.memory_space<hbm>>) dst(%arg11 : memref<2048xi32, #tpu.memory_space<vmem>>)
      tpu.yield
    }) : () -> ()
    "tpu.region"() ({
      %run_scoped3A_45 = tpu.sem_alloc : memref<!tpu.dma_semaphore, #tpu.memory_space<semaphore_mem>>
      %dma_start3A = arith.constant 0 : i32
      %dma_start3A_46 = tpu.memref_slice %arg3[%arg1, %dma_start3A] : memref<16x2048xf32, #tpu.memory_space<hbm>> -> memref<1x2048xf32, #tpu.memory_space<hbm>>
      %dma_start3A_47 = tpu.memref_squeeze %dma_start3A_46 : memref<1x2048xf32, #tpu.memory_space<hbm>> -> memref<2048xf32, #tpu.memory_space<hbm>>
      %dma_start3A_48 = arith.constant 0 : i32
      %dma_start3A_49 = tpu.memref_slice %arg3[%arg1, %dma_start3A_48] : memref<16x2048xf32, #tpu.memory_space<hbm>> -> memref<1x2048xf32, #tpu.memory_space<hbm>>
      %dma_start3A_50 = tpu.memref_squeeze %dma_start3A_49 : memref<1x2048xf32, #tpu.memory_space<hbm>> -> memref<2048xf32, #tpu.memory_space<hbm>>
      tpu.enqueue_dma source(%dma_start3A_50 : memref<2048xf32, #tpu.memory_space<hbm>>) target(%arg12 : memref<2048xf32, #tpu.memory_space<vmem>>) target_semaphore(%run_scoped3A_45 : memref<!tpu.dma_semaphore, #tpu.memory_space<semaphore_mem>>)
      %dma_wait3A = arith.constant 0 : i32
      %dma_wait3A_51 = tpu.memref_slice %arg3[%arg1, %dma_wait3A] : memref<16x2048xf32, #tpu.memory_space<hbm>> -> memref<1x2048xf32, #tpu.memory_space<hbm>>
      %dma_wait3A_52 = tpu.memref_squeeze %dma_wait3A_51 : memref<1x2048xf32, #tpu.memory_space<hbm>> -> memref<2048xf32, #tpu.memory_space<hbm>>
      %dma_wait3A_53 = arith.constant 0 : i32
      %dma_wait3A_54 = tpu.memref_slice %arg3[%arg1, %dma_wait3A_53] : memref<16x2048xf32, #tpu.memory_space<hbm>> -> memref<1x2048xf32, #tpu.memory_space<hbm>>
      %dma_wait3A_55 = tpu.memref_squeeze %dma_wait3A_54 : memref<1x2048xf32, #tpu.memory_space<hbm>> -> memref<2048xf32, #tpu.memory_space<hbm>>
      tpu.wait_dma2 semaphore(%run_scoped3A_45 : memref<!tpu.dma_semaphore, #tpu.memory_space<semaphore_mem>>) src(%dma_wait3A_55 : memref<2048xf32, #tpu.memory_space<hbm>>) dst(%arg12 : memref<2048xf32, #tpu.memory_space<vmem>>)
      tpu.yield
    }) : () -> ()
    "tpu.region"() ({
      %run_scoped3A_45 = tpu.sem_alloc : memref<!tpu.dma_semaphore, #tpu.memory_space<semaphore_mem>>
      %dma_start3A = arith.constant 0 : i32
      %dma_start3A_46 = arith.constant 0 : i32
      %dma_start3A_47 = tpu.memref_slice %arg4[%arg0, %dma_start3A, %dma_start3A_46] : memref<2x16x2048xi32, #tpu.memory_space<hbm>> -> memref<1x16x2048xi32, #tpu.memory_space<hbm>>
      %dma_start3A_48 = tpu.memref_squeeze %dma_start3A_47 : memref<1x16x2048xi32, #tpu.memory_space<hbm>> -> memref<16x2048xi32, #tpu.memory_space<hbm>>
      %dma_start3A_49 = arith.constant 0 : i32
      %dma_start3A_50 = tpu.memref_slice %dma_start3A_48[%arg1, %dma_start3A_49] : memref<16x2048xi32, #tpu.memory_space<hbm>> -> memref<1x2048xi32, #tpu.memory_space<hbm>>
      %dma_start3A_51 = tpu.memref_squeeze %dma_start3A_50 : memref<1x2048xi32, #tpu.memory_space<hbm>> -> memref<2048xi32, #tpu.memory_space<hbm>>
      %dma_start3A_52 = arith.constant 0 : i32
      %dma_start3A_53 = arith.constant 0 : i32
      %dma_start3A_54 = tpu.memref_slice %arg4[%arg0, %dma_start3A_52, %dma_start3A_53] : memref<2x16x2048xi32, #tpu.memory_space<hbm>> -> memref<1x16x2048xi32, #tpu.memory_space<hbm>>
      %dma_start3A_55 = tpu.memref_squeeze %dma_start3A_54 : memref<1x16x2048xi32, #tpu.memory_space<hbm>> -> memref<16x2048xi32, #tpu.memory_space<hbm>>
      %dma_start3A_56 = arith.constant 0 : i32
      %dma_start3A_57 = tpu.memref_slice %dma_start3A_55[%arg1, %dma_start3A_56] : memref<16x2048xi32, #tpu.memory_space<hbm>> -> memref<1x2048xi32, #tpu.memory_space<hbm>>
      %dma_start3A_58 = tpu.memref_squeeze %dma_start3A_57 : memref<1x2048xi32, #tpu.memory_space<hbm>> -> memref<2048xi32, #tpu.memory_space<hbm>>
      tpu.enqueue_dma source(%dma_start3A_58 : memref<2048xi32, #tpu.memory_space<hbm>>) target(%arg13 : memref<2048xi32, #tpu.memory_space<vmem>>) target_semaphore(%run_scoped3A_45 : memref<!tpu.dma_semaphore, #tpu.memory_space<semaphore_mem>>)
      %dma_wait3A = arith.constant 0 : i32
      %dma_wait3A_59 = arith.constant 0 : i32
      %dma_wait3A_60 = tpu.memref_slice %arg4[%arg0, %dma_wait3A, %dma_wait3A_59] : memref<2x16x2048xi32, #tpu.memory_space<hbm>> -> memref<1x16x2048xi32, #tpu.memory_space<hbm>>
      %dma_wait3A_61 = tpu.memref_squeeze %dma_wait3A_60 : memref<1x16x2048xi32, #tpu.memory_space<hbm>> -> memref<16x2048xi32, #tpu.memory_space<hbm>>
      %dma_wait3A_62 = arith.constant 0 : i32
      %dma_wait3A_63 = tpu.memref_slice %dma_wait3A_61[%arg1, %dma_wait3A_62] : memref<16x2048xi32, #tpu.memory_space<hbm>> -> memref<1x2048xi32, #tpu.memory_space<hbm>>
      %dma_wait3A_64 = tpu.memref_squeeze %dma_wait3A_63 : memref<1x2048xi32, #tpu.memory_space<hbm>> -> memref<2048xi32, #tpu.memory_space<hbm>>
      %dma_wait3A_65 = arith.constant 0 : i32
      %dma_wait3A_66 = arith.constant 0 : i32
      %dma_wait3A_67 = tpu.memref_slice %arg4[%arg0, %dma_wait3A_65, %dma_wait3A_66] : memref<2x16x2048xi32, #tpu.memory_space<hbm>> -> memref<1x16x2048xi32, #tpu.memory_space<hbm>>
      %dma_wait3A_68 = tpu.memref_squeeze %dma_wait3A_67 : memref<1x16x2048xi32, #tpu.memory_space<hbm>> -> memref<16x2048xi32, #tpu.memory_space<hbm>>
      %dma_wait3A_69 = arith.constant 0 : i32
      %dma_wait3A_70 = tpu.memref_slice %dma_wait3A_68[%arg1, %dma_wait3A_69] : memref<16x2048xi32, #tpu.memory_space<hbm>> -> memref<1x2048xi32, #tpu.memory_space<hbm>>
      %dma_wait3A_71 = tpu.memref_squeeze %dma_wait3A_70 : memref<1x2048xi32, #tpu.memory_space<hbm>> -> memref<2048xi32, #tpu.memory_space<hbm>>
      tpu.wait_dma2 semaphore(%run_scoped3A_45 : memref<!tpu.dma_semaphore, #tpu.memory_space<semaphore_mem>>) src(%dma_wait3A_71 : memref<2048xi32, #tpu.memory_space<hbm>>) dst(%arg13 : memref<2048xi32, #tpu.memory_space<vmem>>)
      tpu.yield
    }) : () -> ()
    "tpu.region"() ({
      %run_scoped3A_45 = tpu.sem_alloc : memref<!tpu.dma_semaphore, #tpu.memory_space<semaphore_mem>>
      tpu.enqueue_dma source(%arg5 : memref<16xi32, #tpu.memory_space<hbm>>) target(%arg18 : memref<16xi32, #tpu.memory_space<vmem>>) target_semaphore(%run_scoped3A_45 : memref<!tpu.dma_semaphore, #tpu.memory_space<semaphore_mem>>)
      tpu.wait_dma2 semaphore(%run_scoped3A_45 : memref<!tpu.dma_semaphore, #tpu.memory_space<semaphore_mem>>) src(%arg5 : memref<16xi32, #tpu.memory_space<hbm>>) dst(%arg18 : memref<16xi32, #tpu.memory_space<vmem>>)
      tpu.yield
    }) : () -> ()
    "tpu.region"() ({
      %run_scoped3A_45 = tpu.sem_alloc : memref<!tpu.dma_semaphore, #tpu.memory_space<semaphore_mem>>
      %dma_start3A = tpu.memref_slice %arg20[%mul3A_2] : memref<32768xi32, #tpu.memory_space<vmem_shared>> -> memref<2048xi32, #tpu.memory_space<vmem_shared>>
      %dma_start3A_46 = tpu.memref_slice %arg20[%mul3A_2] : memref<32768xi32, #tpu.memory_space<vmem_shared>> -> memref<2048xi32, #tpu.memory_space<vmem_shared>>
      tpu.enqueue_dma source(%arg11 : memref<2048xi32, #tpu.memory_space<vmem>>) target(%dma_start3A_46 : memref<2048xi32, #tpu.memory_space<vmem_shared>>) target_semaphore(%run_scoped3A_45 : memref<!tpu.dma_semaphore, #tpu.memory_space<semaphore_mem>>)
      %dma_wait3A = tpu.memref_slice %arg20[%mul3A_2] : memref<32768xi32, #tpu.memory_space<vmem_shared>> -> memref<2048xi32, #tpu.memory_space<vmem_shared>>
      %dma_wait3A_47 = tpu.memref_slice %arg20[%mul3A_2] : memref<32768xi32, #tpu.memory_space<vmem_shared>> -> memref<2048xi32, #tpu.memory_space<vmem_shared>>
      tpu.wait_dma2 semaphore(%run_scoped3A_45 : memref<!tpu.dma_semaphore, #tpu.memory_space<semaphore_mem>>) src(%arg11 : memref<2048xi32, #tpu.memory_space<vmem>>) dst(%dma_wait3A_47 : memref<2048xi32, #tpu.memory_space<vmem_shared>>)
      tpu.yield
    }) : () -> ()
    %get3A = arith.constant 0 : index
    %get3A_3 = tpu.vector_load %arg18[%get3A] {strides = array<i32>} : memref<16xi32, #tpu.memory_space<vmem>>, vector<16xi32>,
    %scan3A = arith.constant 0 : i32
    %scan3A_4 = arith.constant 0 : i32
    %scan3A_5 = arith.constant 128 : i32
    %scan3A_6 = arith.addi %scan3A_4, %scan3A_5 : i32
    %scan3A_7 = arith.constant 1 : i32
    %scan3A_8 = scf.for %scan3A_45 = %scan3A_4 to %scan3A_6 step %scan3A_7 iter_args(%scan3A_46 = %scan3A) -> (i32)  : i32 {
      %mul3A_47 = arith.constant 16 : i32
      %mul3A_48 = arith.muli %scan3A_45, %mul3A_47 : i32
      %get3A_49 = arith.index_cast %mul3A_48 : i32 to index
      %get3A_50 = tpu.vector_load %arg11[%get3A_49] {strides = array<i32>} : memref<2048xi32, #tpu.memory_space<vmem>>, vector<16xi32>,
      %mul3A_51 = arith.constant 16 : i32
      %mul3A_52 = arith.muli %scan3A_45, %mul3A_51 : i32
      %get3A_53 = arith.index_cast %mul3A_52 : i32 to index
      %get3A_54 = tpu.vector_load %arg13[%get3A_53] {strides = array<i32>} : memref<2048xi32, #tpu.memory_space<vmem>>, vector<16xi32>,
      %mul3A_55 = arith.muli %get3A_50, %get3A_3 : vector<16xi32>
      %broadcast_in_dim3A_56 = arith.constant 14 : i32
      %broadcast_in_dim3A_57 = vector.broadcast %broadcast_in_dim3A_56 : i32 to vector<16xi32>
      %shift_right_logical3A = arith.shrui %mul3A_55, %broadcast_in_dim3A_57 : vector<16xi32>
      %eq3A = arith.constant 0 : i32
      %eq3A_58 = vector.broadcast %eq3A : i32 to vector<16xi32>
      %eq3A_59 = arith.cmpi eq, %get3A_54, %eq3A_58 : vector<16xi32>
      %jit3A = arith.constant 262144 : i32
      %broadcast_in_dim3A_60 = vector.broadcast %jit3A : i32 to vector<16xi32>
      %select_n3A = arith.select %eq3A_59, %shift_right_logical3A, %broadcast_in_dim3A_60 : vector<16xi1>, vector<16xi32>
      %mul3A_61 = arith.constant 16 : i32
      %mul3A_62 = arith.muli %scan3A_45, %mul3A_61 : i32
      %swap3A_63 = arith.index_cast %mul3A_62 : i32 to index
      %swap3A_64 = tpu.vector_load %arg14[%swap3A_63] {strides = array<i32>} : memref<2048xi32, #tpu.memory_space<vmem>>, vector<16xi32>,
      tpu.vector_store %arg14[%swap3A_63], %select_n3A {strides = array<i32>} : memref<2048xi32, #tpu.memory_space<vmem>>, vector<16xi32>,
      %mul3A_65 = arith.constant 16 : i32
      %mul3A_66 = arith.muli %scan3A_45, %mul3A_65 : i32
      %add3A_67 = arith.addi %mul3A_2, %mul3A_66 : i32
      %add3A_68 = vector.broadcast %add3A_67 : i32 to vector<16xi32>
      %add3A_69 = arith.addi %add3A_68, %iota3A : vector<16xi32>
      %mul3A_70 = arith.constant 16 : i32
      %mul3A_71 = arith.muli %scan3A_45, %mul3A_70 : i32
      %swap3A_72 = arith.index_cast %mul3A_71 : i32 to index
      %swap3A_73 = tpu.vector_load %arg15[%swap3A_72] {strides = array<i32>} : memref<2048xi32, #tpu.memory_space<vmem>>, vector<16xi32>,
      tpu.vector_store %arg15[%swap3A_72], %add3A_69 {strides = array<i32>} : memref<2048xi32, #tpu.memory_space<vmem>>, vector<16xi32>,
      %scan3A_74 = arith.constant 0 : i32
      scf.yield %scan3A_74 : i32
    }
    %scan3A_9 = arith.constant 128 : i32
    "tpu.region"() ({
      %run_scoped3A_45 = tpu.sem_alloc : memref<!tpu.dma_semaphore, #tpu.memory_space<semaphore_mem>>
      %dma_start3A = arith.constant 0 : i32
      %dma_start3A_46 = tpu.memref_slice %arg19[%dma_start3A] : memref<262160xi32, #tpu.memory_space<vmem_shared>> -> memref<262160xi32, #tpu.memory_space<vmem_shared>>
      tpu.enqueue_indirect_dma source(%arg15 : memref<2048xi32, #tpu.memory_space<vmem>>) target(%dma_start3A_46 : memref<262160xi32, #tpu.memory_space<vmem_shared>>) offsets(%arg14 : memref<2048xi32, #tpu.memory_space<vmem>>) semaphore(%run_scoped3A_45 : memref<!tpu.dma_semaphore, #tpu.memory_space<semaphore_mem>>)
      %dma_wait3A = arith.constant 0 : i32
      %dma_wait3A_47 = tpu.memref_slice %arg19[%dma_wait3A] : memref<262160xi32, #tpu.memory_space<vmem_shared>> -> memref<262160xi32, #tpu.memory_space<vmem_shared>>
      tpu.wait_indirect_dma semaphore(%run_scoped3A_45 : memref<!tpu.dma_semaphore, #tpu.memory_space<semaphore_mem>>) src(%arg15 : memref<2048xi32, #tpu.memory_space<vmem>>) dst(%dma_wait3A_47 : memref<262160xi32, #tpu.memory_space<vmem_shared>>)
      tpu.yield
    }) : () -> ()
    %barrier3A = arith.constant 0 : index
    tpu.barrier barrier_id(%barrier3A)
    "tpu.region"() ({
      %run_scoped3A_45 = tpu.sem_alloc : memref<!tpu.dma_semaphore, #tpu.memory_space<semaphore_mem>>
      %dma_start3A = arith.constant 0 : i32
      %dma_start3A_46 = tpu.memref_slice %arg19[%dma_start3A] : memref<262160xi32, #tpu.memory_space<vmem_shared>> -> memref<262160xi32, #tpu.memory_space<vmem_shared>>
      tpu.enqueue_indirect_dma source(%dma_start3A_46 : memref<262160xi32, #tpu.memory_space<vmem_shared>>) target(%arg15 : memref<2048xi32, #tpu.memory_space<vmem>>) offsets(%arg14 : memref<2048xi32, #tpu.memory_space<vmem>>) semaphore(%run_scoped3A_45 : memref<!tpu.dma_semaphore, #tpu.memory_space<semaphore_mem>>)
      %dma_wait3A = arith.constant 0 : i32
      %dma_wait3A_47 = tpu.memref_slice %arg19[%dma_wait3A] : memref<262160xi32, #tpu.memory_space<vmem_shared>> -> memref<262160xi32, #tpu.memory_space<vmem_shared>>
      tpu.wait_indirect_dma semaphore(%run_scoped3A_45 : memref<!tpu.dma_semaphore, #tpu.memory_space<semaphore_mem>>) src(%dma_wait3A_47 : memref<262160xi32, #tpu.memory_space<vmem_shared>>) dst(%arg15 : memref<2048xi32, #tpu.memory_space<vmem>>)
      tpu.yield
    }) : () -> ()
    %scan3A_10 = arith.constant 0 : i32
    %scan3A_11 = arith.constant 0 : i32
    %scan3A_12 = arith.constant 128 : i32
    %scan3A_13 = arith.addi %scan3A_11, %scan3A_12 : i32
    %scan3A_14 = arith.constant 1 : i32
    %scan3A_15 = scf.for %scan3A_45 = %scan3A_11 to %scan3A_13 step %scan3A_14 iter_args(%scan3A_46 = %scan3A_10) -> (i32)  : i32 {
      %mul3A_47 = arith.constant 16 : i32
      %mul3A_48 = arith.muli %scan3A_45, %mul3A_47 : i32
      %get3A_49 = arith.index_cast %mul3A_48 : i32 to index
      %get3A_50 = tpu.vector_load %arg15[%get3A_49] {strides = array<i32>} : memref<2048xi32, #tpu.memory_space<vmem>>, vector<16xi32>,
      %get3A_51 = arith.index_cast %mul3A_48 : i32 to index
      %get3A_52 = tpu.vector_load %arg13[%get3A_51] {strides = array<i32>} : memref<2048xi32, #tpu.memory_space<vmem>>, vector<16xi32>,
      %mul3A_53 = arith.constant 16 : i32
      %mul3A_54 = arith.muli %scan3A_45, %mul3A_53 : i32
      %add3A_55 = arith.addi %mul3A_2, %mul3A_54 : i32
      %add3A_56 = vector.broadcast %add3A_55 : i32 to vector<16xi32>
      %add3A_57 = arith.addi %add3A_56, %iota3A : vector<16xi32>
      %eq3A = arith.constant 0 : i32
      %eq3A_58 = vector.broadcast %eq3A : i32 to vector<16xi32>
      %eq3A_59 = arith.cmpi eq, %get3A_52, %eq3A_58 : vector<16xi32>
      %eq3A_60 = arith.cmpi eq, %get3A_50, %add3A_57 : vector<16xi32>
      %and3A = arith.andi %eq3A_59, %eq3A_60 : vector<16xi1>
      %jit3A = arith.constant 2 : i32
      %broadcast_in_dim3A_61 = vector.broadcast %jit3A : i32 to vector<16xi32>
      %select_n3A = arith.select %and3A, %broadcast_in_dim3A_61, %get3A_52 : vector<16xi1>, vector<16xi32>
      %swap3A_62 = arith.index_cast %mul3A_48 : i32 to index
      %swap3A_63 = tpu.vector_load %arg13[%swap3A_62] {strides = array<i32>} : memref<2048xi32, #tpu.memory_space<vmem>>, vector<16xi32>,
      tpu.vector_store %arg13[%swap3A_62], %select_n3A {strides = array<i32>} : memref<2048xi32, #tpu.memory_space<vmem>>, vector<16xi32>,
      %ne3A = arith.cmpi ne, %get3A_50, %add3A_57 : vector<16xi32>
      %and3A_64 = arith.andi %eq3A_59, %ne3A : vector<16xi1>
      %jit3A_65 = arith.constant 0 : i32
      %broadcast_in_dim3A_66 = vector.broadcast %jit3A_65 : i32 to vector<16xi32>
      %select_n3A_67 = arith.select %and3A_64, %get3A_50, %broadcast_in_dim3A_66 : vector<16xi1>, vector<16xi32>
      %swap3A_68 = arith.index_cast %mul3A_48 : i32 to index
      %swap3A_69 = tpu.vector_load %arg14[%swap3A_68] {strides = array<i32>} : memref<2048xi32, #tpu.memory_space<vmem>>, vector<16xi32>,
      tpu.vector_store %arg14[%swap3A_68], %select_n3A_67 {strides = array<i32>} : memref<2048xi32, #tpu.memory_space<vmem>>, vector<16xi32>,
      %scan3A_70 = arith.constant 0 : i32
      scf.yield %scan3A_70 : i32
    }
    %scan3A_16 = arith.constant 128 : i32
    "tpu.region"() ({
      %run_scoped3A_45 = tpu.sem_alloc : memref<!tpu.dma_semaphore, #tpu.memory_space<semaphore_mem>>
      %dma_start3A = arith.constant 0 : i32
      %dma_start3A_46 = tpu.memref_slice %arg20[%dma_start3A] : memref<32768xi32, #tpu.memory_space<vmem_shared>> -> memref<32768xi32, #tpu.memory_space<vmem_shared>>
      tpu.enqueue_indirect_dma source(%dma_start3A_46 : memref<32768xi32, #tpu.memory_space<vmem_shared>>) target(%arg15 : memref<2048xi32, #tpu.memory_space<vmem>>) offsets(%arg14 : memref<2048xi32, #tpu.memory_space<vmem>>) semaphore(%run_scoped3A_45 : memref<!tpu.dma_semaphore, #tpu.memory_space<semaphore_mem>>)
      %dma_wait3A = arith.constant 0 : i32
      %dma_wait3A_47 = tpu.memref_slice %arg20[%dma_wait3A] : memref<32768xi32, #tpu.memory_space<vmem_shared>> -> memref<32768xi32, #tpu.memory_space<vmem_shared>>
      tpu.wait_indirect_dma semaphore(%run_scoped3A_45 : memref<!tpu.dma_semaphore, #tpu.memory_space<semaphore_mem>>) src(%dma_wait3A_47 : memref<32768xi32, #tpu.memory_space<vmem_shared>>) dst(%arg15 : memref<2048xi32, #tpu.memory_space<vmem>>)
      tpu.yield
    }) : () -> ()
    %broadcast_in_dim3A = arith.constant 0.000000e+00 : f32
    %broadcast_in_dim3A_17 = vector.broadcast %broadcast_in_dim3A : f32 to vector<16xf32>
    %broadcast_in_dim3A_18 = arith.constant 0 : i32
    %broadcast_in_dim3A_19 = vector.broadcast %broadcast_in_dim3A_18 : i32 to vector<16xi32>
    %broadcast_in_dim3A_20 = arith.constant 0 : i32
    %broadcast_in_dim3A_21 = vector.broadcast %broadcast_in_dim3A_20 : i32 to vector<16xi32>
    %broadcast_in_dim3A_22 = arith.constant 0 : i32
    %broadcast_in_dim3A_23 = vector.broadcast %broadcast_in_dim3A_22 : i32 to vector<16xi32>
    %broadcast_in_dim3A_24 = arith.constant 0 : i32
    %broadcast_in_dim3A_25 = vector.broadcast %broadcast_in_dim3A_24 : i32 to vector<16xi32>
    %scan3A_26 = arith.constant 0 : i32
    %scan3A_27 = arith.constant 128 : i32
    %scan3A_28 = arith.addi %scan3A_26, %scan3A_27 : i32
    %scan3A_29 = arith.constant 1 : i32
    %scan3A_30:5 = scf.for %scan3A_45 = %scan3A_26 to %scan3A_28 step %scan3A_29 iter_args(%scan3A_46 = %broadcast_in_dim3A_17, %scan3A_47 = %broadcast_in_dim3A_19, %scan3A_48 = %broadcast_in_dim3A_21, %scan3A_49 = %broadcast_in_dim3A_23, %scan3A_50 = %broadcast_in_dim3A_25) -> (vector<16xf32>, vector<16xi32>, vector<16xi32>, vector<16xi32>, vector<16xi32>)  : i32 {
      %mul3A_51 = arith.constant 16 : i32
      %mul3A_52 = arith.muli %scan3A_45, %mul3A_51 : i32
      %get3A_53 = arith.index_cast %mul3A_52 : i32 to index
      %get3A_54 = tpu.vector_load %arg11[%get3A_53] {strides = array<i32>} : memref<2048xi32, #tpu.memory_space<vmem>>, vector<16xi32>,
      %get3A_55 = arith.index_cast %mul3A_52 : i32 to index
      %get3A_56 = tpu.vector_load %arg13[%get3A_55] {strides = array<i32>} : memref<2048xi32, #tpu.memory_space<vmem>>, vector<16xi32>,
      %get3A_57 = arith.index_cast %mul3A_52 : i32 to index
      %get3A_58 = tpu.vector_load %arg15[%get3A_57] {strides = array<i32>} : memref<2048xi32, #tpu.memory_space<vmem>>, vector<16xi32>,
      %get3A_59 = arith.index_cast %mul3A_52 : i32 to index
      %get3A_60 = tpu.vector_load %arg12[%get3A_59] {strides = array<i32>} : memref<2048xf32, #tpu.memory_space<vmem>>, vector<16xf32>,
      %mul3A_61 = arith.constant 16 : i32
      %mul3A_62 = arith.muli %scan3A_45, %mul3A_61 : i32
      %add3A_63 = arith.addi %mul3A_2, %mul3A_62 : i32
      %add3A_64 = vector.broadcast %add3A_63 : i32 to vector<16xi32>
      %add3A_65 = arith.addi %add3A_64, %iota3A : vector<16xi32>
      %eq3A = arith.constant 2 : i32
      %eq3A_66 = vector.broadcast %eq3A : i32 to vector<16xi32>
      %eq3A_67 = arith.cmpi eq, %get3A_56, %eq3A_66 : vector<16xi32>
      %eq3A_68 = arith.constant 0 : i32
      %eq3A_69 = vector.broadcast %eq3A_68 : i32 to vector<16xi32>
      %eq3A_70 = arith.cmpi eq, %get3A_56, %eq3A_69 : vector<16xi32>
      %eq3A_71 = arith.cmpi eq, %get3A_58, %get3A_54 : vector<16xi32>
      %and3A = arith.andi %eq3A_70, %eq3A_71 : vector<16xi1>
      %or3A = arith.ori %eq3A_67, %and3A : vector<16xi1>
      %jit3A = arith.constant 0.000000e+00 : f32
      %broadcast_in_dim3A_72 = vector.broadcast %jit3A : f32 to vector<16xf32>
      %select_n3A = arith.select %eq3A_67, %get3A_60, %broadcast_in_dim3A_72 : vector<16xi1>, vector<16xf32>
      %add3A_73 = arith.addf %scan3A_46, %select_n3A : vector<16xf32>
      %jit3A_74 = arith.constant 1 : i32
      %jit3A_75 = arith.constant 0 : i32
      %broadcast_in_dim3A_76 = vector.broadcast %jit3A_74 : i32 to vector<16xi32>
      %broadcast_in_dim3A_77 = vector.broadcast %jit3A_75 : i32 to vector<16xi32>
      %select_n3A_78 = arith.select %eq3A_67, %broadcast_in_dim3A_76, %broadcast_in_dim3A_77 : vector<16xi1>, vector<16xi32>
      %add3A_79 = arith.addi %scan3A_47, %select_n3A_78 : vector<16xi32>
      %jit3A_80 = arith.constant 1 : i32
      %broadcast_in_dim3A_81 = vector.broadcast %jit3A_80 : i32 to vector<16xi32>
      %select_n3A_82 = arith.select %or3A, %broadcast_in_dim3A_81, %get3A_56 : vector<16xi1>, vector<16xi32>
      %swap3A_83 = arith.index_cast %mul3A_52 : i32 to index
      %swap3A_84 = tpu.vector_load %arg13[%swap3A_83] {strides = array<i32>} : memref<2048xi32, #tpu.memory_space<vmem>>, vector<16xi32>,
      tpu.vector_store %arg13[%swap3A_83], %select_n3A_82 {strides = array<i32>} : memref<2048xi32, #tpu.memory_space<vmem>>, vector<16xi32>,
      %eq3A_85 = arith.constant 0 : i32
      %eq3A_86 = vector.broadcast %eq3A_85 : i32 to vector<16xi32>
      %eq3A_87 = arith.cmpi eq, %select_n3A_82, %eq3A_86 : vector<16xi32>
      %jit3A_88 = arith.constant 1 : i32
      %jit3A_89 = arith.constant 0 : i32
      %broadcast_in_dim3A_90 = vector.broadcast %jit3A_88 : i32 to vector<16xi32>
      %broadcast_in_dim3A_91 = vector.broadcast %jit3A_89 : i32 to vector<16xi32>
      %select_n3A_92 = arith.select %eq3A_87, %broadcast_in_dim3A_90, %broadcast_in_dim3A_91 : vector<16xi1>, vector<16xi32>
      %add3A_93 = arith.addi %scan3A_48, %select_n3A_92 : vector<16xi32>
      %broadcast_in_dim3A_94 = arith.constant true
      %broadcast_in_dim3A_95 = vector.broadcast %broadcast_in_dim3A_94 : i1 to vector<16xi1>
      %masked_cumsum3A = tpu.scan <sum>, %select_n3A_92 masked %broadcast_in_dim3A_95 : vector<16xi32>, vector<16xi1> -> vector<16xi32>
      %sub3A = arith.subi %masked_cumsum3A, %select_n3A_92 : vector<16xi32>
      %sub3A_96 = arith.constant 1 : i32
      %sub3A_97 = vector.broadcast %sub3A_96 : i32 to vector<16xi32>
      %sub3A_98 = arith.subi %sub3A_97, %select_n3A_92 : vector<16xi32>
      %broadcast_in_dim3A_99 = arith.constant true
      %broadcast_in_dim3A_100 = vector.broadcast %broadcast_in_dim3A_99 : i1 to vector<16xi1>
      %masked_cumsum3A_101 = tpu.scan <sum>, %sub3A_98 masked %broadcast_in_dim3A_100 : vector<16xi32>, vector<16xi1> -> vector<16xi32>
      %sub3A_102 = arith.constant 1 : i32
      %sub3A_103 = vector.broadcast %sub3A_102 : i32 to vector<16xi32>
      %sub3A_104 = arith.subi %sub3A_103, %select_n3A_92 : vector<16xi32>
      %sub3A_105 = arith.subi %masked_cumsum3A_101, %sub3A_104 : vector<16xi32>
      %all_reduce_population_count3A = tpu.all_reduce %eq3A_87 {dim = 0 : i64, kind = #tpu.reduction_kind<sum>} : vector<16xi1> -> vector<16xi32>
      %sub3A_106 = arith.constant 16 : i32
      %sub3A_107 = vector.broadcast %sub3A_106 : i32 to vector<16xi32>
      %sub3A_108 = arith.subi %sub3A_107, %all_reduce_population_count3A : vector<16xi32>
      %add3A_109 = arith.addi %scan3A_49, %sub3A : vector<16xi32>
      %sub3A_110 = arith.constant 2048 : i32
      %sub3A_111 = vector.broadcast %sub3A_110 : i32 to vector<16xi32>
      %sub3A_112 = arith.subi %sub3A_111, %scan3A_50 : vector<16xi32>
      %sub3A_113 = arith.subi %sub3A_112, %sub3A_108 : vector<16xi32>
      %add3A_114 = arith.addi %sub3A_113, %sub3A_105 : vector<16xi32>
      %select_n3A_115 = arith.select %eq3A_87, %add3A_109, %add3A_114 : vector<16xi1>, vector<16xi32>
      tpu.vector_store_idx %arg14[%select_n3A_115], %add3A_65 : memref<2048xi32, #tpu.memory_space<vmem>>[vector<16xi32>], vector<16xi32>,
      %add3A_116 = arith.addi %scan3A_49, %all_reduce_population_count3A : vector<16xi32>
      %add3A_117 = arith.addi %scan3A_50, %sub3A_108 : vector<16xi32>
      scf.yield %add3A_73, %add3A_79, %add3A_93, %add3A_116, %add3A_117 : vector<16xf32>, vector<16xi32>, vector<16xi32>, vector<16xi32>, vector<16xi32>
    }
    %scan3A_31 = arith.constant 128 : i32
    "tpu.region"() ({
      %run_scoped3A_45 = tpu.sem_alloc : memref<!tpu.dma_semaphore, #tpu.memory_space<semaphore_mem>>
      %dma_start3A = arith.constant 0 : i32
      %dma_start3A_46 = arith.constant 0 : i32
      %dma_start3A_47 = tpu.memref_slice %arg6[%arg0, %dma_start3A, %dma_start3A_46] : memref<2x16x2048xi32, #tpu.memory_space<hbm>> -> memref<1x16x2048xi32, #tpu.memory_space<hbm>>
      %dma_start3A_48 = tpu.memref_squeeze %dma_start3A_47 : memref<1x16x2048xi32, #tpu.memory_space<hbm>> -> memref<16x2048xi32, #tpu.memory_space<hbm>>
      %dma_start3A_49 = arith.constant 0 : i32
      %dma_start3A_50 = tpu.memref_slice %dma_start3A_48[%arg1, %dma_start3A_49] : memref<16x2048xi32, #tpu.memory_space<hbm>> -> memref<1x2048xi32, #tpu.memory_space<hbm>>
      %dma_start3A_51 = tpu.memref_squeeze %dma_start3A_50 : memref<1x2048xi32, #tpu.memory_space<hbm>> -> memref<2048xi32, #tpu.memory_space<hbm>>
      %dma_start3A_52 = arith.constant 0 : i32
      %dma_start3A_53 = arith.constant 0 : i32
      %dma_start3A_54 = tpu.memref_slice %arg6[%arg0, %dma_start3A_52, %dma_start3A_53] : memref<2x16x2048xi32, #tpu.memory_space<hbm>> -> memref<1x16x2048xi32, #tpu.memory_space<hbm>>
      %dma_start3A_55 = tpu.memref_squeeze %dma_start3A_54 : memref<1x16x2048xi32, #tpu.memory_space<hbm>> -> memref<16x2048xi32, #tpu.memory_space<hbm>>
      %dma_start3A_56 = arith.constant 0 : i32
      %dma_start3A_57 = tpu.memref_slice %dma_start3A_55[%arg1, %dma_start3A_56] : memref<16x2048xi32, #tpu.memory_space<hbm>> -> memref<1x2048xi32, #tpu.memory_space<hbm>>
      %dma_start3A_58 = tpu.memref_squeeze %dma_start3A_57 : memref<1x2048xi32, #tpu.memory_space<hbm>> -> memref<2048xi32, #tpu.memory_space<hbm>>
      tpu.enqueue_dma source(%arg13 : memref<2048xi32, #tpu.memory_space<vmem>>) target(%dma_start3A_58 : memref<2048xi32, #tpu.memory_space<hbm>>) target_semaphore(%run_scoped3A_45 : memref<!tpu.dma_semaphore, #tpu.memory_space<semaphore_mem>>)
      %dma_wait3A = arith.constant 0 : i32
      %dma_wait3A_59 = arith.constant 0 : i32
      %dma_wait3A_60 = tpu.memref_slice %arg6[%arg0, %dma_wait3A, %dma_wait3A_59] : memref<2x16x2048xi32, #tpu.memory_space<hbm>> -> memref<1x16x2048xi32, #tpu.memory_space<hbm>>
      %dma_wait3A_61 = tpu.memref_squeeze %dma_wait3A_60 : memref<1x16x2048xi32, #tpu.memory_space<hbm>> -> memref<16x2048xi32, #tpu.memory_space<hbm>>
      %dma_wait3A_62 = arith.constant 0 : i32
      %dma_wait3A_63 = tpu.memref_slice %dma_wait3A_61[%arg1, %dma_wait3A_62] : memref<16x2048xi32, #tpu.memory_space<hbm>> -> memref<1x2048xi32, #tpu.memory_space<hbm>>
      %dma_wait3A_64 = tpu.memref_squeeze %dma_wait3A_63 : memref<1x2048xi32, #tpu.memory_space<hbm>> -> memref<2048xi32, #tpu.memory_space<hbm>>
      %dma_wait3A_65 = arith.constant 0 : i32
      %dma_wait3A_66 = arith.constant 0 : i32
      %dma_wait3A_67 = tpu.memref_slice %arg6[%arg0, %dma_wait3A_65, %dma_wait3A_66] : memref<2x16x2048xi32, #tpu.memory_space<hbm>> -> memref<1x16x2048xi32, #tpu.memory_space<hbm>>
      %dma_wait3A_68 = tpu.memref_squeeze %dma_wait3A_67 : memref<1x16x2048xi32, #tpu.memory_space<hbm>> -> memref<16x2048xi32, #tpu.memory_space<hbm>>
      %dma_wait3A_69 = arith.constant 0 : i32
      %dma_wait3A_70 = tpu.memref_slice %dma_wait3A_68[%arg1, %dma_wait3A_69] : memref<16x2048xi32, #tpu.memory_space<hbm>> -> memref<1x2048xi32, #tpu.memory_space<hbm>>
      %dma_wait3A_71 = tpu.memref_squeeze %dma_wait3A_70 : memref<1x2048xi32, #tpu.memory_space<hbm>> -> memref<2048xi32, #tpu.memory_space<hbm>>
      tpu.wait_dma2 semaphore(%run_scoped3A_45 : memref<!tpu.dma_semaphore, #tpu.memory_space<semaphore_mem>>) src(%arg13 : memref<2048xi32, #tpu.memory_space<vmem>>) dst(%dma_wait3A_71 : memref<2048xi32, #tpu.memory_space<hbm>>)
      tpu.yield
    }) : () -> ()
    "tpu.region"() ({
      %run_scoped3A_45 = tpu.sem_alloc : memref<!tpu.dma_semaphore, #tpu.memory_space<semaphore_mem>>
      %dma_start3A = arith.constant 0 : i32
      %dma_start3A_46 = arith.constant 0 : i32
      %dma_start3A_47 = tpu.memref_slice %arg10[%arg0, %dma_start3A, %dma_start3A_46] : memref<2x16x2048xi32, #tpu.memory_space<hbm>> -> memref<1x16x2048xi32, #tpu.memory_space<hbm>>
      %dma_start3A_48 = tpu.memref_squeeze %dma_start3A_47 : memref<1x16x2048xi32, #tpu.memory_space<hbm>> -> memref<16x2048xi32, #tpu.memory_space<hbm>>
      %dma_start3A_49 = arith.constant 0 : i32
      %dma_start3A_50 = tpu.memref_slice %dma_start3A_48[%arg1, %dma_start3A_49] : memref<16x2048xi32, #tpu.memory_space<hbm>> -> memref<1x2048xi32, #tpu.memory_space<hbm>>
      %dma_start3A_51 = tpu.memref_squeeze %dma_start3A_50 : memref<1x2048xi32, #tpu.memory_space<hbm>> -> memref<2048xi32, #tpu.memory_space<hbm>>
      %dma_start3A_52 = arith.constant 0 : i32
      %dma_start3A_53 = arith.constant 0 : i32
      %dma_start3A_54 = tpu.memref_slice %arg10[%arg0, %dma_start3A_52, %dma_start3A_53] : memref<2x16x2048xi32, #tpu.memory_space<hbm>> -> memref<1x16x2048xi32, #tpu.memory_space<hbm>>
      %dma_start3A_55 = tpu.memref_squeeze %dma_start3A_54 : memref<1x16x2048xi32, #tpu.memory_space<hbm>> -> memref<16x2048xi32, #tpu.memory_space<hbm>>
      %dma_start3A_56 = arith.constant 0 : i32
      %dma_start3A_57 = tpu.memref_slice %dma_start3A_55[%arg1, %dma_start3A_56] : memref<16x2048xi32, #tpu.memory_space<hbm>> -> memref<1x2048xi32, #tpu.memory_space<hbm>>
      %dma_start3A_58 = tpu.memref_squeeze %dma_start3A_57 : memref<1x2048xi32, #tpu.memory_space<hbm>> -> memref<2048xi32, #tpu.memory_space<hbm>>
      tpu.enqueue_dma source(%arg14 : memref<2048xi32, #tpu.memory_space<vmem>>) target(%dma_start3A_58 : memref<2048xi32, #tpu.memory_space<hbm>>) target_semaphore(%run_scoped3A_45 : memref<!tpu.dma_semaphore, #tpu.memory_space<semaphore_mem>>)
      %dma_wait3A = arith.constant 0 : i32
      %dma_wait3A_59 = arith.constant 0 : i32
      %dma_wait3A_60 = tpu.memref_slice %arg10[%arg0, %dma_wait3A, %dma_wait3A_59] : memref<2x16x2048xi32, #tpu.memory_space<hbm>> -> memref<1x16x2048xi32, #tpu.memory_space<hbm>>
      %dma_wait3A_61 = tpu.memref_squeeze %dma_wait3A_60 : memref<1x16x2048xi32, #tpu.memory_space<hbm>> -> memref<16x2048xi32, #tpu.memory_space<hbm>>
      %dma_wait3A_62 = arith.constant 0 : i32
      %dma_wait3A_63 = tpu.memref_slice %dma_wait3A_61[%arg1, %dma_wait3A_62] : memref<16x2048xi32, #tpu.memory_space<hbm>> -> memref<1x2048xi32, #tpu.memory_space<hbm>>
      %dma_wait3A_64 = tpu.memref_squeeze %dma_wait3A_63 : memref<1x2048xi32, #tpu.memory_space<hbm>> -> memref<2048xi32, #tpu.memory_space<hbm>>
      %dma_wait3A_65 = arith.constant 0 : i32
      %dma_wait3A_66 = arith.constant 0 : i32
      %dma_wait3A_67 = tpu.memref_slice %arg10[%arg0, %dma_wait3A_65, %dma_wait3A_66] : memref<2x16x2048xi32, #tpu.memory_space<hbm>> -> memref<1x16x2048xi32, #tpu.memory_space<hbm>>
      %dma_wait3A_68 = tpu.memref_squeeze %dma_wait3A_67 : memref<1x16x2048xi32, #tpu.memory_space<hbm>> -> memref<16x2048xi32, #tpu.memory_space<hbm>>
      %dma_wait3A_69 = arith.constant 0 : i32
      %dma_wait3A_70 = tpu.memref_slice %dma_wait3A_68[%arg1, %dma_wait3A_69] : memref<16x2048xi32, #tpu.memory_space<hbm>> -> memref<1x2048xi32, #tpu.memory_space<hbm>>
      %dma_wait3A_71 = tpu.memref_squeeze %dma_wait3A_70 : memref<1x2048xi32, #tpu.memory_space<hbm>> -> memref<2048xi32, #tpu.memory_space<hbm>>
      tpu.wait_dma2 semaphore(%run_scoped3A_45 : memref<!tpu.dma_semaphore, #tpu.memory_space<semaphore_mem>>) src(%arg14 : memref<2048xi32, #tpu.memory_space<vmem>>) dst(%dma_wait3A_71 : memref<2048xi32, #tpu.memory_space<hbm>>)
      tpu.yield
    }) : () -> ()
    %swap3A = arith.constant 0 : i32
    %swap3A_32 = arith.index_cast %swap3A : i32 to index
    %swap3A_33 = arith.constant 0 : index
    %swap3A_34 = tpu.vector_load %arg16[%swap3A_32, %swap3A_33] {strides = array<i32>} : memref<1x16xf32, #tpu.memory_space<vmem>>, vector<16xf32>,
    tpu.vector_store %arg16[%swap3A_32, %swap3A_33], %scan3A_30#0 {strides = array<i32>} : memref<1x16xf32, #tpu.memory_space<vmem>>, vector<16xf32>,
    %swap3A_35 = arith.constant 0 : i32
    %swap3A_36 = arith.index_cast %swap3A_35 : i32 to index
    %swap3A_37 = arith.constant 0 : index
    %swap3A_38 = tpu.vector_load %arg17[%swap3A_36, %swap3A_37] {strides = array<i32>} : memref<2x16xi32, #tpu.memory_space<vmem>>, vector<16xi32>,
    tpu.vector_store %arg17[%swap3A_36, %swap3A_37], %scan3A_30#1 {strides = array<i32>} : memref<2x16xi32, #tpu.memory_space<vmem>>, vector<16xi32>,
    %swap3A_39 = arith.constant 1 : i32
    %swap3A_40 = arith.index_cast %swap3A_39 : i32 to index
    %swap3A_41 = arith.constant 0 : index
    %swap3A_42 = tpu.vector_load %arg17[%swap3A_40, %swap3A_41] {strides = array<i32>} : memref<2x16xi32, #tpu.memory_space<vmem>>, vector<16xi32>,
    tpu.vector_store %arg17[%swap3A_40, %swap3A_41], %scan3A_30#2 {strides = array<i32>} : memref<2x16xi32, #tpu.memory_space<vmem>>, vector<16xi32>,
    %run_scoped3A = arith.constant 0 : i32
    "tpu.region"() ({
      %run_scoped3A_45 = tpu.sem_alloc : memref<!tpu.dma_semaphore, #tpu.memory_space<semaphore_mem>>
      %dma_start3A = arith.constant 0 : i32
      %dma_start3A_46 = tpu.memref_slice %arg16[%run_scoped3A, %dma_start3A] : memref<1x16xf32, #tpu.memory_space<vmem>> -> memref<1x16xf32, #tpu.memory_space<vmem>>
      %dma_start3A_47 = tpu.memref_squeeze %dma_start3A_46 : memref<1x16xf32, #tpu.memory_space<vmem>> -> memref<16xf32, #tpu.memory_space<vmem>>
      %dma_start3A_48 = arith.constant 0 : i32
      %dma_start3A_49 = tpu.memref_slice %arg7[%add3A, %dma_start3A_48] : memref<32x16xf32, #tpu.memory_space<hbm>> -> memref<1x16xf32, #tpu.memory_space<hbm>>
      %dma_start3A_50 = tpu.memref_squeeze %dma_start3A_49 : memref<1x16xf32, #tpu.memory_space<hbm>> -> memref<16xf32, #tpu.memory_space<hbm>>
      %dma_start3A_51 = arith.constant 0 : i32
      %dma_start3A_52 = tpu.memref_slice %arg7[%add3A, %dma_start3A_51] : memref<32x16xf32, #tpu.memory_space<hbm>> -> memref<1x16xf32, #tpu.memory_space<hbm>>
      %dma_start3A_53 = tpu.memref_squeeze %dma_start3A_52 : memref<1x16xf32, #tpu.memory_space<hbm>> -> memref<16xf32, #tpu.memory_space<hbm>>
      %dma_start3A_54 = arith.constant 0 : i32
      %dma_start3A_55 = tpu.memref_slice %arg16[%run_scoped3A, %dma_start3A_54] : memref<1x16xf32, #tpu.memory_space<vmem>> -> memref<1x16xf32, #tpu.memory_space<vmem>>
      %dma_start3A_56 = tpu.memref_squeeze %dma_start3A_55 : memref<1x16xf32, #tpu.memory_space<vmem>> -> memref<16xf32, #tpu.memory_space<vmem>>
      tpu.enqueue_dma source(%dma_start3A_56 : memref<16xf32, #tpu.memory_space<vmem>>) target(%dma_start3A_53 : memref<16xf32, #tpu.memory_space<hbm>>) target_semaphore(%run_scoped3A_45 : memref<!tpu.dma_semaphore, #tpu.memory_space<semaphore_mem>>)
      %dma_wait3A = arith.constant 0 : i32
      %dma_wait3A_57 = tpu.memref_slice %arg16[%run_scoped3A, %dma_wait3A] : memref<1x16xf32, #tpu.memory_space<vmem>> -> memref<1x16xf32, #tpu.memory_space<vmem>>
      %dma_wait3A_58 = tpu.memref_squeeze %dma_wait3A_57 : memref<1x16xf32, #tpu.memory_space<vmem>> -> memref<16xf32, #tpu.memory_space<vmem>>
      %dma_wait3A_59 = arith.constant 0 : i32
      %dma_wait3A_60 = tpu.memref_slice %arg7[%add3A, %dma_wait3A_59] : memref<32x16xf32, #tpu.memory_space<hbm>> -> memref<1x16xf32, #tpu.memory_space<hbm>>
      %dma_wait3A_61 = tpu.memref_squeeze %dma_wait3A_60 : memref<1x16xf32, #tpu.memory_space<hbm>> -> memref<16xf32, #tpu.memory_space<hbm>>
      %dma_wait3A_62 = arith.constant 0 : i32
      %dma_wait3A_63 = tpu.memref_slice %arg7[%add3A, %dma_wait3A_62] : memref<32x16xf32, #tpu.memory_space<hbm>> -> memref<1x16xf32, #tpu.memory_space<hbm>>
      %dma_wait3A_64 = tpu.memref_squeeze %dma_wait3A_63 : memref<1x16xf32, #tpu.memory_space<hbm>> -> memref<16xf32, #tpu.memory_space<hbm>>
      %dma_wait3A_65 = arith.constant 0 : i32
      %dma_wait3A_66 = tpu.memref_slice %arg16[%run_scoped3A, %dma_wait3A_65] : memref<1x16xf32, #tpu.memory_space<vmem>> -> memref<1x16xf32, #tpu.memory_space<vmem>>
      %dma_wait3A_67 = tpu.memref_squeeze %dma_wait3A_66 : memref<1x16xf32, #tpu.memory_space<vmem>> -> memref<16xf32, #tpu.memory_space<vmem>>
      tpu.wait_dma2 semaphore(%run_scoped3A_45 : memref<!tpu.dma_semaphore, #tpu.memory_space<semaphore_mem>>) src(%dma_wait3A_67 : memref<16xf32, #tpu.memory_space<vmem>>) dst(%dma_wait3A_64 : memref<16xf32, #tpu.memory_space<hbm>>)
      tpu.yield
    }) : () -> ()
    %run_scoped3A_43 = arith.constant 0 : i32
    "tpu.region"() ({
      %run_scoped3A_45 = tpu.sem_alloc : memref<!tpu.dma_semaphore, #tpu.memory_space<semaphore_mem>>
      %dma_start3A = arith.constant 0 : i32
      %dma_start3A_46 = tpu.memref_slice %arg17[%run_scoped3A_43, %dma_start3A] : memref<2x16xi32, #tpu.memory_space<vmem>> -> memref<1x16xi32, #tpu.memory_space<vmem>>
      %dma_start3A_47 = tpu.memref_squeeze %dma_start3A_46 : memref<1x16xi32, #tpu.memory_space<vmem>> -> memref<16xi32, #tpu.memory_space<vmem>>
      %dma_start3A_48 = arith.constant 0 : i32
      %dma_start3A_49 = tpu.memref_slice %arg8[%add3A, %dma_start3A_48] : memref<32x16xi32, #tpu.memory_space<hbm>> -> memref<1x16xi32, #tpu.memory_space<hbm>>
      %dma_start3A_50 = tpu.memref_squeeze %dma_start3A_49 : memref<1x16xi32, #tpu.memory_space<hbm>> -> memref<16xi32, #tpu.memory_space<hbm>>
      %dma_start3A_51 = arith.constant 0 : i32
      %dma_start3A_52 = tpu.memref_slice %arg8[%add3A, %dma_start3A_51] : memref<32x16xi32, #tpu.memory_space<hbm>> -> memref<1x16xi32, #tpu.memory_space<hbm>>
      %dma_start3A_53 = tpu.memref_squeeze %dma_start3A_52 : memref<1x16xi32, #tpu.memory_space<hbm>> -> memref<16xi32, #tpu.memory_space<hbm>>
      %dma_start3A_54 = arith.constant 0 : i32
      %dma_start3A_55 = tpu.memref_slice %arg17[%run_scoped3A_43, %dma_start3A_54] : memref<2x16xi32, #tpu.memory_space<vmem>> -> memref<1x16xi32, #tpu.memory_space<vmem>>
      %dma_start3A_56 = tpu.memref_squeeze %dma_start3A_55 : memref<1x16xi32, #tpu.memory_space<vmem>> -> memref<16xi32, #tpu.memory_space<vmem>>
      tpu.enqueue_dma source(%dma_start3A_56 : memref<16xi32, #tpu.memory_space<vmem>>) target(%dma_start3A_53 : memref<16xi32, #tpu.memory_space<hbm>>) target_semaphore(%run_scoped3A_45 : memref<!tpu.dma_semaphore, #tpu.memory_space<semaphore_mem>>)
      %dma_wait3A = arith.constant 0 : i32
      %dma_wait3A_57 = tpu.memref_slice %arg17[%run_scoped3A_43, %dma_wait3A] : memref<2x16xi32, #tpu.memory_space<vmem>> -> memref<1x16xi32, #tpu.memory_space<vmem>>
      %dma_wait3A_58 = tpu.memref_squeeze %dma_wait3A_57 : memref<1x16xi32, #tpu.memory_space<vmem>> -> memref<16xi32, #tpu.memory_space<vmem>>
      %dma_wait3A_59 = arith.constant 0 : i32
      %dma_wait3A_60 = tpu.memref_slice %arg8[%add3A, %dma_wait3A_59] : memref<32x16xi32, #tpu.memory_space<hbm>> -> memref<1x16xi32, #tpu.memory_space<hbm>>
      %dma_wait3A_61 = tpu.memref_squeeze %dma_wait3A_60 : memref<1x16xi32, #tpu.memory_space<hbm>> -> memref<16xi32, #tpu.memory_space<hbm>>
      %dma_wait3A_62 = arith.constant 0 : i32
      %dma_wait3A_63 = tpu.memref_slice %arg8[%add3A, %dma_wait3A_62] : memref<32x16xi32, #tpu.memory_space<hbm>> -> memref<1x16xi32, #tpu.memory_space<hbm>>
      %dma_wait3A_64 = tpu.memref_squeeze %dma_wait3A_63 : memref<1x16xi32, #tpu.memory_space<hbm>> -> memref<16xi32, #tpu.memory_space<hbm>>
      %dma_wait3A_65 = arith.constant 0 : i32
      %dma_wait3A_66 = tpu.memref_slice %arg17[%run_scoped3A_43, %dma_wait3A_65] : memref<2x16xi32, #tpu.memory_space<vmem>> -> memref<1x16xi32, #tpu.memory_space<vmem>>
      %dma_wait3A_67 = tpu.memref_squeeze %dma_wait3A_66 : memref<1x16xi32, #tpu.memory_space<vmem>> -> memref<16xi32, #tpu.memory_space<vmem>>
      tpu.wait_dma2 semaphore(%run_scoped3A_45 : memref<!tpu.dma_semaphore, #tpu.memory_space<semaphore_mem>>) src(%dma_wait3A_67 : memref<16xi32, #tpu.memory_space<vmem>>) dst(%dma_wait3A_64 : memref<16xi32, #tpu.memory_space<hbm>>)
      tpu.yield
    }) : () -> ()
    %run_scoped3A_44 = arith.constant 1 : i32
    "tpu.region"() ({
      %run_scoped3A_45 = tpu.sem_alloc : memref<!tpu.dma_semaphore, #tpu.memory_space<semaphore_mem>>
      %dma_start3A = arith.constant 0 : i32
      %dma_start3A_46 = tpu.memref_slice %arg17[%run_scoped3A_44, %dma_start3A] : memref<2x16xi32, #tpu.memory_space<vmem>> -> memref<1x16xi32, #tpu.memory_space<vmem>>
      %dma_start3A_47 = tpu.memref_squeeze %dma_start3A_46 : memref<1x16xi32, #tpu.memory_space<vmem>> -> memref<16xi32, #tpu.memory_space<vmem>>
      %dma_start3A_48 = arith.constant 0 : i32
      %dma_start3A_49 = tpu.memref_slice %arg9[%add3A, %dma_start3A_48] : memref<32x16xi32, #tpu.memory_space<hbm>> -> memref<1x16xi32, #tpu.memory_space<hbm>>
      %dma_start3A_50 = tpu.memref_squeeze %dma_start3A_49 : memref<1x16xi32, #tpu.memory_space<hbm>> -> memref<16xi32, #tpu.memory_space<hbm>>
      %dma_start3A_51 = arith.constant 0 : i32
      %dma_start3A_52 = tpu.memref_slice %arg9[%add3A, %dma_start3A_51] : memref<32x16xi32, #tpu.memory_space<hbm>> -> memref<1x16xi32, #tpu.memory_space<hbm>>
      %dma_start3A_53 = tpu.memref_squeeze %dma_start3A_52 : memref<1x16xi32, #tpu.memory_space<hbm>> -> memref<16xi32, #tpu.memory_space<hbm>>
      %dma_start3A_54 = arith.constant 0 : i32
      %dma_start3A_55 = tpu.memref_slice %arg17[%run_scoped3A_44, %dma_start3A_54] : memref<2x16xi32, #tpu.memory_space<vmem>> -> memref<1x16xi32, #tpu.memory_space<vmem>>
      %dma_start3A_56 = tpu.memref_squeeze %dma_start3A_55 : memref<1x16xi32, #tpu.memory_space<vmem>> -> memref<16xi32, #tpu.memory_space<vmem>>
      tpu.enqueue_dma source(%dma_start3A_56 : memref<16xi32, #tpu.memory_space<vmem>>) target(%dma_start3A_53 : memref<16xi32, #tpu.memory_space<hbm>>) target_semaphore(%run_scoped3A_45 : memref<!tpu.dma_semaphore, #tpu.memory_space<semaphore_mem>>)
      %dma_wait3A = arith.constant 0 : i32
      %dma_wait3A_57 = tpu.memref_slice %arg17[%run_scoped3A_44, %dma_wait3A] : memref<2x16xi32, #tpu.memory_space<vmem>> -> memref<1x16xi32, #tpu.memory_space<vmem>>
      %dma_wait3A_58 = tpu.memref_squeeze %dma_wait3A_57 : memref<1x16xi32, #tpu.memory_space<vmem>> -> memref<16xi32, #tpu.memory_space<vmem>>
      %dma_wait3A_59 = arith.constant 0 : i32
      %dma_wait3A_60 = tpu.memref_slice %arg9[%add3A, %dma_wait3A_59] : memref<32x16xi32, #tpu.memory_space<hbm>> -> memref<1x16xi32, #tpu.memory_space<hbm>>
      %dma_wait3A_61 = tpu.memref_squeeze %dma_wait3A_60 : memref<1x16xi32, #tpu.memory_space<hbm>> -> memref<16xi32, #tpu.memory_space<hbm>>
      %dma_wait3A_62 = arith.constant 0 : i32
      %dma_wait3A_63 = tpu.memref_slice %arg9[%add3A, %dma_wait3A_62] : memref<32x16xi32, #tpu.memory_space<hbm>> -> memref<1x16xi32, #tpu.memory_space<hbm>>
      %dma_wait3A_64 = tpu.memref_squeeze %dma_wait3A_63 : memref<1x16xi32, #tpu.memory_space<hbm>> -> memref<16xi32, #tpu.memory_space<hbm>>
      %dma_wait3A_65 = arith.constant 0 : i32
      %dma_wait3A_66 = tpu.memref_slice %arg17[%run_scoped3A_44, %dma_wait3A_65] : memref<2x16xi32, #tpu.memory_space<vmem>> -> memref<1x16xi32, #tpu.memory_space<vmem>>
      %dma_wait3A_67 = tpu.memref_squeeze %dma_wait3A_66 : memref<1x16xi32, #tpu.memory_space<vmem>> -> memref<16xi32, #tpu.memory_space<vmem>>
      tpu.wait_dma2 semaphore(%run_scoped3A_45 : memref<!tpu.dma_semaphore, #tpu.memory_space<semaphore_mem>>) src(%dma_wait3A_67 : memref<16xi32, #tpu.memory_space<vmem>>) dst(%dma_wait3A_64 : memref<16xi32, #tpu.memory_space<hbm>>)
      tpu.yield
    }) : () -> ()
    return
  }
}

</mosaic_0001>

<sc_bundles>
// kernel: body.12.cloned.1.call-start
scs
__scs_entry_jumppad:
0x0: {  	(pc) =	sbr.rel $0x88, $3  }
0x1: {  	(tag) =	ssettag $0x0;
	lr =	simm.s32 $0x1  }
0x2: {  	[smem:$0x3F9C] =	sst lr;
	_ =	strace $0xD0000000  }
0x3: {  	_ = 	snop  }
0x4: {  	_ = 	snop  }
0x5: {  	_ = 	snop  }
0x6: {  	_ = 	snop  }
0x7: {  	_ = 	snop  }
__scs_overlays_trampoline_lowered:
0x8: {  	[smem:$0x3FAB] =	sst s0  }
0x9: {  	[smem:$0x3FAC] =	sst s1  }
0xa: {  	[smem:$0x3FAD] =	sst s2  }
0xb: {  	[smem:$0x3FAE] =	sst s3  }
0xc: {  	[smem:$0x3FAF] =	sst s4  }
0xd: {  	[smem:$0x3FB0] =	sst s5  }
0xe: {  	[smem:$0x3FB1] =	sst s6  }
0xf: {  	[smem:$0x3FB2] =	sst s7  }
0x10: {  	[smem:$0x3FB3] =	sst s8  }
0x11: {  	[smem:$0x3FB4] =	sst s9;
	s0 =	simm.s32 @!p0 $0x0  }
0x12: {  	s1 =	sld [smem:$0x3F9A];
	s0 =	simm.s32 @p0 $0x1  }
0x13: {  	[smem:$0x3FB5] =	sst s0;
	s0 =	simm.s32 @!p1 $0x0  }
0x14: {  	s2 =	sld [smem:$0x3F99];
	s0 =	simm.s32 @p1 $0x1  }
0x15: {  	[smem:$0x3FB6] =	sst s0;
	s0 =	simm.s32 @!p2 $0x0  }
0x16: {  	s3 =	sld [smem:$0x3FDB];
	s0 =	simm.s32 @p2 $0x1  }
0x17: {  	s4 =	simm.s32 $0x1BF5;
	[smem:$0x3FB8] =	sst s0  }
0x18: {  	s0 =	sld [smem:$0x3F9B];
	_ =	swait.ge [sflag:s4], $0x0  }
0x19: {  	s7 =	sld [smem:$0x3F9C]  }
0x1a: {  	s8 =	sadd.s32 $0xFFFFE003, lr  }
0x1b: {  	s9 =	sadd.s32 $0xFFFFFEF7, lr;
	s5 =	simm.s32 $0xFFFFFFFF;
	p2 =	slt.u32 s8, $0xFFFFF086  }
0x1c: {  	p1 =	slt.u32 s9, $0xF7A;
	s5 =	simm.s32 @!p2 $0x0  }
0x1d: {  	s5 =	simm.s32 @p1 $0x1;
	p0 =	seq.s32 s7, s2  }
0x1e: {  	s7 =	smul.u32 @!p0 $0xF7A, s2;
	p2 =	seq.s32 @!p0 s5, $0x0  }
0x1f: {  	s9 =	smul.u32 $0xF7A, s1;
	s8 =	simm.s32 @!p0 $0x1BF5;
	p2 =	por !p2, p0  }
0x20: {  	[sflag:s8] =	ssyncset.s32 @!p0 $0xFFFFF086;
	s6 =	sadd.s32 @!p0 s3, s7;
	s7 =	simm.s32 @!p0 $0x108  }
0x21: {  	s3 =	sadd.s32 s3, s9;
	s6 =	sadd.s32 @!p0 $0x88, s6;
	s7 =	simm.s32 @p2 $0x1082  }
0x22: {  	[simem:s7], [sflag:s8] =	dma.local @!p0 [hbm:s6], $0xF7A  }
0x23: {  	s9 =	sor.u32 $0xD0000000, s2;
	s6 =	simm.s32 $0x108;
	_ =	swait.ge @!p0 [sflag:s8], $0x0  }
0x24: {  	s3 =	sadd.s32 $0x88, s3;
	s6 =	simm.s32 @!p1 $0x1082;
	[sflag:s4] =	ssyncset.s32 $0xFFFFF086  }
0x25: {  	[simem:s6], [sflag:s4] =	dma.local [hbm:s3], $0xF7A  }
0x26: {  	[smem:$0x3F9C] =	sst s1;
	(tag) =	ssettag s2;
	_ =	strace s9  }
0x27: {  	s1 =	sld [smem:$0x3FAC]  }
0x28: {  	s2 =	sld [smem:$0x3FAD]  }
0x29: {  	s4 =	sld [smem:$0x3FAF]  }
0x2a: {  	p0 =	seq.s32 s5, $0x0;
	s5 =	sld [smem:$0x3FB0]  }
0x2b: {  	s6 =	sld [smem:$0x3FB1]  }
0x2c: {  	s7 =	sld [smem:$0x3FB2]  }
0x2d: {  	s3 =	simm.s32 $0x108;
	s8 =	sld [smem:$0x3FB3]  }
0x2e: {  	s3 =	simm.s32 @!p0 $0x1082;
	s9 =	sld [smem:$0x3FB4]  }
0x2f: {  	lr =	sadd.s32 s0, s3;
	s0 =	sld [smem:$0x3FAB]  }
0x30: {  	s3 =	sld [smem:$0x3FAE]  }
0x31: {  	[smem:$0x3FB7] =	sst s10  }
0x32: {  	s10 =	sld [smem:$0x3FB5];
	_ =	sdelay $0x3  }
0x33: {  	p0 =	seq.s32 s10, $0x1;
	s10 =	sld [smem:$0x3FB7];
	_ =	sdelay $0x3  }
0x34: {  	[smem:$0x3FB7] =	sst s10  }
0x35: {  	s10 =	sld [smem:$0x3FB6];
	_ =	sdelay $0x3  }
0x36: {  	p1 =	seq.s32 s10, $0x1;
	s10 =	sld [smem:$0x3FB7];
	_ =	sdelay $0x3  }
0x37: {  	[smem:$0x3FB7] =	sst s10  }
0x38: {  	s10 =	sld [smem:$0x3FB8]  }
0x39: {  	_ = 	snop;
	(pc) =	sbr.ind lr, $3  }
0x3a: {  	_ = 	snop  }
0x3b: {  	_ = 	snop  }
0x3c: {  	p2 =	seq.s32 s10, $0x1;
	s10 =	sld [smem:$0x3FB7]  }
0x3d: {  	_ =	shalt  }
0x3e: {  	_ =	shalt  }
0x3f: {  	_ =	shalt  }
0x40: {  	_ =	shalt  }
0x41: {  	_ =	shalt  }
0x42: {  	_ =	shalt  }
0x43: {  	_ =	shalt  }
0x44: {  	_ =	shalt  }
0x45: {  	_ =	shalt  }
0x46: {  	_ =	shalt  }
0x47: {  	_ =	shalt  }
0x48: {  	_ =	shalt  }
0x49: {  	_ =	shalt  }
0x4a: {  	_ =	shalt  }
0x4b: {  	_ =	shalt  }
0x4c: {  	_ =	shalt  }
0x4d: {  	_ =	shalt  }
0x4e: {  	_ =	shalt  }
0x4f: {  	_ =	shalt  }
0x50: {  	_ =	shalt  }
0x51: {  	_ =	shalt  }
0x52: {  	_ =	shalt  }
0x53: {  	_ =	shalt  }
0x54: {  	_ =	shalt  }
0x55: {  	_ =	shalt  }
0x56: {  	_ =	shalt  }
0x57: {  	_ =	shalt  }
0x58: {  	_ =	shalt  }
0x59: {  	_ =	shalt  }
0x5a: {  	_ =	shalt  }
0x5b: {  	_ =	shalt  }
0x5c: {  	_ =	shalt  }
0x5d: {  	_ =	shalt  }
0x5e: {  	_ =	shalt  }
0x5f: {  	_ =	shalt  }
0x60: {  	_ =	shalt  }
0x61: {  	_ =	shalt  }
0x62: {  	_ =	shalt  }
0x63: {  	_ =	shalt  }
0x64: {  	_ =	shalt  }
0x65: {  	_ =	shalt  }
0x66: {  	_ =	shalt  }
0x67: {  	_ =	shalt  }
0x68: {  	_ =	shalt  }
0x69: {  	_ =	shalt  }
0x6a: {  	_ =	shalt  }
0x6b: {  	_ =	shalt  }
0x6c: {  	_ =	shalt  }
0x6d: {  	_ =	shalt  }
0x6e: {  	_ =	shalt  }
0x6f: {  	_ =	shalt  }
0x70: {  	_ =	shalt  }
0x71: {  	_ =	shalt  }
0x72: {  	_ =	shalt  }
0x73: {  	_ =	shalt  }
0x74: {  	_ =	shalt  }
0x75: {  	_ =	shalt  }
0x76: {  	_ =	shalt  }
0x77: {  	_ =	shalt  }
0x78: {  	_ =	shalt  }
0x79: {  	_ =	shalt  }
0x7a: {  	_ =	shalt  }
0x7b: {  	_ =	shalt  }
0x7c: {  	_ =	shalt  }
0x7d: {  	_ =	shalt  }
0x7e: {  	_ =	shalt  }
0x7f: {  	_ =	shalt  }
0x80: {  	_ =	shalt  }
0x81: {  	_ =	shalt  }
0x82: {  	_ =	shalt  }
0x83: {  	_ =	shalt  }
0x84: {  	_ =	shalt  }
0x85: {  	_ =	shalt  }
0x86: {  	_ =	shalt  }
0x87: {  	_ =	shalt  }
.Lfunc_end0:
.L_simem_size_0:
called_computation.4_lowered:
.L_overlay_start_0:
0x88: {  	s2 =	sld [smem:$0x3FD9]  }
0x89: {  	s3 =	sld [smem:$0x3FFE];
	_ =	sdelay $0x1  }
0x8a: {  	s1 =	srdreg.scid  }
0x8b: {  	s0 =	sand.u32 $0x1, s1  }
0x8c: {  	s16 =	sshll.u32 s0, $0xA;
	s2 =	sadd.s32 s3, s2  }
0x8d: {  	s2 =	sadd.s32 s2, s16  }
0x8e: {  	[smem:$0x3FC3] =	sst s2  }
0x8f: {  	_ = 	snop  }
0x90: {  	(tm) =	ssettm $0x1  }
0x91: {  	s17 =	sld [smem:$0x3FFB];
	_ =	sdelay $0x3  }
0x92: {  	_ =	strace s17  }
0x93: {  	s2 =	sld [smem:$0x3FFC];
	_ =	sdelay $0x3  }
0x94: {  	_ =	strace s2  }
0x95: {  	s2 =	sld [smem:$0x3FFD];
	_ =	sdelay $0x3  }
0x96: {  	_ =	strace s2  }
0x97: {  	_ =	strace $0x8FFFFFFF  }
0x98: {  	s18 =	sld [smem:$0x3FDB];
	_ =	sdelay $0x1  }
0x99: {  	s19 =	simm.s32 $_scs_section_size  }
0x9a: {  	s4 =	simm.s32 $_size__tile_overlayer_lowered;
	s5 =	simm.s32 $_tile_overlayer_lowered  }
0x9b: {  	s22 =	simm.s32 $0x1BFF;
	s21 =	sshll.u32 s5, $0x1;
	s2 =	sadd.s32 s19, s18  }
0x9c: {  	s6 =	simm.s32 $0x0;
	s20 =	sshll.u32 s4, $0x1;
	s4 =	sadd.s32 s21, s2  }
0x9d: {  	[timem:s6], [sflag:s22] =	dma.local [hbm:s4], s20  }
0x9e: {  	_ =	swait.ge [sflag:s22], s20  }
0x9f: {  	s3 =	ssub.s32 $0x0, s20;
	[sflag:s22] =	ssyncset.done $0x0  }
0xa0: {  	[sflag:s22] =	ssyncadd.s32 s3;
	_ =	sdelay $0x1  }
0xa1: {  	s23 =	simm.s32 $0x1B8B  }
0xa2: {  	_ =	swait.ge [sflag:s23], $0x1  }
0xa3: {  	[sflag:s23] =	ssyncset.done $0x0  }
0xa4: {  	s25 =	simm.s32 $0x1B8E;
	s24 =	sld [smem:$0x3FFE];
	[sflag:s23] =	ssyncadd.s32 $0xFFFFFFFF  }
0xa5: {  	s26 =	simm.s32 $execute0_lowered;
	[smem:$0x3FD2] =	sst s25  }
0xa6: {  	s4 =	sshll.u32 s26, $0x1;
	_ =	strace $0x80000052;
	[dreg:$0x1] =	wrdreg $0xFFFFFFFF  }
0xa7: {  	s28 =	simm.s32 $_size_execute0_lowered;
	s2 =	sadd.s32 s2, s4;
	[dreg:$0x0] =	wrdreg $0x0  }
0xa8: {  	s4 =	sshll.u32 s28, $0x1;
	[dreg:$0x2] =	wrdreg s2  }
0xa9: {  	[dreg:$0x3] =	wrdreg s4  }
0xaa: {  	[dreg:$0x4] =	wrdreg $0xC0  }
0xab: {  	_ =	task [dreg:s6], $0x5FFFF  }
0xac: {  	[dreg:$0x1] =	wrdreg $0xFFFFFFFF  }
0xad: {  	[dreg:$0x0] =	wrdreg $0x60  }
0xae: {  	[dreg:$0x2] =	wrdreg s24  }
0xaf: {  	[dreg:$0x3] =	wrdreg $0x6A080  }
0xb0: {  	[dreg:$0x4] =	wrdreg $0x2A000  }
0xb1: {  	[dreg:$0x5] =	wrdreg $0x9  }
0xb2: {  	_ =	task.clear_ibuf [dreg:s6], $0x6FFFF;
	_ =	strace $0x90000052  }
0xb3: {  	s29 =	simm.s32 $0x9;
	_ =	strace $0x80000054  }
0xb4: {  	_ =	swait.ge [sflag:s29], $0x1  }
0xb5: {  	[sflag:s29] =	ssyncadd.s32 $0xFFFFFFFF  }
0xb6: {  	_ =	strace $0x90000054  }
0xb7: {  	_ =	sfence  }
0xb8: {  	s30 =	sld [smem:$0x0];
	_ =	sdelay $0x2  }
0xb9: {  	s31 =	sshll.u32 s1, $0xD;
	s1 =	sshrl.u32 s1, $0x2  }
0xba: {  	s3 =	sand.u32 $0x4000, s31;
	s1 =	sadd.s32 s1, s30  }
0xbb: {  	s0 =	sor.u32 s3, s0;
	s1 =	sshll.u32 s1, $0x11  }
0xbc: {  	s0 =	sor.u32 s1, s0  }
0xbd: {  	s0 =	sadd.s32 $0x8F2B, s0  }
0xbe: {  	[sflag:s0] =	ssyncadd.remote.s32 $0x1  }
0xbf: {  	_ =	sfence.sel $0xFFFF  }
0xc0: {  	[dreg:$0x0] =	wrdreg $0xFFFFFFFF;
	(pc) =	sbr.abs _section_cstart, $3  }
0xc1: {  	[dreg:$0x1] =	wrdreg $0xFFFFFFFF  }
0xc2: {  	_ =	task.clear_ibuf [dreg:s6], $0x2FFFF;
	_ =	strace $0x9FFFFFFF  }
0xc3: {  	(tm) =	ssettm $0x7FFFFFFF  }
tec
execute0_lowered:
.L_overlay_start_1:
0x0: {  	(tag) =	ssettag $0x1  }
0x1: {  	s0 =	rddreg [dreg:$0x0]  }
0x2: {  	s2 =	rddreg [dreg:$0x1]  }
0x3: {  	s3 =	rddreg [dreg:$0x2];
	s1 =	srdreg.scid  }
0x4: {  	s9 =	stileid.u32;
	s4 =	simm.s32 $0x0;
	s14 =	simm.s32 $0x80  }
0x5: {  	s15 =	simm.s32 $0x400;
	s16 =	simm.s32 $0x1;
	s17 =	simm.s32 $0x800  }
0x6: {  	s19 =	simm.s32 $0x1000;
	s20 =	simm.s32 $0x2980;
	s21 =	simm.s32 $0x1800  }
0x7: {  	s22 =	simm.s32 $0x2000;
	s25 =	simm.s32 $0x2800;
	s28 =	simm.s32 $0x2900  }
0x8: {  	s29 =	simm.s32 $0x0;
	s1 =	sand.u32 $0x1, s1;
	s7 =	sshll.u32 s9, $0x7  }
0x9: {  	[smem:$0x7FF] =	sst s4;
	s5 =	sshll.u32 s1, $0xB;
	s6 =	sand.u32 $0x400, s7  }
0xa: {  	s8 =	sand.u32 $0x380, s7;
	_ =	strace $0x80000053;
	s26 =	ssub.s32 $0x2, s1  }
0xb: {  	s1 =	sshll.u32 s1, $0xC;
	s5 =	sor.u32 s5, s6;
	s6 =	sadd.s32 $0x6200, s0  }
0xc: {  	s30 =	sshrl.u32 s26, $0x1;
	s1 =	sadd.s32 s1, s0;
	s8 =	sor.u32 s8, s5  }
0xd: {  	s5 =	sshll.u32 s9, $0xB;
	s13 =	ssub.s32 s26, s30;
	s31 =	sadd.s32 $0x4200, s1  }
0xe: {  	s23 =	sadd.s32 $0x2000, s1;
	s1 =	sadd.s32 $0x6400, s1;
	s26 =	simm.s32 $0x2880  }
0xf: {  	s8 =	sshrl.u32 s8, $0x3;
	s7 =	sor.u32 s7, s5;
	s9 =	sadd.s32 s5, s2  }
0x10: {  	s13 =	smax.u32 s13, $0x1;
	s12 =	sadd.s32 s8, s0;
	s7 =	sand.u32 $0x4380, s7  }
0x11: {  	s24 =	sshrl.u32 s7, $0x3;
	s10 =	sadd.s32 $0x8400, s12;
	s11 =	sadd.s32 $0x8600, s12  }
0x12: {  	s12 =	sadd.s32 $0x4000, s12;
	s7 =	sadd.s32 s0, s24;
	s18 =	sadd.s32 s24, s31  }
0x13: {  	v0 =	vlaneseq.u32;
	v1 =	vimm.s32 $0x0;
	s23 =	sadd.s32 s24, s23;
	s24 =	sadd.s32 s24, s1;
	s8 =	sadd.s32 $0x1000, s7  }
.LBB2_1:
0x14: {  	[tilespmem:s4], [sflag:$0x1] =	stream.strided.gather [hbm4b:s8+s14], $0x800, s15, s14, $0x38;
	[tilespmem:$0x7208] =	vst v63  }
0x15: {  	_ =	swait.ge [sflag:s16], $0x800  }
0x16: {  	[sflag:s16] =	ssyncset.done $0x0  }
0x17: {  	[sflag:s16] =	ssyncadd.s32 $0xFFFFF800  }
0x18: {  	[tilespmem:s17], [sflag:$0x1] =	stream.strided.gather [hbm4b:s7+s14], $0x800, s15, s14, $0x38;
	[tilespmem:$0x7208] =	vst v63  }
0x19: {  	_ =	swait.ge [sflag:s16], $0x800  }
0x1a: {  	[sflag:s16] =	ssyncset.done $0x0  }
0x1b: {  	[sflag:s16] =	ssyncadd.s32 $0xFFFFF800  }
0x1c: {  	[tilespmem:s19], [sflag:$0x1] =	stream.strided.gather [hbm4b:s18+s14], $0x800, s15, s14, $0x38;
	[tilespmem:$0x7208] =	vst v63  }
0x1d: {  	_ =	swait.ge [sflag:s16], $0x800  }
0x1e: {  	[sflag:s16] =	ssyncset.done $0x0  }
0x1f: {  	[sflag:s16] =	ssyncadd.s32 $0xFFFFF800  }
0x20: {  	[tilespmem:s20], [sflag:$0x1] =	stream.linear.gather [hbm4b:s6+s4], $0x80, $0x38;
	[tilespmem:$0x7208] =	vst v63  }
0x21: {  	_ =	swait.ge [sflag:s16], $0x80  }
0x22: {  	[sflag:s16] =	ssyncset.done $0x0  }
0x23: {  	[sflag:s16] =	ssyncadd.s32 $0xFFFFFF80  }
0x24: {  	[spmem:s9] =	stream.linear.scatter [tilespmem:s4], [sflag:$0x1], $0x800, $0x38;
	[tilespmem:$0x7208] =	vst v63  }
0x25: {  	_ =	swait.ge [sflag:s16], $0x800  }
0x26: {  	[sflag:s16] =	ssyncset.done $0x0  }
0x27: {  	[sflag:s16] =	ssyncadd.s32 $0xFFFFF800  }
0x28: {  	s0 =	simm.s32 $0x0;
	v3 =	vld [tilespmem:$0x2980]  }
0x29: {  	v4 =	vld [tilespmem:s0+$0x0];
	_ =	sdelay $0x1  }
0x2a: {  	v5 =	vld [tilespmem:s0+$0x1000]  }
0x2b: {  	v2 =	vor.u32 s5, v0  }
0x2c: {  	s1 =	simm.s32 $0x40;
	s30 =	sadd.s32 $0x10, s5;
	[tilespmem:s0+$0x2000] =	vst v2  }
.LBB2_2:
0x2d: {  	s31 =	sshra.s32 s1, $0x2;
	v6 =	vor.u32 s30, v0;
	p0 =	sne.s32 s1, $0x1FC0;
	s1 =	sadd.s32 $0x40, s1;
	v7 =	vmul.u32 v3, v4  }
.Ltmp0:
0x2e: {  	v4 =	vld [tilespmem:s31+$0x0];
	[tilespmem:s31+$0x2000] =	vst v6;
	(pc) =	sbr.rel @p0 .LBB2_2-.Ltmp0, $4  }
0x2f: {  	v6 =	vshrl.u32 v7, $0xE;
	vm0 =	veq.s32 v5, $0x0  }
0x30: {  	v5 =	vld [tilespmem:s31+$0x1000];
	v6 =	vnsel vm0, $0x40000, v6  }
0x31: {  	[tilespmem:s0+$0x1800] =	vst v6;
	s0 =	smov.u32 s31  }
0x32: {  	s30 =	sadd.s32 $0x10, s30  }
0x33: {  	v3 =	vmul.u32 v3, v4;
	_ =	sdelay $0x1  }
0x34: {  	v3 =	vshrl.u32 v3, $0xE;
	vm0 =	veq.s32 v5, $0x0  }
0x35: {  	v3 =	vnsel vm0, $0x40000, v3  }
0x36: {  	[tilespmem:s0+$0x1800] =	vst v3  }
0x37: {  	[spmem:s3] =	stream.indirect.scatter [tilespmem:s22], [sflag:$0x1], $0x1, s21, s17, $0xb8;
	[tilespmem:$0x7208] =	vst v63  }
0x38: {  	_ =	swait.ge [sflag:s16], $0x800  }
0x39: {  	[sflag:s16] =	ssyncset.done $0x0  }
0x3a: {  	[sflag:s16] =	ssyncadd.s32 $0xFFFFF800  }
0x3b: {  	[bflag:$0x0] =	sbarrier.arrive $0xFFFF  }
0x3c: {  	[tilespmem:s22], [sflag:$0x1] =	stream.indirect.gather [spmem:s3], $0x1, s21, s17, $0xb8;
	[tilespmem:$0x7208] =	vst v63  }
0x3d: {  	_ =	swait.ge [sflag:s16], $0x800  }
0x3e: {  	[sflag:s16] =	ssyncset.done $0x0  }
0x3f: {  	s0 =	simm.s32 $0x0;
	[sflag:s16] =	ssyncadd.s32 $0xFFFFF800  }
0x40: {  	v4 =	vld [tilespmem:s0+$0x2000]  }
0x41: {  	v3 =	vld [tilespmem:s0+$0x1000];
	_ =	sdelay $0x4  }
0x42: {  	vm15 =	veq.s32 v3, $0x0;
	vm1 =	veq.s32 v4, v2  }
0x43: {  	vm2 =	vne.s32 v4, v2;
	vm1 =	vmand vm1, vm15  }
0x44: {  	s30 =	simm.s32 $0x10;
	vm0 =	vmand vm2, vm15;
	v5 =	vsel vm1, $0x2, v3  }
0x45: {  	s1 =	simm.s32 $0x80;
	s31 =	smov.u32 s5;
	v3 =	vld [tilespmem:s30+$0x2000];
	v4 =	vnsel vm0, $0x0, v4;
	[tilespmem:s0+$0x1000] =	vst v5  }
.LBB2_4:
0x46: {  	p0 =	sne.s32 s1, $0x1FC0;
	v5 =	vld [tilespmem:s30+$0x1000];
	[tilespmem:s0+$0x1800] =	vst v4;
	s0 =	smov.u32 s30;
	_ =	sdelay $0x2  }
0x47: {  	s31 =	sadd.s32 $0x10, s31  }
.Ltmp1:
0x48: {  	v4 =	vor.u32 s31, v0;
	(pc) =	sbr.rel @p0 .LBB2_4-.Ltmp1, $4  }
0x49: {  	vm1 =	veq.s32 v3, v4;
	vm2 =	vne.s32 v3, v4;
	vm0 =	veq.s32 v5, $0x0  }
0x4a: {  	vm1 =	vmand vm1, vm0;
	vm0 =	vmand vm2, vm0  }
0x4b: {  	s30 =	sshra.s32 s1, $0x2;
	v5 =	vsel vm1, $0x2, v5;
	v4 =	vnsel vm0, $0x0, v3  }
0x4c: {  	s1 =	sadd.s32 $0x40, s1;
	v3 =	vld [tilespmem:s30+$0x2000];
	[tilespmem:s0+$0x1000] =	vst v5  }
0x4d: {  	v5 =	vld [tilespmem:s30+$0x1000];
	_ =	sdelay $0x2  }
0x4e: {  	s1 =	sadd.s32 $0x10, s31  }
0x4f: {  	v6 =	vor.u32 s1, v0  }
0x50: {  	vm1 =	veq.s32 v3, v6;
	vm0 =	veq.s32 v5, $0x0  }
0x51: {  	vm2 =	vne.s32 v3, v6;
	vm1 =	vmand vm1, vm0  }
0x52: {  	[tilespmem:s0+$0x1800] =	vst v4;
	vm0 =	vmand vm2, vm0;
	v4 =	vsel vm1, $0x2, v5  }
0x53: {  	v3 =	vnsel vm0, $0x0, v3;
	[tilespmem:s30+$0x1000] =	vst v4  }
0x54: {  	[tilespmem:s30+$0x1800] =	vst v3  }
0x55: {  	[tilespmem:s22], [sflag:$0x1] =	stream.indirect.gather [spmem:s2], $0x1, s21, s17, $0xb8;
	[tilespmem:$0x7208] =	vst v63  }
0x56: {  	_ =	swait.ge [sflag:s16], $0x800  }
0x57: {  	[sflag:s16] =	ssyncset.done $0x0  }
0x58: {  	s1 =	simm.s32 $0x0;
	[sflag:s16] =	ssyncadd.s32 $0xFFFFF800  }
0x59: {  	v3 =	vld [tilespmem:s1+$0x2000]  }
0x5a: {  	v4 =	vld [tilespmem:s1+$0x0]  }
0x5b: {  	v5 =	vld [tilespmem:s1+$0x1000];
	_ =	sdelay $0x4  }
0x5c: {  	vm1 =	veq.s32 v5, $0x0;
	vm2 =	veq.s32 v3, v4  }
0x5d: {  	vm0 =	veq.s32 v5, $0x2;
	vm1 =	vmand vm1, vm2  }
0x5e: {  	vm1 =	vmor vm0, vm1  }
0x5f: {  	v3 =	vsel vm1, $0x1, v5  }
0x60: {  	vm1 =	vne.s32 v3, $0x0  }
0x61: {  	vm2 =	veq.s32 v3, $0x0;
	v4 =	vsel vm1, $0x1, v1  }
0x62: {  	v5 =	vsel vm2, $0x1, v1;
	(xrf0) =	vadd.scan.msk.s32 $0xffff, v4  }
0x63: {  	(xrf0) =	vadd.scan.msk.s32 $0xffff, v5;
	_ =	sdelay $0x1  }
0x64: {  	v6 =	vmpcnt.ones.xlane vm2  }
0x65: {  	v10 =	vimm.s32 $0x0  }
0x66: {  	v4 =	vsel vm1, $0xFFFFFFFF, v1;
	v11 =	vsub.s32 v10, v6  }
0x67: {  	v7 =	vsel vm2, $0xFFFFFFFF, v1;
	v4 =	vsub.s32 v4, v11;
	v8, _, _ =	vpop (xrf0)  }
0x68: {  	v7 =	vadd.s32 v7, v10;
	v4 =	vadd.s32 v8, v4;
	v8, _, _ =	vpop (xrf0)  }
0x69: {  	v7 =	vadd.s32 v8, v7;
	v4 =	vadd.s32 $0x7F0, v4  }
0x6a: {  	v4 =	vsel vm2, v7, v4;
	_ =	sdelay $0x3  }
0x6b: {  	[tilespmem:s1+$0x1000] =	vst v3  }
0x6c: {  	s30 =	simm.s32 $0x10;
	v8 =	vld [tilespmem:s1+$0x800];
	[tilespmem:v4+s21+$0x0] =	vst.idx.msk $0xffff, v2  }
0x6d: {  	v7 =	vadd.s32 v10, v6;
	v6 =	vadd.s32 $0x10, v11;
	v2 =	vsel vm0, $0x1, v1;
	v9 =	vld [tilespmem:s30+$0x2000]  }
0x6e: {  	s0 =	simm.s32 $0x80;
	s31 =	smov.u32 s5;
	v4 =	vimm.f32 $0.0e+00;
	v3 =	vadd.s32 v2, v10;
	v2 =	vadd.s32 v5, v10;
	v10 =	vld [tilespmem:s30+$0x0];
	v5 =	vmovc v7  }
.LBB2_6:
0x6f: {  	p0 =	sne.s32 s0, $0x1FC0;
	v11 =	vld [tilespmem:s30+$0x1000];
	_ =	sdelay $0x1  }
0x70: {  	v8 =	vnsel vm0, $0x0, v8  }
0x71: {  	v4 =	vadd.f32 v8, v4;
	_ =	sdelay $0x1  }
0x72: {  	vm2 =	veq.s32 v9, v10;
	vm1 =	veq.s32 v11, $0x0  }
0x73: {  	vm0 =	veq.s32 v11, $0x2;
	vm1 =	vmand vm1, vm2  }
0x74: {  	v8 =	vsel vm0, $0x1, v1;
	vm1 =	vmor vm0, vm1  }
0x75: {  	v3 =	vadd.s32 v8, v3;
	v8 =	vsel vm1, $0x1, v11  }
0x76: {  	vm1 =	vne.s32 v8, $0x0  }
0x77: {  	vm2 =	veq.s32 v8, $0x0;
	v9 =	vsel vm1, $0x1, v1  }
0x78: {  	v10 =	vsel vm2, $0x1, v1;
	(xrf0) =	vadd.scan.msk.s32 $0xffff, v9  }
0x79: {  	v2 =	vadd.s32 v10, v2;
	(xrf0) =	vadd.scan.msk.s32 $0xffff, v10;
	_ =	sdelay $0x1  }
0x7a: {  	v9 =	vmpcnt.ones.xlane vm2;
	_ =	sdelay $0x1  }
0x7b: {  	v10 =	vsel vm1, $0xFFFFFFFF, v1;
	v12 =	vsub.s32 v6, v9;
	v7 =	vadd.s32 v7, v9  }
0x7c: {  	v9 =	vsel vm2, $0xFFFFFFFF, v1;
	v6 =	vadd.s32 $0x10, v12;
	v10 =	vsub.s32 v10, v12;
	v11, _, _ =	vpop (xrf0)  }
0x7d: {  	v9 =	vadd.s32 v9, v5;
	v5 =	vmov v7;
	v10 =	vadd.s32 v11, v10;
	v11, _, _ =	vpop (xrf0)  }
0x7e: {  	v9 =	vadd.s32 v11, v9;
	v10 =	vadd.s32 $0x7F0, v10  }
0x7f: {  	v9 =	vsel vm2, v9, v10;
	_ =	sdelay $0x2  }
.Ltmp2:
0x80: {  	s31 =	sadd.s32 $0x10, s31;
	(pc) =	sbr.rel @p0 .LBB2_6-.Ltmp2, $4  }
0x81: {  	v10 =	vor.u32 s31, v0;
	[tilespmem:s30+$0x1000] =	vst v8  }
0x82: {  	v8 =	vld [tilespmem:s30+$0x800];
	s30 =	sshra.s32 s0, $0x2;
	[tilespmem:v9+s21+$0x0] =	vst.idx.msk $0xffff, v10  }
0x83: {  	v9 =	vld [tilespmem:s30+$0x2000]  }
0x84: {  	s0 =	sadd.s32 $0x40, s0;
	v10 =	vld [tilespmem:s30+$0x0]  }
0x85: {  	v7 =	vld [tilespmem:s30+$0x1000];
	_ =	sdelay $0x4  }
0x86: {  	vm3 =	veq.s32 v9, v10;
	vm2 =	veq.s32 v7, $0x0  }
0x87: {  	vm1 =	veq.s32 v7, $0x2;
	vm2 =	vmand vm2, vm3  }
0x88: {  	vm2 =	vmor vm1, vm2  }
0x89: {  	v7 =	vsel vm2, $0x1, v7  }
0x8a: {  	vm2 =	vne.s32 v7, $0x0  }
0x8b: {  	vm15 =	veq.s32 v7, $0x0;
	v53 =	vsel vm2, $0x1, v1  }
0x8c: {  	v54 =	vsel vm15, $0x1, v1;
	(xrf0) =	vadd.scan.msk.s32 $0xffff, v53  }
0x8d: {  	(xrf0) =	vadd.scan.msk.s32 $0xffff, v54;
	_ =	sdelay $0x1  }
0x8e: {  	v55 =	vmpcnt.ones.xlane vm15;
	_ =	sdelay $0x1  }
0x8f: {  	v11 =	vsel vm2, $0xFFFFFFFF, v1;
	v6 =	vsub.s32 v6, v55  }
0x90: {  	v56 =	vsel vm15, $0xFFFFFFFF, v1;
	v6 =	vsub.s32 v11, v6;
	v57, _, _ =	vpop (xrf0)  }
0x91: {  	v5 =	vadd.s32 v56, v5;
	v6 =	vadd.s32 v57, v6;
	v58, _, _ =	vpop (xrf0)  }
0x92: {  	v5 =	vadd.s32 v58, v5;
	v6 =	vadd.s32 $0x7F0, v6  }
0x93: {  	v5 =	vsel vm15, v5, v6;
	_ =	sdelay $0x2  }
0x94: {  	s0 =	sadd.s32 $0x10, s31  }
0x95: {  	v59 =	vor.u32 s0, v0;
	[tilespmem:s30+$0x1000] =	vst v7  }
0x96: {  	v60 =	vld [tilespmem:s30+$0x800];
	[tilespmem:v5+s21+$0x0] =	vst.idx.msk $0xffff, v59  }
0x97: {  	[hbm4b:s23+s14] =	stream.strided.scatter [tilespmem:s19], [sflag:$0x1], $0x800, s15, s14, $0x38;
	[tilespmem:$0x7208] =	vst v63  }
0x98: {  	_ =	swait.ge [sflag:s16], $0x800  }
0x99: {  	[sflag:s16] =	ssyncset.done $0x0  }
0x9a: {  	v61 =	vnsel vm0, $0x0, v8;
	[sflag:s16] =	ssyncadd.s32 $0xFFFFF800  }
0x9b: {  	v4 =	vadd.f32 v61, v4;
	[hbm4b:s24+s14] =	stream.strided.scatter [tilespmem:s21], [sflag:$0x1], $0x800, s15, s14, $0x38;
	[tilespmem:$0x7208] =	vst v63  }
0x9c: {  	v62 =	vnsel vm1, $0x0, v60;
	_ =	swait.ge [sflag:s16], $0x800  }
0x9d: {  	v4 =	vadd.f32 v62, v4;
	[sflag:s16] =	ssyncset.done $0x0  }
0x9e: {  	v63 =	vsel vm1, $0x1, v1;
	[sflag:s16] =	ssyncadd.s32 $0xFFFFF800  }
0x9f: {  	v3 =	vadd.s32 v63, v3;
	[tilespmem:$0x2800] =	vst v4  }
0xa0: {  	v2 =	vadd.s32 v54, v2;
	[tilespmem:$0x2880] =	vst v3  }
0xa1: {  	[tilespmem:$0x2900] =	vst v2  }
0xa2: {  	[hbm4b:s10+s4] =	stream.linear.scatter [tilespmem:s25], [sflag:$0x1], $0x80, $0x38;
	[tilespmem:$0x7208] =	vst v63  }
0xa3: {  	_ =	swait.ge [sflag:s16], $0x80  }
0xa4: {  	[sflag:s16] =	ssyncset.done $0x0  }
0xa5: {  	[sflag:s16] =	ssyncadd.s32 $0xFFFFFF80  }
0xa6: {  	[hbm4b:s11+s4] =	stream.linear.scatter [tilespmem:s26], [sflag:$0x1], $0x80, $0x38;
	[tilespmem:$0x7208] =	vst v63  }
0xa7: {  	s29 =	sadd.s32 $0x1, s29;
	_ =	swait.ge [sflag:s16], $0x80  }
0xa8: {  	p0 =	sne.s32 s29, s13;
	[sflag:s16] =	ssyncset.done $0x0  }
.Ltmp3:
0xa9: {  	[sflag:s16] =	ssyncadd.s32 $0xFFFFFF80;
	(pc) =	sbr.rel @p0 .LBB2_1-.Ltmp3, $4  }
0xaa: {  	[hbm4b:s12+s4] =	stream.linear.scatter [tilespmem:s28], [sflag:$0x1], $0x80, $0x38;
	[tilespmem:$0x7208] =	vst v63  }
0xab: {  	_ =	swait.ge [sflag:s16], $0x80  }
0xac: {  	[sflag:s16] =	ssyncset.done $0x0  }
0xad: {  	[sflag:s16] =	ssyncadd.s32 $0xFFFFFF80  }
0xae: {  	_ =	sfence.sel $0x180000  }
0xaf: {  	[bflag:$0x0] =	sbarrier.arrive $0xFFFF  }
0xb0: {  	_ =	strace $0x90000053  }
0xb1: {  	s0 =	stileid.u32;
	[bflag:$0x2] =	sbarrier.arrive $0xFFFF  }
0xb2: {  	p0 =	sne.s32 s0, $0x0;
	s0 =	rddreg [dreg:$0x3]  }
0xb3: {  	s0 =	sadd.s32 @!p0 $0x100000, s0  }
0xb4: {  	[sflag:s0] =	ssyncadd.tile.s32 @!p0 $0x1;
	_ =	shalt  }
.Lfunc_end2:
_tile_overlayer_lowered:
.L_overlay_start_2:
0xb5: {  	(tag) =	ssettag $0x2  }
0xb6: {  	s0 =	rddreg [dreg:$0x0];
	s2 =	stileid.u32  }
0xb7: {  	s1 =	rddreg [dreg:$0x1];
	p0 =	sne.s32 s2, $0x0  }
0xb8: {  	s3 =	rddreg [dreg:$0x2];
	[bflag:$0x3] =	sbarrier.arrive $0xFFFF;
	s2 =	simm.s32 @!p0 $0x1C01  }
0xb9: {  	[timem:s3], [sflag:s2] =	dma.local @!p0 [hbm:s0], s1  }
0xba: {  	s0 =	simm.s32 @!p0 $0x1  }
0xbb: {  	_ =	swait.ge @!p0 [sflag:s0], s1  }
0xbc: {  	s1 =	ssub.s32 @!p0 $0x0, s1;
	[sflag:s0] =	ssyncset.done @!p0 $0x0  }
0xbd: {  	[sflag:s0] =	ssyncadd.s32 @!p0 s1  }
0xbe: {  	[bflag:$0x3] =	sbarrier.arrive $0xFFFF  }
0xbf: {  	_ =	shalt  }

// kernel: body.9.cloned.1.call-start
scs
__scs_entry_jumppad:
0x0: {  	(pc) =	sbr.rel $0x88, $3  }
0x1: {  	(tag) =	ssettag $0x0;
	lr =	simm.s32 $0x1  }
0x2: {  	[smem:$0x3F9C] =	sst lr;
	_ =	strace $0xD0000000  }
0x3: {  	_ = 	snop  }
0x4: {  	_ = 	snop  }
0x5: {  	_ = 	snop  }
0x6: {  	_ = 	snop  }
0x7: {  	_ = 	snop  }
__scs_overlays_trampoline_lowered:
0x8: {  	[smem:$0x3FAB] =	sst s0  }
0x9: {  	[smem:$0x3FAC] =	sst s1  }
0xa: {  	[smem:$0x3FAD] =	sst s2  }
0xb: {  	[smem:$0x3FAE] =	sst s3  }
0xc: {  	[smem:$0x3FAF] =	sst s4  }
0xd: {  	[smem:$0x3FB0] =	sst s5  }
0xe: {  	[smem:$0x3FB1] =	sst s6  }
0xf: {  	[smem:$0x3FB2] =	sst s7  }
0x10: {  	[smem:$0x3FB3] =	sst s8  }
0x11: {  	[smem:$0x3FB4] =	sst s9;
	s0 =	simm.s32 @!p0 $0x0  }
0x12: {  	s1 =	sld [smem:$0x3F9A];
	s0 =	simm.s32 @p0 $0x1  }
0x13: {  	[smem:$0x3FB5] =	sst s0;
	s0 =	simm.s32 @!p1 $0x0  }
0x14: {  	s2 =	sld [smem:$0x3F99];
	s0 =	simm.s32 @p1 $0x1  }
0x15: {  	[smem:$0x3FB6] =	sst s0;
	s0 =	simm.s32 @!p2 $0x0  }
0x16: {  	s3 =	sld [smem:$0x3FDB];
	s0 =	simm.s32 @p2 $0x1  }
0x17: {  	s4 =	simm.s32 $0x1BF5;
	[smem:$0x3FB8] =	sst s0  }
0x18: {  	s0 =	sld [smem:$0x3F9B];
	_ =	swait.ge [sflag:s4], $0x0  }
0x19: {  	s7 =	sld [smem:$0x3F9C]  }
0x1a: {  	s8 =	sadd.s32 $0xFFFFE003, lr  }
0x1b: {  	s9 =	sadd.s32 $0xFFFFFEF7, lr;
	s5 =	simm.s32 $0xFFFFFFFF;
	p2 =	slt.u32 s8, $0xFFFFF086  }
0x1c: {  	p1 =	slt.u32 s9, $0xF7A;
	s5 =	simm.s32 @!p2 $0x0  }
0x1d: {  	s5 =	simm.s32 @p1 $0x1;
	p0 =	seq.s32 s7, s2  }
0x1e: {  	s7 =	smul.u32 @!p0 $0xF7A, s2;
	p2 =	seq.s32 @!p0 s5, $0x0  }
0x1f: {  	s9 =	smul.u32 $0xF7A, s1;
	s8 =	simm.s32 @!p0 $0x1BF5;
	p2 =	por !p2, p0  }
0x20: {  	[sflag:s8] =	ssyncset.s32 @!p0 $0xFFFFF086;
	s6 =	sadd.s32 @!p0 s3, s7;
	s7 =	simm.s32 @!p0 $0x108  }
0x21: {  	s3 =	sadd.s32 s3, s9;
	s6 =	sadd.s32 @!p0 $0x88, s6;
	s7 =	simm.s32 @p2 $0x1082  }
0x22: {  	[simem:s7], [sflag:s8] =	dma.local @!p0 [hbm:s6], $0xF7A  }
0x23: {  	s9 =	sor.u32 $0xD0000000, s2;
	s6 =	simm.s32 $0x108;
	_ =	swait.ge @!p0 [sflag:s8], $0x0  }
0x24: {  	s3 =	sadd.s32 $0x88, s3;
	s6 =	simm.s32 @!p1 $0x1082;
	[sflag:s4] =	ssyncset.s32 $0xFFFFF086  }
0x25: {  	[simem:s6], [sflag:s4] =	dma.local [hbm:s3], $0xF7A  }
0x26: {  	[smem:$0x3F9C] =	sst s1;
	(tag) =	ssettag s2;
	_ =	strace s9  }
0x27: {  	s1 =	sld [smem:$0x3FAC]  }
0x28: {  	s2 =	sld [smem:$0x3FAD]  }
0x29: {  	s4 =	sld [smem:$0x3FAF]  }
0x2a: {  	p0 =	seq.s32 s5, $0x0;
	s5 =	sld [smem:$0x3FB0]  }
0x2b: {  	s6 =	sld [smem:$0x3FB1]  }
0x2c: {  	s7 =	sld [smem:$0x3FB2]  }
0x2d: {  	s3 =	simm.s32 $0x108;
	s8 =	sld [smem:$0x3FB3]  }
0x2e: {  	s3 =	simm.s32 @!p0 $0x1082;
	s9 =	sld [smem:$0x3FB4]  }
0x2f: {  	lr =	sadd.s32 s0, s3;
	s0 =	sld [smem:$0x3FAB]  }
0x30: {  	s3 =	sld [smem:$0x3FAE]  }
0x31: {  	[smem:$0x3FB7] =	sst s10  }
0x32: {  	s10 =	sld [smem:$0x3FB5];
	_ =	sdelay $0x3  }
0x33: {  	p0 =	seq.s32 s10, $0x1;
	s10 =	sld [smem:$0x3FB7];
	_ =	sdelay $0x3  }
0x34: {  	[smem:$0x3FB7] =	sst s10  }
0x35: {  	s10 =	sld [smem:$0x3FB6];
	_ =	sdelay $0x3  }
0x36: {  	p1 =	seq.s32 s10, $0x1;
	s10 =	sld [smem:$0x3FB7];
	_ =	sdelay $0x3  }
0x37: {  	[smem:$0x3FB7] =	sst s10  }
0x38: {  	s10 =	sld [smem:$0x3FB8]  }
0x39: {  	_ = 	snop;
	(pc) =	sbr.ind lr, $3  }
0x3a: {  	_ = 	snop  }
0x3b: {  	_ = 	snop  }
0x3c: {  	p2 =	seq.s32 s10, $0x1;
	s10 =	sld [smem:$0x3FB7]  }
0x3d: {  	_ =	shalt  }
0x3e: {  	_ =	shalt  }
0x3f: {  	_ =	shalt  }
0x40: {  	_ =	shalt  }
0x41: {  	_ =	shalt  }
0x42: {  	_ =	shalt  }
0x43: {  	_ =	shalt  }
0x44: {  	_ =	shalt  }
0x45: {  	_ =	shalt  }
0x46: {  	_ =	shalt  }
0x47: {  	_ =	shalt  }
0x48: {  	_ =	shalt  }
0x49: {  	_ =	shalt  }
0x4a: {  	_ =	shalt  }
0x4b: {  	_ =	shalt  }
0x4c: {  	_ =	shalt  }
0x4d: {  	_ =	shalt  }
0x4e: {  	_ =	shalt  }
0x4f: {  	_ =	shalt  }
0x50: {  	_ =	shalt  }
0x51: {  	_ =	shalt  }
0x52: {  	_ =	shalt  }
0x53: {  	_ =	shalt  }
0x54: {  	_ =	shalt  }
0x55: {  	_ =	shalt  }
0x56: {  	_ =	shalt  }
0x57: {  	_ =	shalt  }
0x58: {  	_ =	shalt  }
0x59: {  	_ =	shalt  }
0x5a: {  	_ =	shalt  }
0x5b: {  	_ =	shalt  }
0x5c: {  	_ =	shalt  }
0x5d: {  	_ =	shalt  }
0x5e: {  	_ =	shalt  }
0x5f: {  	_ =	shalt  }
0x60: {  	_ =	shalt  }
0x61: {  	_ =	shalt  }
0x62: {  	_ =	shalt  }
0x63: {  	_ =	shalt  }
0x64: {  	_ =	shalt  }
0x65: {  	_ =	shalt  }
0x66: {  	_ =	shalt  }
0x67: {  	_ =	shalt  }
0x68: {  	_ =	shalt  }
0x69: {  	_ =	shalt  }
0x6a: {  	_ =	shalt  }
0x6b: {  	_ =	shalt  }
0x6c: {  	_ =	shalt  }
0x6d: {  	_ =	shalt  }
0x6e: {  	_ =	shalt  }
0x6f: {  	_ =	shalt  }
0x70: {  	_ =	shalt  }
0x71: {  	_ =	shalt  }
0x72: {  	_ =	shalt  }
0x73: {  	_ =	shalt  }
0x74: {  	_ =	shalt  }
0x75: {  	_ =	shalt  }
0x76: {  	_ =	shalt  }
0x77: {  	_ =	shalt  }
0x78: {  	_ =	shalt  }
0x79: {  	_ =	shalt  }
0x7a: {  	_ =	shalt  }
0x7b: {  	_ =	shalt  }
0x7c: {  	_ =	shalt  }
0x7d: {  	_ =	shalt  }
0x7e: {  	_ =	shalt  }
0x7f: {  	_ =	shalt  }
0x80: {  	_ =	shalt  }
0x81: {  	_ =	shalt  }
0x82: {  	_ =	shalt  }
0x83: {  	_ =	shalt  }
0x84: {  	_ =	shalt  }
0x85: {  	_ =	shalt  }
0x86: {  	_ =	shalt  }
0x87: {  	_ =	shalt  }
.Lfunc_end0:
.L_simem_size_0:
called_computation.3_lowered:
.L_overlay_start_0:
0x88: {  	s2 =	sld [smem:$0x3FD9]  }
0x89: {  	s3 =	sld [smem:$0x3FFE];
	_ =	sdelay $0x1  }
0x8a: {  	s1 =	srdreg.scid  }
0x8b: {  	s0 =	sand.u32 $0x1, s1  }
0x8c: {  	s17 =	sshll.u32 s0, $0xA;
	s2 =	sadd.s32 s3, s2  }
0x8d: {  	s2 =	sadd.s32 s2, s17  }
0x8e: {  	[smem:$0x3FC3] =	sst s2  }
0x8f: {  	_ = 	snop  }
0x90: {  	s2 =	sld [smem:$0x3FC9]  }
0x91: {  	s18 =	sld [smem:$0x3FC8];
	(tm) =	ssettm $0x1  }
0x92: {  	s4 =	sld [smem:$0x3FFB];
	_ =	sdelay $0x3  }
0x93: {  	_ =	strace s4  }
0x94: {  	s4 =	sld [smem:$0x3FFC];
	_ =	sdelay $0x3  }
0x95: {  	_ =	strace s4  }
0x96: {  	s4 =	sld [smem:$0x3FFD];
	_ =	sdelay $0x3  }
0x97: {  	_ =	strace s4  }
0x98: {  	_ =	strace $0x8FFFFFFF  }
0x99: {  	s19 =	sld [smem:$0x3FDB];
	_ =	sdelay $0x1  }
0x9a: {  	s5 =	simm.s32 $_scs_section_size  }
0x9b: {  	s6 =	simm.s32 $_size__tile_overlayer_lowered;
	s7 =	simm.s32 $_tile_overlayer_lowered  }
0x9c: {  	s22 =	simm.s32 $0x1BFF;
	s21 =	sshll.u32 s7, $0x1;
	s4 =	sadd.s32 s5, s19  }
0x9d: {  	s8 =	simm.s32 $0x0;
	s20 =	sshll.u32 s6, $0x1;
	s6 =	sadd.s32 s21, s4  }
0x9e: {  	[timem:s8], [sflag:s22] =	dma.local [hbm:s6], s20  }
0x9f: {  	_ =	swait.ge [sflag:s22], s20  }
0xa0: {  	s5 =	ssub.s32 $0x0, s20;
	[sflag:s22] =	ssyncset.done $0x0  }
0xa1: {  	[sflag:s22] =	ssyncadd.s32 s5;
	_ =	sdelay $0x1  }
0xa2: {  	s23 =	simm.s32 $0x1B8B  }
0xa3: {  	_ =	swait.ge [sflag:s23], $0x1  }
0xa4: {  	[sflag:s23] =	ssyncset.done $0x0  }
0xa5: {  	s25 =	simm.s32 $0x1B8E;
	s24 =	sld [smem:$0x3FFE];
	[sflag:s23] =	ssyncadd.s32 $0xFFFFFFFF  }
0xa6: {  	s26 =	simm.s32 $execute0_lowered;
	[smem:$0x3FD2] =	sst s25  }
0xa7: {  	s6 =	sshll.u32 s26, $0x1;
	_ =	strace $0x8000004F;
	[dreg:$0x1] =	wrdreg $0xFFFFFFFF  }
0xa8: {  	s28 =	simm.s32 $_size_execute0_lowered;
	s4 =	sadd.s32 s4, s6;
	[dreg:$0x0] =	wrdreg $0x0  }
0xa9: {  	s6 =	sshll.u32 s28, $0x1;
	[dreg:$0x2] =	wrdreg s4  }
0xaa: {  	[dreg:$0x3] =	wrdreg s6  }
0xab: {  	[dreg:$0x4] =	wrdreg $0xC0  }
0xac: {  	_ =	task [dreg:s8], $0x5FFFF  }
0xad: {  	[dreg:$0x1] =	wrdreg $0xFFFFFFFF  }
0xae: {  	[dreg:$0x0] =	wrdreg $0x60  }
0xaf: {  	[dreg:$0x2] =	wrdreg s2  }
0xb0: {  	[dreg:$0x3] =	wrdreg s18  }
0xb1: {  	[dreg:$0x4] =	wrdreg s24  }
0xb2: {  	[dreg:$0x5] =	wrdreg $0x1B1880  }
0xb3: {  	[dreg:$0x6] =	wrdreg $0x171800  }
0xb4: {  	[dreg:$0x7] =	wrdreg $0x9  }
0xb5: {  	_ =	task.clear_ibuf [dreg:s8], $0x8FFFF;
	_ =	strace $0x9000004F  }
0xb6: {  	s29 =	simm.s32 $0x9;
	_ =	strace $0x80000051  }
0xb7: {  	_ =	swait.ge [sflag:s29], $0x1  }
0xb8: {  	[sflag:s29] =	ssyncadd.s32 $0xFFFFFFFF  }
0xb9: {  	_ =	strace $0x90000051  }
0xba: {  	_ =	sfence  }
0xbb: {  	s30 =	sld [smem:$0x0];
	_ =	sdelay $0x2  }
0xbc: {  	s31 =	sshll.u32 s1, $0xD;
	s1 =	sshrl.u32 s1, $0x2  }
0xbd: {  	s3 =	sand.u32 $0x4000, s31;
	s1 =	sadd.s32 s1, s30  }
0xbe: {  	s0 =	sor.u32 s3, s0;
	s1 =	sshll.u32 s1, $0x11  }
0xbf: {  	s0 =	sor.u32 s1, s0  }
0xc0: {  	s0 =	sadd.s32 $0x8F2B, s0  }
0xc1: {  	[sflag:s0] =	ssyncadd.remote.s32 $0x1  }
0xc2: {  	_ =	sfence.sel $0xFFFF  }
0xc3: {  	[dreg:$0x0] =	wrdreg $0xFFFFFFFF;
	(pc) =	sbr.abs _section_cstart, $3  }
0xc4: {  	[dreg:$0x1] =	wrdreg $0xFFFFFFFF  }
0xc5: {  	_ =	task.clear_ibuf [dreg:s8], $0x2FFFF;
	_ =	strace $0x9FFFFFFF  }
0xc6: {  	(tm) =	ssettm $0x7FFFFFFF  }
0xc7: {  	_ =	shalt  }
tec
execute0_lowered:
.L_overlay_start_1:
0x0: {  	(tag) =	ssettag $0x1  }
0x1: {  	s0 =	rddreg [dreg:$0x0]  }
0x2: {  	s2 =	rddreg [dreg:$0x1]  }
0x3: {  	s6 =	rddreg [dreg:$0x2]  }
0x4: {  	s13 =	rddreg [dreg:$0x3];
	s1 =	srdreg.scid  }
0x5: {  	s12 =	stileid.u32;
	s3 =	rddreg [dreg:$0x4];
	s4 =	simm.s32 $0x0  }
0x6: {  	s16 =	simm.s32 $0x80;
	s17 =	simm.s32 $0x400;
	s18 =	simm.s32 $0x1  }
0x7: {  	s19 =	simm.s32 $0x4980;
	s21 =	simm.s32 $0x9300;
	s28 =	simm.s32 $0x17000  }
0x8: {  	s29 =	simm.s32 $0x17080;
	s30 =	simm.s32 $0x0;
	s1 =	sand.u32 $0x1, s1  }
0x9: {  	s5 =	sshll.u32 s12, $0x7;
	[smem:$0x7FF] =	sst s4;
	s23 =	sshrl.u32 s12, $0x3  }
0xa: {  	s7 =	sshll.u32 s1, $0xB;
	s8 =	sand.u32 $0x400, s5;
	s11 =	smul.u32 $0x9300, s1  }
0xb: {  	s9 =	sand.u32 $0x380, s5;
	s25 =	ssub.s32 $0x2, s1;
	s1 =	smul.u32 $0x4980, s12  }
0xc: {  	_ =	strace $0x80000050;
	s22 =	sor.u32 s7, s8;
	s7 =	smul.u32 $0x24C00, s23  }
0xd: {  	s10 =	sshrl.u32 s25, $0x1;
	s23 =	simm.s32 $0xDC80;
	s5 =	sor.u32 s9, s22  }
0xe: {  	s15 =	ssub.s32 s25, s10;
	s10 =	sadd.s32 s6, s11;
	s11 =	sadd.s32 s1, s13  }
0xf: {  	s22 =	simm.s32 $0x17100;
	s24 =	sshrl.u32 s5, $0x3;
	s5 =	sadd.s32 $0x37600, s6  }
0x10: {  	s7 =	sor.u32 s9, s7;
	s26 =	sadd.s32 $0x25000, s10;
	s31 =	sadd.s32 $0x12800, s10  }
0x11: {  	s15 =	smax.u32 s15, $0x1;
	s14 =	sadd.s32 s24, s6;
	s7 =	sshrl.u32 s7, $0x3  }
0x12: {  	s24 =	simm.s32 $0x12600;
	s8 =	sadd.s32 s0, s7;
	s9 =	sadd.s32 s2, s7  }
0x13: {  	s12 =	sadd.s32 $0x37800, s14;
	s13 =	sadd.s32 $0x37A00, s14;
	s14 =	sadd.s32 $0x24E00, s14  }
0x14: {  	v0 =	vlaneseq.u32;
	v1 =	vimm.s32 $0x0;
	s20 =	sadd.s32 s7, s26;
	s25 =	sadd.s32 s7, s31;
	s26 =	simm.s32 $0x16F80  }
.LBB2_1:
0x15: {  	[tilespmem:s4], [sflag:$0x1] =	stream.strided.gather [hbm4b:s8+s16], $0x4980, s17, s16, $0x38;
	[tilespmem:$0x1FB08] =	vst v63  }
0x16: {  	_ =	swait.ge [sflag:s18], $0x4980  }
0x17: {  	[sflag:s18] =	ssyncset.done $0x0  }
0x18: {  	[sflag:s18] =	ssyncadd.s32 $0xFFFFB680  }
0x19: {  	[tilespmem:s19], [sflag:$0x1] =	stream.strided.gather [hbm4b:s9+s16], $0x4980, s17, s16, $0x38;
	[tilespmem:$0x1FB08] =	vst v63  }
0x1a: {  	_ =	swait.ge [sflag:s18], $0x4980  }
0x1b: {  	[sflag:s18] =	ssyncset.done $0x0  }
0x1c: {  	[sflag:s18] =	ssyncadd.s32 $0xFFFFB680  }
0x1d: {  	[tilespmem:s21], [sflag:$0x1] =	stream.strided.gather [hbm4b:s20+s16], $0x4980, s17, s16, $0x38;
	[tilespmem:$0x1FB08] =	vst v63  }
0x1e: {  	_ =	swait.ge [sflag:s18], $0x4980  }
0x1f: {  	[sflag:s18] =	ssyncset.done $0x0  }
0x20: {  	[sflag:s18] =	ssyncadd.s32 $0xFFFFB680  }
0x21: {  	[tilespmem:s22], [sflag:$0x1] =	stream.linear.gather [hbm4b:s5+s4], $0x80, $0x38;
	[tilespmem:$0x1FB08] =	vst v63  }
0x22: {  	_ =	swait.ge [sflag:s18], $0x80  }
0x23: {  	[sflag:s18] =	ssyncset.done $0x0  }
0x24: {  	[sflag:s18] =	ssyncadd.s32 $0xFFFFFF80  }
0x25: {  	[spmem:s11] =	stream.linear.scatter [tilespmem:s4], [sflag:$0x1], $0x4980, $0x38;
	[tilespmem:$0x1FB08] =	vst v63  }
0x26: {  	_ =	swait.ge [sflag:s18], $0x4980  }
0x27: {  	[sflag:s18] =	ssyncset.done $0x0  }
0x28: {  	[sflag:s18] =	ssyncadd.s32 $0xFFFFB680  }
0x29: {  	s0 =	simm.s32 $0x0;
	v3 =	vld [tilespmem:$0x17100]  }
0x2a: {  	v4 =	vld [tilespmem:s0+$0x0];
	_ =	sdelay $0x1  }
0x2b: {  	v5 =	vld [tilespmem:s0+$0x9300]  }
0x2c: {  	v2 =	vor.u32 s1, v0  }
0x2d: {  	s2 =	simm.s32 $0x40;
	s6 =	sadd.s32 $0x10, s1;
	[tilespmem:s0+$0x12600] =	vst v2  }
.LBB2_2:
0x2e: {  	s31 =	sshra.s32 s2, $0x2;
	v6 =	vor.u32 s6, v0;
	p0 =	sne.s32 s2, $0x125C0;
	s2 =	sadd.s32 $0x40, s2;
	v7 =	vmul.u32 v3, v4  }
.Ltmp0:
0x2f: {  	v4 =	vld [tilespmem:s31+$0x0];
	[tilespmem:s31+$0x12600] =	vst v6;
	(pc) =	sbr.rel @p0 .LBB2_2-.Ltmp0, $4  }
0x30: {  	v6 =	vshrl.u32 v7, $0xE;
	vm0 =	veq.s32 v5, $0x0  }
0x31: {  	v5 =	vld [tilespmem:s31+$0x9300];
	v6 =	vnsel vm0, $0x40000, v6  }
0x32: {  	[tilespmem:s0+$0xDC80] =	vst v6;
	s0 =	smov.u32 s31  }
0x33: {  	s6 =	sadd.s32 $0x10, s6  }
0x34: {  	v3 =	vmul.u32 v3, v4;
	_ =	sdelay $0x1  }
0x35: {  	v3 =	vshrl.u32 v3, $0xE;
	vm0 =	veq.s32 v5, $0x0  }
0x36: {  	v3 =	vnsel vm0, $0x40000, v3  }
0x37: {  	[tilespmem:s0+$0xDC80] =	vst v3  }
0x38: {  	[spmem:s3] =	stream.indirect.scatter [tilespmem:s24], [sflag:$0x1], $0x1, s23, s19, $0xb8;
	[tilespmem:$0x1FB08] =	vst v63  }
0x39: {  	_ =	swait.ge [sflag:s18], $0x4980  }
0x3a: {  	[sflag:s18] =	ssyncset.done $0x0  }
0x3b: {  	[sflag:s18] =	ssyncadd.s32 $0xFFFFB680  }
0x3c: {  	[bflag:$0x0] =	sbarrier.arrive $0xFFFF  }
0x3d: {  	[tilespmem:s24], [sflag:$0x1] =	stream.indirect.gather [spmem:s3], $0x1, s23, s19, $0xb8;
	[tilespmem:$0x1FB08] =	vst v63  }
0x3e: {  	_ =	swait.ge [sflag:s18], $0x4980  }
0x3f: {  	[sflag:s18] =	ssyncset.done $0x0  }
0x40: {  	s0 =	simm.s32 $0x0;
	[sflag:s18] =	ssyncadd.s32 $0xFFFFB680  }
0x41: {  	v4 =	vld [tilespmem:s0+$0x12600]  }
0x42: {  	v3 =	vld [tilespmem:s0+$0x9300];
	_ =	sdelay $0x4  }
0x43: {  	vm15 =	veq.s32 v3, $0x0;
	vm1 =	veq.s32 v4, v2  }
0x44: {  	vm2 =	vne.s32 v4, v2;
	vm1 =	vmand vm1, vm15  }
0x45: {  	s6 =	simm.s32 $0x10;
	vm0 =	vmand vm2, vm15;
	v5 =	vsel vm1, $0x2, v3  }
0x46: {  	s2 =	simm.s32 $0x80;
	s31 =	smov.u32 s1;
	v3 =	vld [tilespmem:s6+$0x12600];
	v4 =	vnsel vm0, $0x0, v4;
	[tilespmem:s0+$0x9300] =	vst v5  }
.LBB2_4:
0x47: {  	p0 =	sne.s32 s2, $0x125C0;
	v5 =	vld [tilespmem:s6+$0x9300];
	[tilespmem:s0+$0xDC80] =	vst v4;
	s0 =	smov.u32 s6;
	_ =	sdelay $0x2  }
0x48: {  	s31 =	sadd.s32 $0x10, s31  }
.Ltmp1:
0x49: {  	v4 =	vor.u32 s31, v0;
	(pc) =	sbr.rel @p0 .LBB2_4-.Ltmp1, $4  }
0x4a: {  	vm1 =	veq.s32 v3, v4;
	vm2 =	vne.s32 v3, v4;
	vm0 =	veq.s32 v5, $0x0  }
0x4b: {  	vm1 =	vmand vm1, vm0;
	vm0 =	vmand vm2, vm0  }
0x4c: {  	s6 =	sshra.s32 s2, $0x2;
	v5 =	vsel vm1, $0x2, v5;
	v4 =	vnsel vm0, $0x0, v3  }
0x4d: {  	s2 =	sadd.s32 $0x40, s2;
	v3 =	vld [tilespmem:s6+$0x12600];
	[tilespmem:s0+$0x9300] =	vst v5  }
0x4e: {  	v5 =	vld [tilespmem:s6+$0x9300];
	_ =	sdelay $0x2  }
0x4f: {  	s2 =	sadd.s32 $0x10, s31  }
0x50: {  	v6 =	vor.u32 s2, v0  }
0x51: {  	vm1 =	veq.s32 v3, v6;
	vm0 =	veq.s32 v5, $0x0  }
0x52: {  	vm2 =	vne.s32 v3, v6;
	vm1 =	vmand vm1, vm0  }
0x53: {  	[tilespmem:s0+$0xDC80] =	vst v4;
	vm0 =	vmand vm2, vm0;
	v4 =	vsel vm1, $0x2, v5  }
0x54: {  	v3 =	vnsel vm0, $0x0, v3;
	[tilespmem:s6+$0x9300] =	vst v4  }
0x55: {  	s2 =	rddreg [dreg:$0x3];
	[tilespmem:s6+$0xDC80] =	vst v3  }
0x56: {  	[tilespmem:s24], [sflag:$0x1] =	stream.indirect.gather [spmem:s2], $0x1, s23, s19, $0xb8;
	[tilespmem:$0x1FB08] =	vst v63  }
0x57: {  	_ =	swait.ge [sflag:s18], $0x4980  }
0x58: {  	[sflag:s18] =	ssyncset.done $0x0  }
0x59: {  	s6 =	simm.s32 $0x0;
	[sflag:s18] =	ssyncadd.s32 $0xFFFFB680  }
0x5a: {  	v3 =	vld [tilespmem:s6+$0x12600]  }
0x5b: {  	v4 =	vld [tilespmem:s6+$0x0]  }
0x5c: {  	v5 =	vld [tilespmem:s6+$0x9300];
	_ =	sdelay $0x4  }
0x5d: {  	vm1 =	veq.s32 v5, $0x0;
	vm2 =	veq.s32 v3, v4  }
0x5e: {  	vm0 =	veq.s32 v5, $0x2;
	vm1 =	vmand vm1, vm2  }
0x5f: {  	vm1 =	vmor vm0, vm1  }
0x60: {  	v3 =	vsel vm1, $0x1, v5  }
0x61: {  	vm1 =	vne.s32 v3, $0x0  }
0x62: {  	vm2 =	veq.s32 v3, $0x0;
	v4 =	vsel vm1, $0x1, v1  }
0x63: {  	v5 =	vsel vm2, $0x1, v1;
	(xrf0) =	vadd.scan.msk.s32 $0xffff, v4  }
0x64: {  	(xrf0) =	vadd.scan.msk.s32 $0xffff, v5;
	_ =	sdelay $0x1  }
0x65: {  	v6 =	vmpcnt.ones.xlane vm2  }
0x66: {  	v10 =	vimm.s32 $0x0  }
0x67: {  	v4 =	vsel vm1, $0xFFFFFFFF, v1;
	v11 =	vsub.s32 v10, v6  }
0x68: {  	v7 =	vsel vm2, $0xFFFFFFFF, v1;
	v4 =	vsub.s32 v4, v11;
	v8, _, _ =	vpop (xrf0)  }
0x69: {  	v7 =	vadd.s32 v7, v10;
	v4 =	vadd.s32 v8, v4;
	v8, _, _ =	vpop (xrf0)  }
0x6a: {  	v7 =	vadd.s32 v8, v7;
	v4 =	vadd.s32 $0x4970, v4  }
0x6b: {  	v4 =	vsel vm2, v7, v4;
	_ =	sdelay $0x3  }
0x6c: {  	[tilespmem:s6+$0x9300] =	vst v3  }
0x6d: {  	s31 =	simm.s32 $0x10;
	v8 =	vld [tilespmem:s6+$0x4980];
	[tilespmem:v4+s23+$0x0] =	vst.idx.msk $0xffff, v2  }
0x6e: {  	v7 =	vadd.s32 v10, v6;
	v6 =	vadd.s32 $0x10, v11;
	v2 =	vsel vm0, $0x1, v1;
	v9 =	vld [tilespmem:s31+$0x12600]  }
0x6f: {  	s0 =	simm.s32 $0x80;
	s6 =	smov.u32 s1;
	v4 =	vimm.f32 $0.0e+00;
	v3 =	vadd.s32 v2, v10;
	v2 =	vadd.s32 v5, v10;
	v10 =	vld [tilespmem:s31+$0x0];
	v5 =	vmovc v7  }
.LBB2_6:
0x70: {  	p0 =	sne.s32 s0, $0x125C0;
	v11 =	vld [tilespmem:s31+$0x9300];
	_ =	sdelay $0x1  }
0x71: {  	v8 =	vnsel vm0, $0x0, v8  }
0x72: {  	v4 =	vadd.f32 v8, v4;
	_ =	sdelay $0x1  }
0x73: {  	vm2 =	veq.s32 v9, v10;
	vm1 =	veq.s32 v11, $0x0  }
0x74: {  	vm0 =	veq.s32 v11, $0x2;
	vm1 =	vmand vm1, vm2  }
0x75: {  	v8 =	vsel vm0, $0x1, v1;
	vm1 =	vmor vm0, vm1  }
0x76: {  	v3 =	vadd.s32 v8, v3;
	v8 =	vsel vm1, $0x1, v11  }
0x77: {  	vm1 =	vne.s32 v8, $0x0  }
0x78: {  	vm2 =	veq.s32 v8, $0x0;
	v9 =	vsel vm1, $0x1, v1  }
0x79: {  	v10 =	vsel vm2, $0x1, v1;
	(xrf0) =	vadd.scan.msk.s32 $0xffff, v9  }
0x7a: {  	v2 =	vadd.s32 v10, v2;
	(xrf0) =	vadd.scan.msk.s32 $0xffff, v10;
	_ =	sdelay $0x1  }
0x7b: {  	v9 =	vmpcnt.ones.xlane vm2;
	_ =	sdelay $0x1  }
0x7c: {  	v10 =	vsel vm1, $0xFFFFFFFF, v1;
	v12 =	vsub.s32 v6, v9;
	v7 =	vadd.s32 v7, v9  }
0x7d: {  	v9 =	vsel vm2, $0xFFFFFFFF, v1;
	v6 =	vadd.s32 $0x10, v12;
	v10 =	vsub.s32 v10, v12;
	v11, _, _ =	vpop (xrf0)  }
0x7e: {  	v9 =	vadd.s32 v9, v5;
	v5 =	vmov v7;
	v10 =	vadd.s32 v11, v10;
	v11, _, _ =	vpop (xrf0)  }
0x7f: {  	v9 =	vadd.s32 v11, v9;
	v10 =	vadd.s32 $0x4970, v10  }
0x80: {  	v9 =	vsel vm2, v9, v10;
	_ =	sdelay $0x2  }
.Ltmp2:
0x81: {  	s6 =	sadd.s32 $0x10, s6;
	(pc) =	sbr.rel @p0 .LBB2_6-.Ltmp2, $4  }
0x82: {  	v10 =	vor.u32 s6, v0;
	[tilespmem:s31+$0x9300] =	vst v8  }
0x83: {  	v8 =	vld [tilespmem:s31+$0x4980];
	s31 =	sshra.s32 s0, $0x2;
	[tilespmem:v9+s23+$0x0] =	vst.idx.msk $0xffff, v10  }
0x84: {  	v9 =	vld [tilespmem:s31+$0x12600]  }
0x85: {  	s0 =	sadd.s32 $0x40, s0;
	v10 =	vld [tilespmem:s31+$0x0]  }
0x86: {  	v7 =	vld [tilespmem:s31+$0x9300];
	_ =	sdelay $0x4  }
0x87: {  	vm3 =	veq.s32 v9, v10;
	vm2 =	veq.s32 v7, $0x0  }
0x88: {  	vm1 =	veq.s32 v7, $0x2;
	vm2 =	vmand vm2, vm3  }
0x89: {  	vm2 =	vmor vm1, vm2  }
0x8a: {  	v7 =	vsel vm2, $0x1, v7  }
0x8b: {  	vm2 =	vne.s32 v7, $0x0  }
0x8c: {  	vm15 =	veq.s32 v7, $0x0;
	v53 =	vsel vm2, $0x1, v1  }
0x8d: {  	v54 =	vsel vm15, $0x1, v1;
	(xrf0) =	vadd.scan.msk.s32 $0xffff, v53  }
0x8e: {  	(xrf0) =	vadd.scan.msk.s32 $0xffff, v54;
	_ =	sdelay $0x1  }
0x8f: {  	v55 =	vmpcnt.ones.xlane vm15;
	_ =	sdelay $0x1  }
0x90: {  	v11 =	vsel vm2, $0xFFFFFFFF, v1;
	v6 =	vsub.s32 v6, v55  }
0x91: {  	v56 =	vsel vm15, $0xFFFFFFFF, v1;
	v6 =	vsub.s32 v11, v6;
	v57, _, _ =	vpop (xrf0)  }
0x92: {  	v5 =	vadd.s32 v56, v5;
	v6 =	vadd.s32 v57, v6;
	v58, _, _ =	vpop (xrf0)  }
0x93: {  	v5 =	vadd.s32 v58, v5;
	v6 =	vadd.s32 $0x4970, v6  }
0x94: {  	v5 =	vsel vm15, v5, v6;
	_ =	sdelay $0x2  }
0x95: {  	s0 =	sadd.s32 $0x10, s6  }
0x96: {  	v59 =	vor.u32 s0, v0;
	[tilespmem:s31+$0x9300] =	vst v7  }
0x97: {  	v60 =	vld [tilespmem:s31+$0x4980];
	s31 =	sadd.s32 s7, s10;
	[tilespmem:v5+s23+$0x0] =	vst.idx.msk $0xffff, v59  }
0x98: {  	[hbm4b:s31+s16] =	stream.strided.scatter [tilespmem:s21], [sflag:$0x1], $0x4980, s17, s16, $0x38;
	[tilespmem:$0x1FB08] =	vst v63  }
0x99: {  	_ =	swait.ge [sflag:s18], $0x4980  }
0x9a: {  	[sflag:s18] =	ssyncset.done $0x0  }
0x9b: {  	v61 =	vnsel vm0, $0x0, v8;
	[sflag:s18] =	ssyncadd.s32 $0xFFFFB680  }
0x9c: {  	v4 =	vadd.f32 v61, v4;
	[hbm4b:s25+s16] =	stream.strided.scatter [tilespmem:s23], [sflag:$0x1], $0x4980, s17, s16, $0x38;
	[tilespmem:$0x1FB08] =	vst v63  }
0x9d: {  	v62 =	vnsel vm1, $0x0, v60;
	_ =	swait.ge [sflag:s18], $0x4980  }
0x9e: {  	v4 =	vadd.f32 v62, v4;
	[sflag:s18] =	ssyncset.done $0x0  }
0x9f: {  	v63 =	vsel vm1, $0x1, v1;
	[sflag:s18] =	ssyncadd.s32 $0xFFFFB680  }
0xa0: {  	v3 =	vadd.s32 v63, v3;
	[tilespmem:$0x16F80] =	vst v4  }
0xa1: {  	v2 =	vadd.s32 v54, v2;
	[tilespmem:$0x17000] =	vst v3  }
0xa2: {  	[tilespmem:$0x17080] =	vst v2  }
0xa3: {  	[hbm4b:s12+s4] =	stream.linear.scatter [tilespmem:s26], [sflag:$0x1], $0x80, $0x38;
	[tilespmem:$0x1FB08] =	vst v63  }
0xa4: {  	_ =	swait.ge [sflag:s18], $0x80  }
0xa5: {  	[sflag:s18] =	ssyncset.done $0x0  }
0xa6: {  	[sflag:s18] =	ssyncadd.s32 $0xFFFFFF80  }
0xa7: {  	[hbm4b:s13+s4] =	stream.linear.scatter [tilespmem:s28], [sflag:$0x1], $0x80, $0x38;
	[tilespmem:$0x1FB08] =	vst v63  }
0xa8: {  	s30 =	sadd.s32 $0x1, s30;
	_ =	swait.ge [sflag:s18], $0x80  }
0xa9: {  	p0 =	sne.s32 s30, s15;
	[sflag:s18] =	ssyncset.done $0x0  }
.Ltmp3:
0xaa: {  	[sflag:s18] =	ssyncadd.s32 $0xFFFFFF80;
	(pc) =	sbr.rel @p0 .LBB2_1-.Ltmp3, $4  }
0xab: {  	[hbm4b:s14+s4] =	stream.linear.scatter [tilespmem:s29], [sflag:$0x1], $0x80, $0x38;
	[tilespmem:$0x1FB08] =	vst v63  }
0xac: {  	_ =	swait.ge [sflag:s18], $0x80  }
0xad: {  	[sflag:s18] =	ssyncset.done $0x0  }
0xae: {  	[sflag:s18] =	ssyncadd.s32 $0xFFFFFF80  }
0xaf: {  	_ =	sfence.sel $0x180000  }
0xb0: {  	[bflag:$0x0] =	sbarrier.arrive $0xFFFF  }
0xb1: {  	_ =	strace $0x90000050  }
0xb2: {  	s0 =	stileid.u32;
	[bflag:$0x2] =	sbarrier.arrive $0xFFFF  }
0xb3: {  	p0 =	sne.s32 s0, $0x0;
	s0 =	rddreg [dreg:$0x5]  }
0xb4: {  	s0 =	sadd.s32 @!p0 $0x100000, s0  }
0xb5: {  	[sflag:s0] =	ssyncadd.tile.s32 @!p0 $0x1;
	_ =	shalt  }
.Lfunc_end2:
_tile_overlayer_lowered:
.L_overlay_start_2:
0xb6: {  	(tag) =	ssettag $0x2  }
0xb7: {  	s0 =	rddreg [dreg:$0x0];
	s2 =	stileid.u32  }
0xb8: {  	s1 =	rddreg [dreg:$0x1];
	p0 =	sne.s32 s2, $0x0  }
0xb9: {  	s3 =	rddreg [dreg:$0x2];
	[bflag:$0x3] =	sbarrier.arrive $0xFFFF;
	s2 =	simm.s32 @!p0 $0x1C01  }
0xba: {  	[timem:s3], [sflag:s2] =	dma.local @!p0 [hbm:s0], s1  }
0xbb: {  	s0 =	simm.s32 @!p0 $0x1  }
0xbc: {  	_ =	swait.ge @!p0 [sflag:s0], s1  }
0xbd: {  	s1 =	ssub.s32 @!p0 $0x0, s1;
	[sflag:s0] =	ssyncset.done @!p0 $0x0  }
0xbe: {  	[sflag:s0] =	ssyncadd.s32 @!p0 s1  }
0xbf: {  	[bflag:$0x3] =	sbarrier.arrive $0xFFFF  }
0xc0: {  	_ =	shalt  }

// kernel: gather_offload_async_start.1
scs
__scs_entry_jumppad:
0x0: {  	(pc) =	sbr.rel $0x88, $3  }
0x1: {  	(tag) =	ssettag $0x0;
	lr =	simm.s32 $0x1  }
0x2: {  	[smem:$0x3F9C] =	sst lr;
	_ =	strace $0xD0000000  }
0x3: {  	_ = 	snop  }
0x4: {  	_ = 	snop  }
0x5: {  	_ = 	snop  }
0x6: {  	_ = 	snop  }
0x7: {  	_ = 	snop  }
__scs_overlays_trampoline_lowered:
0x8: {  	[smem:$0x3FAB] =	sst s0  }
0x9: {  	[smem:$0x3FAC] =	sst s1  }
0xa: {  	[smem:$0x3FAD] =	sst s2  }
0xb: {  	[smem:$0x3FAE] =	sst s3  }
0xc: {  	[smem:$0x3FAF] =	sst s4  }
0xd: {  	[smem:$0x3FB0] =	sst s5  }
0xe: {  	[smem:$0x3FB1] =	sst s6  }
0xf: {  	[smem:$0x3FB2] =	sst s7  }
0x10: {  	[smem:$0x3FB3] =	sst s8  }
0x11: {  	[smem:$0x3FB4] =	sst s9;
	s0 =	simm.s32 @!p0 $0x0  }
0x12: {  	s1 =	sld [smem:$0x3F9A];
	s0 =	simm.s32 @p0 $0x1  }
0x13: {  	[smem:$0x3FB5] =	sst s0;
	s0 =	simm.s32 @!p1 $0x0  }
0x14: {  	s2 =	sld [smem:$0x3F99];
	s0 =	simm.s32 @p1 $0x1  }
0x15: {  	[smem:$0x3FB6] =	sst s0;
	s0 =	simm.s32 @!p2 $0x0  }
0x16: {  	s3 =	sld [smem:$0x3FDB];
	s0 =	simm.s32 @p2 $0x1  }
0x17: {  	s4 =	simm.s32 $0x1BF5;
	[smem:$0x3FB8] =	sst s0  }
0x18: {  	s0 =	sld [smem:$0x3F9B];
	_ =	swait.ge [sflag:s4], $0x0  }
0x19: {  	s7 =	sld [smem:$0x3F9C]  }
0x1a: {  	s8 =	sadd.s32 $0xFFFFE003, lr  }
0x1b: {  	s9 =	sadd.s32 $0xFFFFFEF7, lr;
	s5 =	simm.s32 $0xFFFFFFFF;
	p2 =	slt.u32 s8, $0xFFFFF086  }
0x1c: {  	p1 =	slt.u32 s9, $0xF7A;
	s5 =	simm.s32 @!p2 $0x0  }
0x1d: {  	s5 =	simm.s32 @p1 $0x1;
	p0 =	seq.s32 s7, s2  }
0x1e: {  	s7 =	smul.u32 @!p0 $0xF7A, s2;
	p2 =	seq.s32 @!p0 s5, $0x0  }
0x1f: {  	s9 =	smul.u32 $0xF7A, s1;
	s8 =	simm.s32 @!p0 $0x1BF5;
	p2 =	por !p2, p0  }
0x20: {  	[sflag:s8] =	ssyncset.s32 @!p0 $0xFFFFF086;
	s6 =	sadd.s32 @!p0 s3, s7;
	s7 =	simm.s32 @!p0 $0x108  }
0x21: {  	s3 =	sadd.s32 s3, s9;
	s6 =	sadd.s32 @!p0 $0x88, s6;
	s7 =	simm.s32 @p2 $0x1082  }
0x22: {  	[simem:s7], [sflag:s8] =	dma.local @!p0 [hbm:s6], $0xF7A  }
0x23: {  	s9 =	sor.u32 $0xD0000000, s2;
	s6 =	simm.s32 $0x108;
	_ =	swait.ge @!p0 [sflag:s8], $0x0  }
0x24: {  	s3 =	sadd.s32 $0x88, s3;
	s6 =	simm.s32 @!p1 $0x1082;
	[sflag:s4] =	ssyncset.s32 $0xFFFFF086  }
0x25: {  	[simem:s6], [sflag:s4] =	dma.local [hbm:s3], $0xF7A  }
0x26: {  	[smem:$0x3F9C] =	sst s1;
	(tag) =	ssettag s2;
	_ =	strace s9  }
0x27: {  	s1 =	sld [smem:$0x3FAC]  }
0x28: {  	s2 =	sld [smem:$0x3FAD]  }
0x29: {  	s4 =	sld [smem:$0x3FAF]  }
0x2a: {  	p0 =	seq.s32 s5, $0x0;
	s5 =	sld [smem:$0x3FB0]  }
0x2b: {  	s6 =	sld [smem:$0x3FB1]  }
0x2c: {  	s7 =	sld [smem:$0x3FB2]  }
0x2d: {  	s3 =	simm.s32 $0x108;
	s8 =	sld [smem:$0x3FB3]  }
0x2e: {  	s3 =	simm.s32 @!p0 $0x1082;
	s9 =	sld [smem:$0x3FB4]  }
0x2f: {  	lr =	sadd.s32 s0, s3;
	s0 =	sld [smem:$0x3FAB]  }
0x30: {  	s3 =	sld [smem:$0x3FAE]  }
0x31: {  	[smem:$0x3FB7] =	sst s10  }
0x32: {  	s10 =	sld [smem:$0x3FB5];
	_ =	sdelay $0x3  }
0x33: {  	p0 =	seq.s32 s10, $0x1;
	s10 =	sld [smem:$0x3FB7];
	_ =	sdelay $0x3  }
0x34: {  	[smem:$0x3FB7] =	sst s10  }
0x35: {  	s10 =	sld [smem:$0x3FB6];
	_ =	sdelay $0x3  }
0x36: {  	p1 =	seq.s32 s10, $0x1;
	s10 =	sld [smem:$0x3FB7];
	_ =	sdelay $0x3  }
0x37: {  	[smem:$0x3FB7] =	sst s10  }
0x38: {  	s10 =	sld [smem:$0x3FB8]  }
0x39: {  	_ = 	snop;
	(pc) =	sbr.ind lr, $3  }
0x3a: {  	_ = 	snop  }
0x3b: {  	_ = 	snop  }
0x3c: {  	p2 =	seq.s32 s10, $0x1;
	s10 =	sld [smem:$0x3FB7]  }
0x3d: {  	_ =	shalt  }
0x3e: {  	_ =	shalt  }
0x3f: {  	_ =	shalt  }
0x40: {  	_ =	shalt  }
0x41: {  	_ =	shalt  }
0x42: {  	_ =	shalt  }
0x43: {  	_ =	shalt  }
0x44: {  	_ =	shalt  }
0x45: {  	_ =	shalt  }
0x46: {  	_ =	shalt  }
0x47: {  	_ =	shalt  }
0x48: {  	_ =	shalt  }
0x49: {  	_ =	shalt  }
0x4a: {  	_ =	shalt  }
0x4b: {  	_ =	shalt  }
0x4c: {  	_ =	shalt  }
0x4d: {  	_ =	shalt  }
0x4e: {  	_ =	shalt  }
0x4f: {  	_ =	shalt  }
0x50: {  	_ =	shalt  }
0x51: {  	_ =	shalt  }
0x52: {  	_ =	shalt  }
0x53: {  	_ =	shalt  }
0x54: {  	_ =	shalt  }
0x55: {  	_ =	shalt  }
0x56: {  	_ =	shalt  }
0x57: {  	_ =	shalt  }
0x58: {  	_ =	shalt  }
0x59: {  	_ =	shalt  }
0x5a: {  	_ =	shalt  }
0x5b: {  	_ =	shalt  }
0x5c: {  	_ =	shalt  }
0x5d: {  	_ =	shalt  }
0x5e: {  	_ =	shalt  }
0x5f: {  	_ =	shalt  }
0x60: {  	_ =	shalt  }
0x61: {  	_ =	shalt  }
0x62: {  	_ =	shalt  }
0x63: {  	_ =	shalt  }
0x64: {  	_ =	shalt  }
0x65: {  	_ =	shalt  }
0x66: {  	_ =	shalt  }
0x67: {  	_ =	shalt  }
0x68: {  	_ =	shalt  }
0x69: {  	_ =	shalt  }
0x6a: {  	_ =	shalt  }
0x6b: {  	_ =	shalt  }
0x6c: {  	_ =	shalt  }
0x6d: {  	_ =	shalt  }
0x6e: {  	_ =	shalt  }
0x6f: {  	_ =	shalt  }
0x70: {  	_ =	shalt  }
0x71: {  	_ =	shalt  }
0x72: {  	_ =	shalt  }
0x73: {  	_ =	shalt  }
0x74: {  	_ =	shalt  }
0x75: {  	_ =	shalt  }
0x76: {  	_ =	shalt  }
0x77: {  	_ =	shalt  }
0x78: {  	_ =	shalt  }
0x79: {  	_ =	shalt  }
0x7a: {  	_ =	shalt  }
0x7b: {  	_ =	shalt  }
0x7c: {  	_ =	shalt  }
0x7d: {  	_ =	shalt  }
0x7e: {  	_ =	shalt  }
0x7f: {  	_ =	shalt  }
0x80: {  	_ =	shalt  }
0x81: {  	_ =	shalt  }
0x82: {  	_ =	shalt  }
0x83: {  	_ =	shalt  }
0x84: {  	_ =	shalt  }
0x85: {  	_ =	shalt  }
0x86: {  	_ =	shalt  }
0x87: {  	_ =	shalt  }
.Lfunc_end0:
.L_simem_size_0:
called_computation.1_lowered:
.L_overlay_start_0:
0x88: {  	s2 =	sld [smem:$0x3FD9]  }
0x89: {  	s3 =	sld [smem:$0x3FFE];
	_ =	sdelay $0x1  }
0x8a: {  	s1 =	srdreg.scid  }
0x8b: {  	s0 =	sand.u32 $0x1, s1  }
0x8c: {  	s17 =	sshll.u32 s0, $0xA;
	s2 =	sadd.s32 s3, s2  }
0x8d: {  	s2 =	sadd.s32 s2, s17  }
0x8e: {  	[smem:$0x3FC3] =	sst s2  }
0x8f: {  	_ = 	snop  }
0x90: {  	s2 =	sld [smem:$0x3FC6];
	(tm) =	ssettm $0x1  }
0x91: {  	s18 =	sld [smem:$0x3FFB];
	_ =	sdelay $0x3  }
0x92: {  	_ =	strace s18  }
0x93: {  	s3 =	sld [smem:$0x3FFC];
	_ =	sdelay $0x3  }
0x94: {  	_ =	strace s3  }
0x95: {  	s3 =	sld [smem:$0x3FFD];
	_ =	sdelay $0x3  }
0x96: {  	_ =	strace s3  }
0x97: {  	_ =	strace $0x8FFFFFFF  }
0x98: {  	s19 =	sld [smem:$0x3FDB];
	_ =	sdelay $0x1  }
0x99: {  	s4 =	simm.s32 $_scs_section_size  }
0x9a: {  	s5 =	simm.s32 $_size__tile_overlayer_lowered;
	s6 =	simm.s32 $_tile_overlayer_lowered  }
0x9b: {  	s22 =	simm.s32 $0x1BFF;
	s21 =	sshll.u32 s6, $0x1;
	s3 =	sadd.s32 s4, s19  }
0x9c: {  	s7 =	simm.s32 $0x0;
	s20 =	sshll.u32 s5, $0x1;
	s5 =	sadd.s32 s21, s3  }
0x9d: {  	[timem:s7], [sflag:s22] =	dma.local [hbm:s5], s20  }
0x9e: {  	_ =	swait.ge [sflag:s22], s20  }
0x9f: {  	s4 =	ssub.s32 $0x0, s20;
	[sflag:s22] =	ssyncset.done $0x0  }
0xa0: {  	[sflag:s22] =	ssyncadd.s32 s4;
	_ =	sdelay $0x1  }
0xa1: {  	s23 =	simm.s32 $0x1B8B  }
0xa2: {  	_ =	swait.ge [sflag:s23], $0x1  }
0xa3: {  	[sflag:s23] =	ssyncset.done $0x0  }
0xa4: {  	s25 =	simm.s32 $0x1B8E;
	s24 =	sld [smem:$0x3FFE];
	[sflag:s23] =	ssyncadd.s32 $0xFFFFFFFF  }
0xa5: {  	s26 =	simm.s32 $execute0_lowered;
	[smem:$0x3FD2] =	sst s25  }
0xa6: {  	s5 =	sshll.u32 s26, $0x1;
	_ =	strace $0x80000049;
	[dreg:$0x1] =	wrdreg $0xFFFFFFFF  }
0xa7: {  	s28 =	simm.s32 $_size_execute0_lowered;
	s3 =	sadd.s32 s3, s5;
	[dreg:$0x0] =	wrdreg $0x0  }
0xa8: {  	s5 =	sshll.u32 s28, $0x1;
	[dreg:$0x2] =	wrdreg s3  }
0xa9: {  	[dreg:$0x3] =	wrdreg s5  }
0xaa: {  	[dreg:$0x4] =	wrdreg $0xC0  }
0xab: {  	_ =	task [dreg:s7], $0x5FFFF  }
0xac: {  	[dreg:$0x1] =	wrdreg $0xFFFFFFFF  }
0xad: {  	[dreg:$0x0] =	wrdreg $0x60  }
0xae: {  	[dreg:$0x2] =	wrdreg s2  }
0xaf: {  	[dreg:$0x3] =	wrdreg s24  }
0xb0: {  	[dreg:$0x4] =	wrdreg $0x9  }
0xb1: {  	_ =	task.clear_ibuf [dreg:s7], $0x5FFFF;
	_ =	strace $0x90000049  }
0xb2: {  	s29 =	simm.s32 $0x9;
	_ =	strace $0x8000004B  }
0xb3: {  	_ =	swait.ge [sflag:s29], $0x1  }
0xb4: {  	[sflag:s29] =	ssyncadd.s32 $0xFFFFFFFF  }
0xb5: {  	_ =	strace $0x9000004B  }
0xb6: {  	_ =	sfence  }
0xb7: {  	s30 =	sld [smem:$0x0];
	_ =	sdelay $0x2  }
0xb8: {  	s31 =	sshll.u32 s1, $0xD;
	s1 =	sshrl.u32 s1, $0x2  }
0xb9: {  	s3 =	sand.u32 $0x4000, s31;
	s1 =	sadd.s32 s1, s30  }
0xba: {  	s0 =	sor.u32 s3, s0;
	s1 =	sshll.u32 s1, $0x11  }
0xbb: {  	s0 =	sor.u32 s1, s0  }
0xbc: {  	s0 =	sadd.s32 $0x8F2B, s0  }
0xbd: {  	[sflag:s0] =	ssyncadd.remote.s32 $0x1  }
0xbe: {  	_ =	sfence.sel $0xFFFF  }
0xbf: {  	[dreg:$0x0] =	wrdreg $0xFFFFFFFF;
	(pc) =	sbr.abs _section_cstart, $3  }
0xc0: {  	[dreg:$0x1] =	wrdreg $0xFFFFFFFF  }
0xc1: {  	_ =	task.clear_ibuf [dreg:s7], $0x2FFFF;
	_ =	strace $0x9FFFFFFF  }
0xc2: {  	(tm) =	ssettm $0x7FFFFFFF  }
0xc3: {  	_ =	shalt  }
tec
execute0_lowered:
.L_overlay_start_1:
0x0: {  	(tag) =	ssettag $0x1  }
0x1: {  	s1 =	srdreg.scid;
	s2 =	rddreg [dreg:$0x0]  }
0x2: {  	s0 =	stileid.u32;
	s3 =	rddreg [dreg:$0x1]  }
0x3: {  	s6 =	simm.s32 $0x1;
	s9 =	simm.s32 $0x1;
	s1 =	sshll.u32 s1, $0x9  }
0x4: {  	s10 =	simm.s32 $0x3;
	s4 =	sshll.u32 s0, $0xA;
	s5 =	sand.u32 $0x200, s1  }
0x5: {  	s13 =	simm.s32 $0x0;
	s12 =	simm.s32 $0x0;
	s4 =	sor.u32 s4, s5  }
0x6: {  	s1 =	rddreg [dreg:$0x2];
	_ =	strace $0x8000004A;
	s8 =	ssub.s32 $0x8000, s4  }
.Ltmp0:
0x7: {  	s5 =	sadd.s32 $0x1000, s3;
	s7 =	sand.u32 $0x3E00, s8;
	(pc) =	sbr.rel .LBB2_1-.Ltmp0, $4  }
0x8: {  	[sflag:s6] =	ssyncpa.u1 $0x0;
	s11 =	smov.u32 s4;
	p0 =	sne.s32 s7, $0x0  }
0x9: {  	s8 =	sshrl.u32 s8, $0xE;
	s7 =	simm.s32 $0x2;
	s9 =	simm.s32 @!p0 $0x0  }
0xa: {  	[sflag:s7] =	ssyncpa.u1 $0x0;
	p0 =	por $0x0, $0x0;
	s8 =	sadd.s32 s9, s8  }
0xb: {  	vm0 =	vmmov $0xffff;
	[sflag:s10] =	ssyncpa.u1 $0x0;
	s10 =	simm.s32 $0x0;
	s9 =	sadd.s32 $0x1, s8  }
.LBB2_4:
0xc: {  	v2 =	vnsel vm1, $0x0, v2  }
0xd: {  	vm1 =	vgt.s32 v0, $0x0;
	v2 =	vmin.u32 v2, $0x497FF  }
0xe: {  	v0 =	vnsel vm1, $0x0, v0  }
0xf: {  	v0 =	vmin.u32 v0, $0x497FF  }
0x10: {  	[tilespmem:s15], [sflag:$0x1] =	stream.indirect_vreg.gather [hbm4b:s2+s10], $0x1, v1, vm0, $0x4038;
	[tilespmem:$0x800] =	vst v63  }
0x11: {  	(ifvalue) =	ssetifvalue $0x7FFFFFFF  }
0x12: {  	[tilespmem:s16], [sflag:$0x1] =	stream.indirect_vreg.gather [hbm4b:s2+s10], $0x1, v2, vm0, $0x4038;
	[tilespmem:$0x800] =	vst v63  }
0x13: {  	s29 =	sadd.s32 $0x10, s16;
	(ifvalue) =	ssetifvalue $0x7FFFFFFF  }
0x14: {  	[tilespmem:s29], [sflag:$0x1] =	stream.indirect_vreg.gather [hbm4b:s2+s10], $0x1, v0, vm0, $0x4038;
	[tilespmem:$0x800] =	vst v63  }
0x15: {  	_ =	swait.ge [sflag:s6], $0x200  }
0x16: {  	s30 =	sshrl.u32 s13, $0x3;
	[sflag:s6] =	ssyncset.done $0x0  }
0x17: {  	s31 =	sand.u32 $0x7, s13;
	s15 =	sadd.s32 s5, s30;
	[sflag:s6] =	ssyncadd.s32 $0xFFFFFE00  }
0x18: {  	[hbm4b:s15+s31] =	stream.linear.scatter [tilespmem:s14], [sflag:$0x3], $0x200, $0x38;
	[tilespmem:$0x800] =	vst v63  }
.LBB2_5:
0x19: {  	s15 =	sadd.s32 $0x4000, s11  }
0x1a: {  	p2 =	sgt.s32 s15, $0x7FFF  }
0x1b: {  	s15 =	smov.u32 @p2 s4;
	p2 =	sne.s32 s12, s9  }
.Ltmp1:
0x1c: {  	p1 =	slt.u32 s12, $0x2;
	(pc) =	sbr.rel @!p2 .LBB2_6-.Ltmp1, $4  }
0x1d: {  	s14 =	simm.s32 @!p1 $0x3  }
0x1e: {  	s16 =	sadd.s32 $0x1, s12;
	_ =	swait.ge @!p1 [sflag:s14], $0x200  }
0x1f: {  	s13 =	smov.u32 s11;
	p0 =	por !p0, !p0;
	[sflag:s14] =	ssyncset.done @!p1 $0x0  }
0x20: {  	s12 =	smov.u32 s16;
	s11 =	smov.u32 s15;
	[sflag:s14] =	ssyncadd.s32 @!p1 $0xFFFFFE00  }
.LBB2_1:
0x21: {  	p1 =	sge.u32 s12, s8  }
0x22: {  	s14 =	sxor.u32 @!p1 $0xFFFFFFFF, s12  }
0x23: {  	s31 =	sadd.s32 $0xFFFFFFFF, s12;
	s15 =	sshrl.u32 @!p1 s11, $0x3;
	s14 =	sshll.u32 @!p1 s14, $0x9  }
0x24: {  	s16 =	sand.u32 @!p1 $0x7, s11;
	s15 =	sadd.s32 @!p1 s3, s15;
	s14 =	sand.u32 @!p1 $0x200, s14  }
0x25: {  	[tilespmem:s14], [sflag:$0x2] =	stream.linear.gather @!p1 [hbm4b:s15+s16], $0x200, $0x38;
	[tilespmem:$0x800] =	vst v63  }
0x26: {  	p1 =	sge.u32 s31, s8  }
.Ltmp2:
0x27: {  	_ = 	snop;
	(pc) =	sbr.rel @p1 .LBB2_5-.Ltmp2, $1  }
0x28: {  	_ =	sdelay $0x3  }
0x29: {  	s14 =	simm.s32 $0x1  }
0x2a: {  	_ =	swait.ge [sflag:s7], $0x200;
	s14 =	simm.s32 @!p0 $0x0  }
0x2b: {  	[sflag:s7] =	ssyncset.done $0x0;
	s14 =	sshll.u32 s14, $0x9  }
0x2c: {  	[sflag:s7] =	ssyncadd.s32 $0xFFFFFE00;
	(ifvalue) =	ssetifvalue $0x7FFFFFFF;
	v0 =	vld.msk [tilespmem:s14+$0x0 ss:$0x1], $0xffff;
	_ =	sdelay $0x4  }
0x2d: {  	s15 =	sadd.s32 $0x10, s14;
	vm1 =	vgt.s32 v0, $0x0  }
0x2e: {  	v2 =	vld.msk [tilespmem:s15+$0x0 ss:$0x1], $0xffff;
	v1 =	vnsel vm1, $0x0, v0  }
0x2f: {  	v1 =	vmin.u32 v1, $0x497FF;
	_ =	sdelay $0x1  }
0x30: {  	s16 =	sshll.u32 s12, $0x9;
	s18 =	simm.s32 $0x20  }
0x31: {  	s16 =	sand.u32 $0x200, s16;
	s17 =	sadd.s32 $0x10, s15;
	s15 =	sor.u32 $0x400, s14  }
0x32: {  	s14 =	sor.u32 $0x400, s16;
	s16 =	sadd.s32 $0x10, s15;
	v0 =	vld.msk [tilespmem:s17+$0x0 ss:$0x1], $0xffff;
	vm1 =	vgt.s32 v2, $0x0;
	(ifvalue) =	ssetifvalue $0x7FFFFFFF  }
.LBB2_3:
0x33: {  	[tilespmem:s15], [sflag:$0x1] =	stream.indirect_vreg.gather [hbm4b:s2+s10], $0x1, v1, vm0, $0x4038;
	[tilespmem:$0x800] =	vst v63  }
0x34: {  	s18 =	sadd.s32 $0x10, s18  }
0x35: {  	v2 =	vnsel vm1, $0x0, v2;
	p1 =	slt.u32 s18, $0x1F0  }
.Ltmp3:
0x36: {  	s15 =	smov.u32 s16;
	v1 =	vmin.u32 v2, $0x497FF;
	(pc) =	sbr.rel @p1 .LBB2_3-.Ltmp3, $3  }
0x37: {  	_ =	sdelay $0x1  }
0x38: {  	s17 =	sadd.s32 $0x10, s17  }
0x39: {  	vm1 =	vgt.s32 v0, $0x0;
	s16 =	sadd.s32 $0x10, s16;
	v2 =	vmov v0;
	(ifvalue) =	ssetifvalue $0x7FFFFFFF;
	v0 =	vld.msk [tilespmem:s17+$0x0 ss:$0x1], $0xffff  }
.Ltmp4:
0x3a: {  	_ = 	snop;
	(pc) =	sbr.rel .LBB2_4-.Ltmp4, $1  }
0x3b: {  	_ =	sdelay $0x3  }
.LBB2_6:
0x3c: {  	_ =	sfence.sel $0x180000  }
0x3d: {  	s2 =	simm.s32 $0x2;
	[bflag:$0x0] =	sbarrier.arrive $0xFFFF  }
0x3e: {  	s30 =	simm.s32 $0x3;
	[sflag:s2] =	ssyncpa.u1 $0x1  }
0x3f: {  	s31 =	simm.s32 $0x1;
	[sflag:s30] =	ssyncpa.u1 $0x1  }
0x40: {  	[sflag:s31] =	ssyncpa.u1 $0x1  }
0x41: {  	p0 =	sne.s32 s0, $0x0;
	_ =	strace $0x9000004A  }
0x42: {  	s0 =	sadd.s32 @!p0 $0x100000, s1;
	[bflag:$0x2] =	sbarrier.arrive $0xFFFF  }
0x43: {  	[sflag:s0] =	ssyncadd.tile.s32 @!p0 $0x1;
	_ =	shalt  }
.Lfunc_end2:
_tile_overlayer_lowered:
.L_overlay_start_2:
0x44: {  	(tag) =	ssettag $0x2  }
0x45: {  	s0 =	rddreg [dreg:$0x0];
	s2 =	stileid.u32  }
0x46: {  	s1 =	rddreg [dreg:$0x1];
	p0 =	sne.s32 s2, $0x0  }
0x47: {  	s3 =	rddreg [dreg:$0x2];
	[bflag:$0x3] =	sbarrier.arrive $0xFFFF;
	s2 =	simm.s32 @!p0 $0x1C01  }
0x48: {  	[timem:s3], [sflag:s2] =	dma.local @!p0 [hbm:s0], s1  }
0x49: {  	s0 =	simm.s32 @!p0 $0x1  }
0x4a: {  	_ =	swait.ge @!p0 [sflag:s0], s1  }
0x4b: {  	s1 =	ssub.s32 @!p0 $0x0, s1;
	[sflag:s0] =	ssyncset.done @!p0 $0x0  }
0x4c: {  	[sflag:s0] =	ssyncadd.s32 @!p0 s1  }
0x4d: {  	[bflag:$0x3] =	sbarrier.arrive $0xFFFF  }
0x4e: {  	_ =	shalt  }

// kernel: gather_offload_async_start.2
scs
__scs_entry_jumppad:
0x0: {  	(pc) =	sbr.rel $0x88, $3  }
0x1: {  	(tag) =	ssettag $0x0;
	lr =	simm.s32 $0x1  }
0x2: {  	[smem:$0x3F9C] =	sst lr;
	_ =	strace $0xD0000000  }
0x3: {  	_ = 	snop  }
0x4: {  	_ = 	snop  }
0x5: {  	_ = 	snop  }
0x6: {  	_ = 	snop  }
0x7: {  	_ = 	snop  }
__scs_overlays_trampoline_lowered:
0x8: {  	[smem:$0x3FAB] =	sst s0  }
0x9: {  	[smem:$0x3FAC] =	sst s1  }
0xa: {  	[smem:$0x3FAD] =	sst s2  }
0xb: {  	[smem:$0x3FAE] =	sst s3  }
0xc: {  	[smem:$0x3FAF] =	sst s4  }
0xd: {  	[smem:$0x3FB0] =	sst s5  }
0xe: {  	[smem:$0x3FB1] =	sst s6  }
0xf: {  	[smem:$0x3FB2] =	sst s7  }
0x10: {  	[smem:$0x3FB3] =	sst s8  }
0x11: {  	[smem:$0x3FB4] =	sst s9;
	s0 =	simm.s32 @!p0 $0x0  }
0x12: {  	s1 =	sld [smem:$0x3F9A];
	s0 =	simm.s32 @p0 $0x1  }
0x13: {  	[smem:$0x3FB5] =	sst s0;
	s0 =	simm.s32 @!p1 $0x0  }
0x14: {  	s2 =	sld [smem:$0x3F99];
	s0 =	simm.s32 @p1 $0x1  }
0x15: {  	[smem:$0x3FB6] =	sst s0;
	s0 =	simm.s32 @!p2 $0x0  }
0x16: {  	s3 =	sld [smem:$0x3FDB];
	s0 =	simm.s32 @p2 $0x1  }
0x17: {  	s4 =	simm.s32 $0x1BF5;
	[smem:$0x3FB8] =	sst s0  }
0x18: {  	s0 =	sld [smem:$0x3F9B];
	_ =	swait.ge [sflag:s4], $0x0  }
0x19: {  	s7 =	sld [smem:$0x3F9C]  }
0x1a: {  	s8 =	sadd.s32 $0xFFFFE003, lr  }
0x1b: {  	s9 =	sadd.s32 $0xFFFFFEF7, lr;
	s5 =	simm.s32 $0xFFFFFFFF;
	p2 =	slt.u32 s8, $0xFFFFF086  }
0x1c: {  	p1 =	slt.u32 s9, $0xF7A;
	s5 =	simm.s32 @!p2 $0x0  }
0x1d: {  	s5 =	simm.s32 @p1 $0x1;
	p0 =	seq.s32 s7, s2  }
0x1e: {  	s7 =	smul.u32 @!p0 $0xF7A, s2;
	p2 =	seq.s32 @!p0 s5, $0x0  }
0x1f: {  	s9 =	smul.u32 $0xF7A, s1;
	s8 =	simm.s32 @!p0 $0x1BF5;
	p2 =	por !p2, p0  }
0x20: {  	[sflag:s8] =	ssyncset.s32 @!p0 $0xFFFFF086;
	s6 =	sadd.s32 @!p0 s3, s7;
	s7 =	simm.s32 @!p0 $0x108  }
0x21: {  	s3 =	sadd.s32 s3, s9;
	s6 =	sadd.s32 @!p0 $0x88, s6;
	s7 =	simm.s32 @p2 $0x1082  }
0x22: {  	[simem:s7], [sflag:s8] =	dma.local @!p0 [hbm:s6], $0xF7A  }
0x23: {  	s9 =	sor.u32 $0xD0000000, s2;
	s6 =	simm.s32 $0x108;
	_ =	swait.ge @!p0 [sflag:s8], $0x0  }
0x24: {  	s3 =	sadd.s32 $0x88, s3;
	s6 =	simm.s32 @!p1 $0x1082;
	[sflag:s4] =	ssyncset.s32 $0xFFFFF086  }
0x25: {  	[simem:s6], [sflag:s4] =	dma.local [hbm:s3], $0xF7A  }
0x26: {  	[smem:$0x3F9C] =	sst s1;
	(tag) =	ssettag s2;
	_ =	strace s9  }
0x27: {  	s1 =	sld [smem:$0x3FAC]  }
0x28: {  	s2 =	sld [smem:$0x3FAD]  }
0x29: {  	s4 =	sld [smem:$0x3FAF]  }
0x2a: {  	p0 =	seq.s32 s5, $0x0;
	s5 =	sld [smem:$0x3FB0]  }
0x2b: {  	s6 =	sld [smem:$0x3FB1]  }
0x2c: {  	s7 =	sld [smem:$0x3FB2]  }
0x2d: {  	s3 =	simm.s32 $0x108;
	s8 =	sld [smem:$0x3FB3]  }
0x2e: {  	s3 =	simm.s32 @!p0 $0x1082;
	s9 =	sld [smem:$0x3FB4]  }
0x2f: {  	lr =	sadd.s32 s0, s3;
	s0 =	sld [smem:$0x3FAB]  }
0x30: {  	s3 =	sld [smem:$0x3FAE]  }
0x31: {  	[smem:$0x3FB7] =	sst s10  }
0x32: {  	s10 =	sld [smem:$0x3FB5];
	_ =	sdelay $0x3  }
0x33: {  	p0 =	seq.s32 s10, $0x1;
	s10 =	sld [smem:$0x3FB7];
	_ =	sdelay $0x3  }
0x34: {  	[smem:$0x3FB7] =	sst s10  }
0x35: {  	s10 =	sld [smem:$0x3FB6];
	_ =	sdelay $0x3  }
0x36: {  	p1 =	seq.s32 s10, $0x1;
	s10 =	sld [smem:$0x3FB7];
	_ =	sdelay $0x3  }
0x37: {  	[smem:$0x3FB7] =	sst s10  }
0x38: {  	s10 =	sld [smem:$0x3FB8]  }
0x39: {  	_ = 	snop;
	(pc) =	sbr.ind lr, $3  }
0x3a: {  	_ = 	snop  }
0x3b: {  	_ = 	snop  }
0x3c: {  	p2 =	seq.s32 s10, $0x1;
	s10 =	sld [smem:$0x3FB7]  }
0x3d: {  	_ =	shalt  }
0x3e: {  	_ =	shalt  }
0x3f: {  	_ =	shalt  }
0x40: {  	_ =	shalt  }
0x41: {  	_ =	shalt  }
0x42: {  	_ =	shalt  }
0x43: {  	_ =	shalt  }
0x44: {  	_ =	shalt  }
0x45: {  	_ =	shalt  }
0x46: {  	_ =	shalt  }
0x47: {  	_ =	shalt  }
0x48: {  	_ =	shalt  }
0x49: {  	_ =	shalt  }
0x4a: {  	_ =	shalt  }
0x4b: {  	_ =	shalt  }
0x4c: {  	_ =	shalt  }
0x4d: {  	_ =	shalt  }
0x4e: {  	_ =	shalt  }
0x4f: {  	_ =	shalt  }
0x50: {  	_ =	shalt  }
0x51: {  	_ =	shalt  }
0x52: {  	_ =	shalt  }
0x53: {  	_ =	shalt  }
0x54: {  	_ =	shalt  }
0x55: {  	_ =	shalt  }
0x56: {  	_ =	shalt  }
0x57: {  	_ =	shalt  }
0x58: {  	_ =	shalt  }
0x59: {  	_ =	shalt  }
0x5a: {  	_ =	shalt  }
0x5b: {  	_ =	shalt  }
0x5c: {  	_ =	shalt  }
0x5d: {  	_ =	shalt  }
0x5e: {  	_ =	shalt  }
0x5f: {  	_ =	shalt  }
0x60: {  	_ =	shalt  }
0x61: {  	_ =	shalt  }
0x62: {  	_ =	shalt  }
0x63: {  	_ =	shalt  }
0x64: {  	_ =	shalt  }
0x65: {  	_ =	shalt  }
0x66: {  	_ =	shalt  }
0x67: {  	_ =	shalt  }
0x68: {  	_ =	shalt  }
0x69: {  	_ =	shalt  }
0x6a: {  	_ =	shalt  }
0x6b: {  	_ =	shalt  }
0x6c: {  	_ =	shalt  }
0x6d: {  	_ =	shalt  }
0x6e: {  	_ =	shalt  }
0x6f: {  	_ =	shalt  }
0x70: {  	_ =	shalt  }
0x71: {  	_ =	shalt  }
0x72: {  	_ =	shalt  }
0x73: {  	_ =	shalt  }
0x74: {  	_ =	shalt  }
0x75: {  	_ =	shalt  }
0x76: {  	_ =	shalt  }
0x77: {  	_ =	shalt  }
0x78: {  	_ =	shalt  }
0x79: {  	_ =	shalt  }
0x7a: {  	_ =	shalt  }
0x7b: {  	_ =	shalt  }
0x7c: {  	_ =	shalt  }
0x7d: {  	_ =	shalt  }
0x7e: {  	_ =	shalt  }
0x7f: {  	_ =	shalt  }
0x80: {  	_ =	shalt  }
0x81: {  	_ =	shalt  }
0x82: {  	_ =	shalt  }
0x83: {  	_ =	shalt  }
0x84: {  	_ =	shalt  }
0x85: {  	_ =	shalt  }
0x86: {  	_ =	shalt  }
0x87: {  	_ =	shalt  }
.Lfunc_end0:
.L_simem_size_0:
called_computation.2_lowered:
.L_overlay_start_0:
0x88: {  	s2 =	sld [smem:$0x3FD9]  }
0x89: {  	s3 =	sld [smem:$0x3FFE];
	_ =	sdelay $0x1  }
0x8a: {  	s1 =	srdreg.scid  }
0x8b: {  	s0 =	sand.u32 $0x1, s1  }
0x8c: {  	s17 =	sshll.u32 s0, $0xA;
	s2 =	sadd.s32 s3, s2  }
0x8d: {  	s2 =	sadd.s32 s2, s17  }
0x8e: {  	[smem:$0x3FC3] =	sst s2  }
0x8f: {  	_ = 	snop  }
0x90: {  	s2 =	sld [smem:$0x3FC5];
	(tm) =	ssettm $0x1  }
0x91: {  	s18 =	sld [smem:$0x3FFB];
	_ =	sdelay $0x3  }
0x92: {  	_ =	strace s18  }
0x93: {  	s3 =	sld [smem:$0x3FFC];
	_ =	sdelay $0x3  }
0x94: {  	_ =	strace s3  }
0x95: {  	s3 =	sld [smem:$0x3FFD];
	_ =	sdelay $0x3  }
0x96: {  	_ =	strace s3  }
0x97: {  	_ =	strace $0x8FFFFFFF  }
0x98: {  	s19 =	sld [smem:$0x3FDB];
	_ =	sdelay $0x1  }
0x99: {  	s4 =	simm.s32 $_scs_section_size  }
0x9a: {  	s5 =	simm.s32 $_size__tile_overlayer_lowered;
	s6 =	simm.s32 $_tile_overlayer_lowered  }
0x9b: {  	s22 =	simm.s32 $0x1BFF;
	s21 =	sshll.u32 s6, $0x1;
	s3 =	sadd.s32 s4, s19  }
0x9c: {  	s7 =	simm.s32 $0x0;
	s20 =	sshll.u32 s5, $0x1;
	s5 =	sadd.s32 s21, s3  }
0x9d: {  	[timem:s7], [sflag:s22] =	dma.local [hbm:s5], s20  }
0x9e: {  	_ =	swait.ge [sflag:s22], s20  }
0x9f: {  	s4 =	ssub.s32 $0x0, s20;
	[sflag:s22] =	ssyncset.done $0x0  }
0xa0: {  	[sflag:s22] =	ssyncadd.s32 s4;
	_ =	sdelay $0x1  }
0xa1: {  	s23 =	simm.s32 $0x1B8B  }
0xa2: {  	_ =	swait.ge [sflag:s23], $0x1  }
0xa3: {  	[sflag:s23] =	ssyncset.done $0x0  }
0xa4: {  	s25 =	simm.s32 $0x1B8E;
	s24 =	sld [smem:$0x3FFE];
	[sflag:s23] =	ssyncadd.s32 $0xFFFFFFFF  }
0xa5: {  	s26 =	simm.s32 $execute0_lowered;
	[smem:$0x3FD2] =	sst s25  }
0xa6: {  	s5 =	sshll.u32 s26, $0x1;
	_ =	strace $0x8000004C;
	[dreg:$0x1] =	wrdreg $0xFFFFFFFF  }
0xa7: {  	s28 =	simm.s32 $_size_execute0_lowered;
	s3 =	sadd.s32 s3, s5;
	[dreg:$0x0] =	wrdreg $0x0  }
0xa8: {  	s5 =	sshll.u32 s28, $0x1;
	[dreg:$0x2] =	wrdreg s3  }
0xa9: {  	[dreg:$0x3] =	wrdreg s5  }
0xaa: {  	[dreg:$0x4] =	wrdreg $0xC0  }
0xab: {  	_ =	task [dreg:s7], $0x5FFFF  }
0xac: {  	[dreg:$0x1] =	wrdreg $0xFFFFFFFF  }
0xad: {  	[dreg:$0x0] =	wrdreg $0x60  }
0xae: {  	[dreg:$0x2] =	wrdreg s2  }
0xaf: {  	[dreg:$0x3] =	wrdreg s24  }
0xb0: {  	[dreg:$0x4] =	wrdreg $0x9  }
0xb1: {  	_ =	task.clear_ibuf [dreg:s7], $0x5FFFF;
	_ =	strace $0x9000004C  }
0xb2: {  	s29 =	simm.s32 $0x9;
	_ =	strace $0x8000004E  }
0xb3: {  	_ =	swait.ge [sflag:s29], $0x1  }
0xb4: {  	[sflag:s29] =	ssyncadd.s32 $0xFFFFFFFF  }
0xb5: {  	_ =	strace $0x9000004E  }
0xb6: {  	_ =	sfence  }
0xb7: {  	s30 =	sld [smem:$0x0];
	_ =	sdelay $0x2  }
0xb8: {  	s31 =	sshll.u32 s1, $0xD;
	s1 =	sshrl.u32 s1, $0x2  }
0xb9: {  	s3 =	sand.u32 $0x4000, s31;
	s1 =	sadd.s32 s1, s30  }
0xba: {  	s0 =	sor.u32 s3, s0;
	s1 =	sshll.u32 s1, $0x11  }
0xbb: {  	s0 =	sor.u32 s1, s0  }
0xbc: {  	s0 =	sadd.s32 $0x8F2B, s0  }
0xbd: {  	[sflag:s0] =	ssyncadd.remote.s32 $0x1  }
0xbe: {  	_ =	sfence.sel $0xFFFF  }
0xbf: {  	[dreg:$0x0] =	wrdreg $0xFFFFFFFF;
	(pc) =	sbr.abs _section_cstart, $3  }
0xc0: {  	[dreg:$0x1] =	wrdreg $0xFFFFFFFF  }
0xc1: {  	_ =	task.clear_ibuf [dreg:s7], $0x2FFFF;
	_ =	strace $0x9FFFFFFF  }
0xc2: {  	(tm) =	ssettm $0x7FFFFFFF  }
0xc3: {  	_ =	shalt  }
tec
execute0_lowered:
.L_overlay_start_1:
0x0: {  	(tag) =	ssettag $0x1  }
0x1: {  	s1 =	srdreg.scid;
	s2 =	rddreg [dreg:$0x0]  }
0x2: {  	s0 =	stileid.u32;
	s3 =	rddreg [dreg:$0x1]  }
0x3: {  	s6 =	simm.s32 $0x1;
	s9 =	simm.s32 $0x1;
	s1 =	sshll.u32 s1, $0x9  }
0x4: {  	s10 =	simm.s32 $0x3;
	s4 =	sshll.u32 s0, $0xA;
	s5 =	sand.u32 $0x200, s1  }
0x5: {  	s13 =	simm.s32 $0x0;
	s12 =	simm.s32 $0x0;
	s4 =	sor.u32 s4, s5  }
0x6: {  	s1 =	rddreg [dreg:$0x2];
	_ =	strace $0x8000004D;
	s8 =	ssub.s32 $0x8000, s4  }
.Ltmp0:
0x7: {  	s5 =	sadd.s32 $0x4000, s3;
	s7 =	sand.u32 $0x3E00, s8;
	(pc) =	sbr.rel .LBB2_1-.Ltmp0, $4  }
0x8: {  	[sflag:s6] =	ssyncpa.u1 $0x0;
	s11 =	smov.u32 s4;
	p0 =	sne.s32 s7, $0x0  }
0x9: {  	s8 =	sshrl.u32 s8, $0xE;
	s7 =	simm.s32 $0x2;
	s9 =	simm.s32 @!p0 $0x0  }
0xa: {  	[sflag:s7] =	ssyncpa.u1 $0x0;
	p0 =	por $0x0, $0x0;
	s8 =	sadd.s32 s9, s8  }
0xb: {  	vm0 =	vmmov $0xffff;
	[sflag:s10] =	ssyncpa.u1 $0x0;
	s10 =	simm.s32 $0x0;
	s9 =	sadd.s32 $0x1, s8  }
.LBB2_4:
0xc: {  	v2 =	vnsel vm1, $0x0, v2  }
0xd: {  	vm1 =	vgt.s32 v0, $0x0;
	v2 =	vmin.u32 v2, $0x497FF  }
0xe: {  	v0 =	vnsel vm1, $0x0, v0  }
0xf: {  	v0 =	vmin.u32 v0, $0x497FF  }
0x10: {  	[tilespmem:s15], [sflag:$0x1] =	stream.indirect_vreg.gather [hbm4b:s2+s10], $0x1, v1, vm0, $0x4038;
	[tilespmem:$0x800] =	vst v63  }
0x11: {  	(ifvalue) =	ssetifvalue $0x7FFFFFFF  }
0x12: {  	[tilespmem:s16], [sflag:$0x1] =	stream.indirect_vreg.gather [hbm4b:s2+s10], $0x1, v2, vm0, $0x4038;
	[tilespmem:$0x800] =	vst v63  }
0x13: {  	s29 =	sadd.s32 $0x10, s16;
	(ifvalue) =	ssetifvalue $0x7FFFFFFF  }
0x14: {  	[tilespmem:s29], [sflag:$0x1] =	stream.indirect_vreg.gather [hbm4b:s2+s10], $0x1, v0, vm0, $0x4038;
	[tilespmem:$0x800] =	vst v63  }
0x15: {  	_ =	swait.ge [sflag:s6], $0x200  }
0x16: {  	s30 =	sshrl.u32 s13, $0x3;
	[sflag:s6] =	ssyncset.done $0x0  }
0x17: {  	s31 =	sand.u32 $0x7, s13;
	s15 =	sadd.s32 s5, s30;
	[sflag:s6] =	ssyncadd.s32 $0xFFFFFE00  }
0x18: {  	[hbm4b:s15+s31] =	stream.linear.scatter [tilespmem:s14], [sflag:$0x3], $0x200, $0x38;
	[tilespmem:$0x800] =	vst v63  }
.LBB2_5:
0x19: {  	s15 =	sadd.s32 $0x4000, s11  }
0x1a: {  	p2 =	sgt.s32 s15, $0x7FFF  }
0x1b: {  	s15 =	smov.u32 @p2 s4;
	p2 =	sne.s32 s12, s9  }
.Ltmp1:
0x1c: {  	p1 =	slt.u32 s12, $0x2;
	(pc) =	sbr.rel @!p2 .LBB2_6-.Ltmp1, $4  }
0x1d: {  	s14 =	simm.s32 @!p1 $0x3  }
0x1e: {  	s16 =	sadd.s32 $0x1, s12;
	_ =	swait.ge @!p1 [sflag:s14], $0x200  }
0x1f: {  	s13 =	smov.u32 s11;
	p0 =	por !p0, !p0;
	[sflag:s14] =	ssyncset.done @!p1 $0x0  }
0x20: {  	s12 =	smov.u32 s16;
	s11 =	smov.u32 s15;
	[sflag:s14] =	ssyncadd.s32 @!p1 $0xFFFFFE00  }
.LBB2_1:
0x21: {  	p1 =	sge.u32 s12, s8  }
0x22: {  	s14 =	sxor.u32 @!p1 $0xFFFFFFFF, s12  }
0x23: {  	s31 =	sadd.s32 $0xFFFFFFFF, s12;
	s15 =	sshrl.u32 @!p1 s11, $0x3;
	s14 =	sshll.u32 @!p1 s14, $0x9  }
0x24: {  	s16 =	sand.u32 @!p1 $0x7, s11;
	s15 =	sadd.s32 @!p1 s3, s15;
	s14 =	sand.u32 @!p1 $0x200, s14  }
0x25: {  	[tilespmem:s14], [sflag:$0x2] =	stream.linear.gather @!p1 [hbm4b:s15+s16], $0x200, $0x38;
	[tilespmem:$0x800] =	vst v63  }
0x26: {  	p1 =	sge.u32 s31, s8  }
.Ltmp2:
0x27: {  	_ = 	snop;
	(pc) =	sbr.rel @p1 .LBB2_5-.Ltmp2, $1  }
0x28: {  	_ =	sdelay $0x3  }
0x29: {  	s14 =	simm.s32 $0x1  }
0x2a: {  	_ =	swait.ge [sflag:s7], $0x200;
	s14 =	simm.s32 @!p0 $0x0  }
0x2b: {  	[sflag:s7] =	ssyncset.done $0x0;
	s14 =	sshll.u32 s14, $0x9  }
0x2c: {  	[sflag:s7] =	ssyncadd.s32 $0xFFFFFE00;
	(ifvalue) =	ssetifvalue $0x7FFFFFFF;
	v0 =	vld.msk [tilespmem:s14+$0x0 ss:$0x1], $0xffff;
	_ =	sdelay $0x4  }
0x2d: {  	s15 =	sadd.s32 $0x10, s14;
	vm1 =	vgt.s32 v0, $0x0  }
0x2e: {  	v2 =	vld.msk [tilespmem:s15+$0x0 ss:$0x1], $0xffff;
	v1 =	vnsel vm1, $0x0, v0  }
0x2f: {  	v1 =	vmin.u32 v1, $0x497FF;
	_ =	sdelay $0x1  }
0x30: {  	s16 =	sshll.u32 s12, $0x9;
	s18 =	simm.s32 $0x20  }
0x31: {  	s16 =	sand.u32 $0x200, s16;
	s17 =	sadd.s32 $0x10, s15;
	s15 =	sor.u32 $0x400, s14  }
0x32: {  	s14 =	sor.u32 $0x400, s16;
	s16 =	sadd.s32 $0x10, s15;
	v0 =	vld.msk [tilespmem:s17+$0x0 ss:$0x1], $0xffff;
	vm1 =	vgt.s32 v2, $0x0;
	(ifvalue) =	ssetifvalue $0x7FFFFFFF  }
.LBB2_3:
0x33: {  	[tilespmem:s15], [sflag:$0x1] =	stream.indirect_vreg.gather [hbm4b:s2+s10], $0x1, v1, vm0, $0x4038;
	[tilespmem:$0x800] =	vst v63  }
0x34: {  	s18 =	sadd.s32 $0x10, s18  }
0x35: {  	v2 =	vnsel vm1, $0x0, v2;
	p1 =	slt.u32 s18, $0x1F0  }
.Ltmp3:
0x36: {  	s15 =	smov.u32 s16;
	v1 =	vmin.u32 v2, $0x497FF;
	(pc) =	sbr.rel @p1 .LBB2_3-.Ltmp3, $3  }
0x37: {  	_ =	sdelay $0x1  }
0x38: {  	s17 =	sadd.s32 $0x10, s17  }
0x39: {  	vm1 =	vgt.s32 v0, $0x0;
	s16 =	sadd.s32 $0x10, s16;
	v2 =	vmov v0;
	(ifvalue) =	ssetifvalue $0x7FFFFFFF;
	v0 =	vld.msk [tilespmem:s17+$0x0 ss:$0x1], $0xffff  }
.Ltmp4:
0x3a: {  	_ = 	snop;
	(pc) =	sbr.rel .LBB2_4-.Ltmp4, $1  }
0x3b: {  	_ =	sdelay $0x3  }
.LBB2_6:
0x3c: {  	_ =	sfence.sel $0x180000  }
0x3d: {  	s2 =	simm.s32 $0x2;
	[bflag:$0x0] =	sbarrier.arrive $0xFFFF  }
0x3e: {  	s30 =	simm.s32 $0x3;
	[sflag:s2] =	ssyncpa.u1 $0x1  }
0x3f: {  	s31 =	simm.s32 $0x1;
	[sflag:s30] =	ssyncpa.u1 $0x1  }
0x40: {  	[sflag:s31] =	ssyncpa.u1 $0x1  }
0x41: {  	p0 =	sne.s32 s0, $0x0;
	_ =	strace $0x9000004D  }
0x42: {  	s0 =	sadd.s32 @!p0 $0x100000, s1;
	[bflag:$0x2] =	sbarrier.arrive $0xFFFF  }
0x43: {  	[sflag:s0] =	ssyncadd.tile.s32 @!p0 $0x1;
	_ =	shalt  }
.Lfunc_end2:
_tile_overlayer_lowered:
.L_overlay_start_2:
0x44: {  	(tag) =	ssettag $0x2  }
0x45: {  	s0 =	rddreg [dreg:$0x0];
	s2 =	stileid.u32  }
0x46: {  	s1 =	rddreg [dreg:$0x1];
	p0 =	sne.s32 s2, $0x0  }
0x47: {  	s3 =	rddreg [dreg:$0x2];
	[bflag:$0x3] =	sbarrier.arrive $0xFFFF;
	s2 =	simm.s32 @!p0 $0x1C01  }
0x48: {  	[timem:s3], [sflag:s2] =	dma.local @!p0 [hbm:s0], s1  }
0x49: {  	s0 =	simm.s32 @!p0 $0x1  }
0x4a: {  	_ =	swait.ge @!p0 [sflag:s0], s1  }
0x4b: {  	s1 =	ssub.s32 @!p0 $0x0, s1;
	[sflag:s0] =	ssyncset.done @!p0 $0x0  }
0x4c: {  	[sflag:s0] =	ssyncadd.s32 @!p0 s1  }
0x4d: {  	[bflag:$0x3] =	sbarrier.arrive $0xFFFF  }
0x4e: {  	_ =	shalt  }

// kernel: gather_offload_async_start
scs
__scs_entry_jumppad:
0x0: {  	(pc) =	sbr.rel $0x88, $3  }
0x1: {  	(tag) =	ssettag $0x0;
	lr =	simm.s32 $0x1  }
0x2: {  	[smem:$0x3F9C] =	sst lr;
	_ =	strace $0xD0000000  }
0x3: {  	_ = 	snop  }
0x4: {  	_ = 	snop  }
0x5: {  	_ = 	snop  }
0x6: {  	_ = 	snop  }
0x7: {  	_ = 	snop  }
__scs_overlays_trampoline_lowered:
0x8: {  	[smem:$0x3FAB] =	sst s0  }
0x9: {  	[smem:$0x3FAC] =	sst s1  }
0xa: {  	[smem:$0x3FAD] =	sst s2  }
0xb: {  	[smem:$0x3FAE] =	sst s3  }
0xc: {  	[smem:$0x3FAF] =	sst s4  }
0xd: {  	[smem:$0x3FB0] =	sst s5  }
0xe: {  	[smem:$0x3FB1] =	sst s6  }
0xf: {  	[smem:$0x3FB2] =	sst s7  }
0x10: {  	[smem:$0x3FB3] =	sst s8  }
0x11: {  	[smem:$0x3FB4] =	sst s9;
	s0 =	simm.s32 @!p0 $0x0  }
0x12: {  	s1 =	sld [smem:$0x3F9A];
	s0 =	simm.s32 @p0 $0x1  }
0x13: {  	[smem:$0x3FB5] =	sst s0;
	s0 =	simm.s32 @!p1 $0x0  }
0x14: {  	s2 =	sld [smem:$0x3F99];
	s0 =	simm.s32 @p1 $0x1  }
0x15: {  	[smem:$0x3FB6] =	sst s0;
	s0 =	simm.s32 @!p2 $0x0  }
0x16: {  	s3 =	sld [smem:$0x3FDB];
	s0 =	simm.s32 @p2 $0x1  }
0x17: {  	s4 =	simm.s32 $0x1BF5;
	[smem:$0x3FB8] =	sst s0  }
0x18: {  	s0 =	sld [smem:$0x3F9B];
	_ =	swait.ge [sflag:s4], $0x0  }
0x19: {  	s7 =	sld [smem:$0x3F9C]  }
0x1a: {  	s8 =	sadd.s32 $0xFFFFE003, lr  }
0x1b: {  	s9 =	sadd.s32 $0xFFFFFEF7, lr;
	s5 =	simm.s32 $0xFFFFFFFF;
	p2 =	slt.u32 s8, $0xFFFFF086  }
0x1c: {  	p1 =	slt.u32 s9, $0xF7A;
	s5 =	simm.s32 @!p2 $0x0  }
0x1d: {  	s5 =	simm.s32 @p1 $0x1;
	p0 =	seq.s32 s7, s2  }
0x1e: {  	s7 =	smul.u32 @!p0 $0xF7A, s2;
	p2 =	seq.s32 @!p0 s5, $0x0  }
0x1f: {  	s9 =	smul.u32 $0xF7A, s1;
	s8 =	simm.s32 @!p0 $0x1BF5;
	p2 =	por !p2, p0  }
0x20: {  	[sflag:s8] =	ssyncset.s32 @!p0 $0xFFFFF086;
	s6 =	sadd.s32 @!p0 s3, s7;
	s7 =	simm.s32 @!p0 $0x108  }
0x21: {  	s3 =	sadd.s32 s3, s9;
	s6 =	sadd.s32 @!p0 $0x88, s6;
	s7 =	simm.s32 @p2 $0x1082  }
0x22: {  	[simem:s7], [sflag:s8] =	dma.local @!p0 [hbm:s6], $0xF7A  }
0x23: {  	s9 =	sor.u32 $0xD0000000, s2;
	s6 =	simm.s32 $0x108;
	_ =	swait.ge @!p0 [sflag:s8], $0x0  }
0x24: {  	s3 =	sadd.s32 $0x88, s3;
	s6 =	simm.s32 @!p1 $0x1082;
	[sflag:s4] =	ssyncset.s32 $0xFFFFF086  }
0x25: {  	[simem:s6], [sflag:s4] =	dma.local [hbm:s3], $0xF7A  }
0x26: {  	[smem:$0x3F9C] =	sst s1;
	(tag) =	ssettag s2;
	_ =	strace s9  }
0x27: {  	s1 =	sld [smem:$0x3FAC]  }
0x28: {  	s2 =	sld [smem:$0x3FAD]  }
0x29: {  	s4 =	sld [smem:$0x3FAF]  }
0x2a: {  	p0 =	seq.s32 s5, $0x0;
	s5 =	sld [smem:$0x3FB0]  }
0x2b: {  	s6 =	sld [smem:$0x3FB1]  }
0x2c: {  	s7 =	sld [smem:$0x3FB2]  }
0x2d: {  	s3 =	simm.s32 $0x108;
	s8 =	sld [smem:$0x3FB3]  }
0x2e: {  	s3 =	simm.s32 @!p0 $0x1082;
	s9 =	sld [smem:$0x3FB4]  }
0x2f: {  	lr =	sadd.s32 s0, s3;
	s0 =	sld [smem:$0x3FAB]  }
0x30: {  	s3 =	sld [smem:$0x3FAE]  }
0x31: {  	[smem:$0x3FB7] =	sst s10  }
0x32: {  	s10 =	sld [smem:$0x3FB5];
	_ =	sdelay $0x3  }
0x33: {  	p0 =	seq.s32 s10, $0x1;
	s10 =	sld [smem:$0x3FB7];
	_ =	sdelay $0x3  }
0x34: {  	[smem:$0x3FB7] =	sst s10  }
0x35: {  	s10 =	sld [smem:$0x3FB6];
	_ =	sdelay $0x3  }
0x36: {  	p1 =	seq.s32 s10, $0x1;
	s10 =	sld [smem:$0x3FB7];
	_ =	sdelay $0x3  }
0x37: {  	[smem:$0x3FB7] =	sst s10  }
0x38: {  	s10 =	sld [smem:$0x3FB8]  }
0x39: {  	_ = 	snop;
	(pc) =	sbr.ind lr, $3  }
0x3a: {  	_ = 	snop  }
0x3b: {  	_ = 	snop  }
0x3c: {  	p2 =	seq.s32 s10, $0x1;
	s10 =	sld [smem:$0x3FB7]  }
0x3d: {  	_ =	shalt  }
0x3e: {  	_ =	shalt  }
0x3f: {  	_ =	shalt  }
0x40: {  	_ =	shalt  }
0x41: {  	_ =	shalt  }
0x42: {  	_ =	shalt  }
0x43: {  	_ =	shalt  }
0x44: {  	_ =	shalt  }
0x45: {  	_ =	shalt  }
0x46: {  	_ =	shalt  }
0x47: {  	_ =	shalt  }
0x48: {  	_ =	shalt  }
0x49: {  	_ =	shalt  }
0x4a: {  	_ =	shalt  }
0x4b: {  	_ =	shalt  }
0x4c: {  	_ =	shalt  }
0x4d: {  	_ =	shalt  }
0x4e: {  	_ =	shalt  }
0x4f: {  	_ =	shalt  }
0x50: {  	_ =	shalt  }
0x51: {  	_ =	shalt  }
0x52: {  	_ =	shalt  }
0x53: {  	_ =	shalt  }
0x54: {  	_ =	shalt  }
0x55: {  	_ =	shalt  }
0x56: {  	_ =	shalt  }
0x57: {  	_ =	shalt  }
0x58: {  	_ =	shalt  }
0x59: {  	_ =	shalt  }
0x5a: {  	_ =	shalt  }
0x5b: {  	_ =	shalt  }
0x5c: {  	_ =	shalt  }
0x5d: {  	_ =	shalt  }
0x5e: {  	_ =	shalt  }
0x5f: {  	_ =	shalt  }
0x60: {  	_ =	shalt  }
0x61: {  	_ =	shalt  }
0x62: {  	_ =	shalt  }
0x63: {  	_ =	shalt  }
0x64: {  	_ =	shalt  }
0x65: {  	_ =	shalt  }
0x66: {  	_ =	shalt  }
0x67: {  	_ =	shalt  }
0x68: {  	_ =	shalt  }
0x69: {  	_ =	shalt  }
0x6a: {  	_ =	shalt  }
0x6b: {  	_ =	shalt  }
0x6c: {  	_ =	shalt  }
0x6d: {  	_ =	shalt  }
0x6e: {  	_ =	shalt  }
0x6f: {  	_ =	shalt  }
0x70: {  	_ =	shalt  }
0x71: {  	_ =	shalt  }
0x72: {  	_ =	shalt  }
0x73: {  	_ =	shalt  }
0x74: {  	_ =	shalt  }
0x75: {  	_ =	shalt  }
0x76: {  	_ =	shalt  }
0x77: {  	_ =	shalt  }
0x78: {  	_ =	shalt  }
0x79: {  	_ =	shalt  }
0x7a: {  	_ =	shalt  }
0x7b: {  	_ =	shalt  }
0x7c: {  	_ =	shalt  }
0x7d: {  	_ =	shalt  }
0x7e: {  	_ =	shalt  }
0x7f: {  	_ =	shalt  }
0x80: {  	_ =	shalt  }
0x81: {  	_ =	shalt  }
0x82: {  	_ =	shalt  }
0x83: {  	_ =	shalt  }
0x84: {  	_ =	shalt  }
0x85: {  	_ =	shalt  }
0x86: {  	_ =	shalt  }
0x87: {  	_ =	shalt  }
.Lfunc_end0:
.L_simem_size_0:
called_computation_lowered:
.L_overlay_start_0:
0x88: {  	s2 =	sld [smem:$0x3FD9]  }
0x89: {  	s3 =	sld [smem:$0x3FFE];
	_ =	sdelay $0x1  }
0x8a: {  	s1 =	srdreg.scid  }
0x8b: {  	s0 =	sand.u32 $0x1, s1  }
0x8c: {  	s16 =	sshll.u32 s0, $0xA;
	s2 =	sadd.s32 s3, s2  }
0x8d: {  	s2 =	sadd.s32 s2, s16  }
0x8e: {  	[smem:$0x3FC3] =	sst s2  }
0x8f: {  	_ = 	snop  }
0x90: {  	(tm) =	ssettm $0x1  }
0x91: {  	s17 =	sld [smem:$0x3FFB];
	_ =	sdelay $0x3  }
0x92: {  	_ =	strace s17  }
0x93: {  	s2 =	sld [smem:$0x3FFC];
	_ =	sdelay $0x3  }
0x94: {  	_ =	strace s2  }
0x95: {  	s2 =	sld [smem:$0x3FFD];
	_ =	sdelay $0x3  }
0x96: {  	_ =	strace s2  }
0x97: {  	_ =	strace $0x8FFFFFFF  }
0x98: {  	s18 =	sld [smem:$0x3FDB];
	_ =	sdelay $0x1  }
0x99: {  	s19 =	simm.s32 $_scs_section_size  }
0x9a: {  	s4 =	simm.s32 $_size__tile_overlayer_lowered;
	s5 =	simm.s32 $_tile_overlayer_lowered  }
0x9b: {  	s22 =	simm.s32 $0x1BFF;
	s21 =	sshll.u32 s5, $0x1;
	s2 =	sadd.s32 s19, s18  }
0x9c: {  	s6 =	simm.s32 $0x0;
	s20 =	sshll.u32 s4, $0x1;
	s4 =	sadd.s32 s21, s2  }
0x9d: {  	[timem:s6], [sflag:s22] =	dma.local [hbm:s4], s20  }
0x9e: {  	_ =	swait.ge [sflag:s22], s20  }
0x9f: {  	s3 =	ssub.s32 $0x0, s20;
	[sflag:s22] =	ssyncset.done $0x0  }
0xa0: {  	[sflag:s22] =	ssyncadd.s32 s3;
	_ =	sdelay $0x1  }
0xa1: {  	s23 =	simm.s32 $0x1B8B  }
0xa2: {  	_ =	swait.ge [sflag:s23], $0x1  }
0xa3: {  	[sflag:s23] =	ssyncset.done $0x0  }
0xa4: {  	s25 =	simm.s32 $0x1B8E;
	s24 =	sld [smem:$0x3FFE];
	[sflag:s23] =	ssyncadd.s32 $0xFFFFFFFF  }
0xa5: {  	s26 =	simm.s32 $execute0_lowered;
	[smem:$0x3FD2] =	sst s25  }
0xa6: {  	s4 =	sshll.u32 s26, $0x1;
	_ =	strace $0x80000046;
	[dreg:$0x1] =	wrdreg $0xFFFFFFFF  }
0xa7: {  	s28 =	simm.s32 $_size_execute0_lowered;
	s2 =	sadd.s32 s2, s4;
	[dreg:$0x0] =	wrdreg $0x0  }
0xa8: {  	s4 =	sshll.u32 s28, $0x1;
	[dreg:$0x2] =	wrdreg s2  }
0xa9: {  	[dreg:$0x3] =	wrdreg s4  }
0xaa: {  	[dreg:$0x4] =	wrdreg $0xC0  }
0xab: {  	_ =	task [dreg:s6], $0x5FFFF  }
0xac: {  	[dreg:$0x1] =	wrdreg $0xFFFFFFFF  }
0xad: {  	[dreg:$0x0] =	wrdreg $0x60  }
0xae: {  	[dreg:$0x2] =	wrdreg s24  }
0xaf: {  	[dreg:$0x3] =	wrdreg $0x9  }
0xb0: {  	_ =	task.clear_ibuf [dreg:s6], $0x4FFFF;
	_ =	strace $0x90000046  }
0xb1: {  	s29 =	simm.s32 $0x9;
	_ =	strace $0x80000048  }
0xb2: {  	_ =	swait.ge [sflag:s29], $0x1  }
0xb3: {  	[sflag:s29] =	ssyncadd.s32 $0xFFFFFFFF  }
0xb4: {  	_ =	strace $0x90000048  }
0xb5: {  	_ =	sfence  }
0xb6: {  	s30 =	sld [smem:$0x0];
	_ =	sdelay $0x2  }
0xb7: {  	s31 =	sshll.u32 s1, $0xD;
	s1 =	sshrl.u32 s1, $0x2  }
0xb8: {  	s3 =	sand.u32 $0x4000, s31;
	s1 =	sadd.s32 s1, s30  }
0xb9: {  	s0 =	sor.u32 s3, s0;
	s1 =	sshll.u32 s1, $0x11  }
0xba: {  	s0 =	sor.u32 s1, s0  }
0xbb: {  	s0 =	sadd.s32 $0x8F2B, s0  }
0xbc: {  	[sflag:s0] =	ssyncadd.remote.s32 $0x1  }
0xbd: {  	_ =	sfence.sel $0xFFFF  }
0xbe: {  	[dreg:$0x0] =	wrdreg $0xFFFFFFFF;
	(pc) =	sbr.abs _section_cstart, $3  }
0xbf: {  	[dreg:$0x1] =	wrdreg $0xFFFFFFFF  }
0xc0: {  	_ =	task.clear_ibuf [dreg:s6], $0x2FFFF;
	_ =	strace $0x9FFFFFFF  }
0xc1: {  	(tm) =	ssettm $0x7FFFFFFF  }
tec
execute0_lowered:
.L_overlay_start_1:
0x0: {  	(tag) =	ssettag $0x1  }
0x1: {  	s1 =	srdreg.scid  }
0x2: {  	s0 =	stileid.u32;
	s2 =	rddreg [dreg:$0x0];
	s6 =	simm.s32 $0x1  }
0x3: {  	s9 =	simm.s32 $0x1;
	s10 =	simm.s32 $0x3;
	s1 =	sshll.u32 s1, $0x9  }
0x4: {  	s13 =	simm.s32 $0x0;
	s3 =	sshll.u32 s0, $0xA;
	s4 =	sand.u32 $0x200, s1  }
0x5: {  	s12 =	simm.s32 $0x0;
	s5 =	sadd.s32 $0x1000, s2;
	s3 =	sor.u32 s3, s4  }
0x6: {  	s1 =	rddreg [dreg:$0x1];
	_ =	strace $0x80000047;
	s8 =	ssub.s32 $0x8000, s3  }
.Ltmp0:
0x7: {  	s4 =	sadd.s32 $0x12800, s2;
	s7 =	sand.u32 $0x3E00, s8;
	(pc) =	sbr.rel .LBB2_1-.Ltmp0, $4  }
0x8: {  	[sflag:s6] =	ssyncpa.u1 $0x0;
	s11 =	smov.u32 s3;
	p0 =	sne.s32 s7, $0x0  }
0x9: {  	s8 =	sshrl.u32 s8, $0xE;
	s7 =	simm.s32 $0x2;
	s9 =	simm.s32 @!p0 $0x0  }
0xa: {  	[sflag:s7] =	ssyncpa.u1 $0x0;
	p0 =	por $0x0, $0x0;
	s8 =	sadd.s32 s9, s8  }
0xb: {  	vm0 =	vmmov $0xffff;
	[sflag:s10] =	ssyncpa.u1 $0x0;
	s10 =	simm.s32 $0x0;
	s9 =	sadd.s32 $0x1, s8  }
.LBB2_4:
0xc: {  	vm1 =	veq.s32 v4, $0x80000000;
	v56 =	vand.u32 $0x1F, v4;
	v6 =	vand.u32 $0x7FFF, v6  }
0xd: {  	v2 =	vor.u32 v2, v5;
	v59 =	vshrl.u32 v1, $0x5;
	v60 =	vand.u32 $0x1F, v1  }
0xe: {  	v4 =	vsel vm1, $0xFFFFFFFF, v56;
	v6 =	vsel vm1, $0xFFFFFFFF, v6;
	v2 =	vor.u32 v3, v2  }
0xf: {  	vm1 =	veq.s32 v1, $0x80000000;
	v5 =	vand.u32 $0x7FFF, v59;
	v7 =	vshrl.u32 v4, $0x3  }
0x10: {  	v57 =	vshll.u32 v6, $0x3;
	v4 =	vshll.u32 v4, $0x7;
	v1 =	vsel vm1, $0xFFFFFFFF, v60  }
0x11: {  	v5 =	vsel vm1, $0xFFFFFFFF, v5;
	v6 =	vand.u32 $0x7F, v6;
	v7 =	vmul.u32 $0x24C00, v7  }
0x12: {  	v58 =	vand.u32 $0xFFFFFC00, v57;
	v4 =	vand.u32 $0x380, v4;
	v61 =	vshrl.u32 v1, $0x3  }
0x13: {  	v62 =	vshll.u32 v5, $0x3;
	v3 =	vadd.s32 v7, v58;
	v7 =	vmul.u32 $0x24C00, v61  }
0x14: {  	v1 =	vshll.u32 v1, $0x7;
	v3 =	vor.u32 v4, v3;
	v4 =	vand.u32 $0xFFFFFC00, v62  }
0x15: {  	v1 =	vand.u32 $0x380, v1;
	v3 =	vor.u32 v6, v3;
	v4 =	vadd.s32 v7, v4  }
0x16: {  	[tilespmem:s16], [sflag:$0x1] =	stream.indirect_vreg.gather [hbm4b:s4+s10], $0x1, v0, vm0, $0x4038;
	v63 =	vand.u32 $0x7F, v5;
	v1 =	vor.u32 v1, v4;
	[tilespmem:$0x800] =	vst v63  }
0x17: {  	s15 =	sadd.s32 $0x10, s15;
	(ifvalue) =	ssetifvalue $0x7FFFFFFF;
	v0 =	vor.u32 v63, v1  }
0x18: {  	[tilespmem:s15], [sflag:$0x1] =	stream.indirect_vreg.gather [hbm4b:s4+s10], $0x1, v2, vm0, $0x4038;
	[tilespmem:$0x800] =	vst v63  }
0x19: {  	s15 =	sadd.s32 $0x10, s15;
	(ifvalue) =	ssetifvalue $0x7FFFFFFF  }
0x1a: {  	[tilespmem:s15], [sflag:$0x1] =	stream.indirect_vreg.gather [hbm4b:s4+s10], $0x1, v3, vm0, $0x4038;
	[tilespmem:$0x800] =	vst v63  }
0x1b: {  	s15 =	sadd.s32 $0x10, s15;
	(ifvalue) =	ssetifvalue $0x7FFFFFFF  }
0x1c: {  	[tilespmem:s15], [sflag:$0x1] =	stream.indirect_vreg.gather [hbm4b:s4+s10], $0x1, v0, vm0, $0x4038;
	[tilespmem:$0x800] =	vst v63  }
0x1d: {  	_ =	swait.ge [sflag:s6], $0x200  }
0x1e: {  	s30 =	sshrl.u32 s13, $0x3;
	[sflag:s6] =	ssyncset.done $0x0  }
0x1f: {  	s31 =	sand.u32 $0x7, s13;
	s15 =	sadd.s32 s5, s30;
	[sflag:s6] =	ssyncadd.s32 $0xFFFFFE00  }
0x20: {  	[hbm4b:s15+s31] =	stream.linear.scatter [tilespmem:s14], [sflag:$0x3], $0x200, $0x38;
	[tilespmem:$0x800] =	vst v63  }
.LBB2_5:
0x21: {  	s15 =	sadd.s32 $0x4000, s11  }
0x22: {  	p2 =	sgt.s32 s15, $0x7FFF  }
0x23: {  	s15 =	smov.u32 @p2 s3;
	p2 =	sne.s32 s12, s9  }
.Ltmp1:
0x24: {  	p1 =	slt.u32 s12, $0x2;
	(pc) =	sbr.rel @!p2 .LBB2_6-.Ltmp1, $4  }
0x25: {  	s14 =	simm.s32 @!p1 $0x3  }
0x26: {  	s16 =	sadd.s32 $0x1, s12;
	_ =	swait.ge @!p1 [sflag:s14], $0x200  }
0x27: {  	s13 =	smov.u32 s11;
	p0 =	por !p0, !p0;
	[sflag:s14] =	ssyncset.done @!p1 $0x0  }
0x28: {  	s12 =	smov.u32 s16;
	s11 =	smov.u32 s15;
	[sflag:s14] =	ssyncadd.s32 @!p1 $0xFFFFFE00  }
.LBB2_1:
0x29: {  	p1 =	sge.u32 s12, s8  }
0x2a: {  	s14 =	sxor.u32 @!p1 $0xFFFFFFFF, s12  }
0x2b: {  	s31 =	sadd.s32 $0xFFFFFFFF, s12;
	s15 =	sshrl.u32 @!p1 s11, $0x3;
	s14 =	sshll.u32 @!p1 s14, $0x9  }
0x2c: {  	s16 =	sand.u32 @!p1 $0x7, s11;
	s15 =	sadd.s32 @!p1 s2, s15;
	s14 =	sand.u32 @!p1 $0x200, s14  }
0x2d: {  	[tilespmem:s14], [sflag:$0x2] =	stream.linear.gather @!p1 [hbm4b:s15+s16], $0x200, $0x38;
	[tilespmem:$0x800] =	vst v63  }
0x2e: {  	p1 =	sge.u32 s31, s8  }
.Ltmp2:
0x2f: {  	_ = 	snop;
	(pc) =	sbr.rel @p1 .LBB2_5-.Ltmp2, $1  }
0x30: {  	_ =	sdelay $0x3  }
0x31: {  	s14 =	simm.s32 $0x1  }
0x32: {  	_ =	swait.ge [sflag:s7], $0x200;
	s14 =	simm.s32 @!p0 $0x0  }
0x33: {  	[sflag:s7] =	ssyncset.done $0x0;
	s14 =	sshll.u32 s14, $0x9  }
0x34: {  	[sflag:s7] =	ssyncadd.s32 $0xFFFFFE00;
	(ifvalue) =	ssetifvalue $0x7FFFFFFF;
	v0 =	vld.msk [tilespmem:s14+$0x0 ss:$0x1], $0xffff  }
0x35: {  	s15 =	sadd.s32 $0x10, s14  }
0x36: {  	v1 =	vld.msk [tilespmem:s15+$0x0 ss:$0x1], $0xffff;
	_ =	sdelay $0x2  }
0x37: {  	v2 =	vshrl.u32 v0, $0x5  }
0x38: {  	vm1 =	veq.s32 v0, $0x80000000;
	v0 =	vand.u32 $0x1F, v0;
	v2 =	vand.u32 $0x7FFF, v2  }
0x39: {  	v0 =	vsel vm1, $0xFFFFFFFF, v0;
	v6 =	vshrl.u32 v1, $0x5;
	v2 =	vsel vm1, $0xFFFFFFFF, v2  }
0x3a: {  	v3 =	vshrl.u32 v0, $0x3;
	v0 =	vshll.u32 v0, $0x7;
	vm1 =	veq.s32 v1, $0x80000000  }
0x3b: {  	s15 =	sadd.s32 $0x10, s15;
	v1 =	vand.u32 $0x1F, v1;
	v4 =	vshll.u32 v2, $0x3;
	v3 =	vmul.u32 $0x24C00, v3  }
0x3c: {  	v0 =	vand.u32 $0x380, v0;
	v7 =	vand.u32 $0x7F, v2;
	v5 =	vand.u32 $0xFFFFFC00, v4;
	v4 =	vld.msk [tilespmem:s15+$0x0 ss:$0x1], $0xffff  }
0x3d: {  	v1 =	vsel vm1, $0xFFFFFFFF, v1;
	v2 =	vadd.s32 v3, v5;
	v3 =	vand.u32 $0x7FFF, v6  }
0x3e: {  	v3 =	vsel vm1, $0xFFFFFFFF, v3;
	v0 =	vor.u32 v0, v2;
	v2 =	vshrl.u32 v1, $0x3  }
0x3f: {  	s16 =	sshll.u32 s12, $0x9;
	s18 =	simm.s32 $0x30;
	v1 =	vshll.u32 v1, $0x7;
	v5 =	vshll.u32 v3, $0x3;
	v8 =	vmul.u32 $0x24C00, v2  }
0x40: {  	s31 =	sand.u32 $0x200, s16;
	s17 =	sadd.s32 $0x10, s15;
	s15 =	sor.u32 $0x400, s14;
	v2 =	vand.u32 $0x380, v1;
	v0 =	vor.u32 v7, v0;
	v5 =	vand.u32 $0xFFFFFC00, v5  }
0x41: {  	s14 =	sor.u32 $0x400, s31;
	s16 =	smov.u32 s15;
	v1 =	vld.msk [tilespmem:s17+$0x0 ss:$0x1], $0xffff;
	v3 =	vand.u32 $0x7F, v3;
	(ifvalue) =	ssetifvalue $0x7FFFFFFF;
	v6 =	vshrl.u32 v4, $0x5;
	v5 =	vadd.s32 v8, v5  }
.LBB2_3:
0x42: {  	s18 =	sadd.s32 $0x10, s18  }
0x43: {  	vm1 =	veq.s32 v4, $0x80000000;
	v4 =	vand.u32 $0x1F, v4;
	v6 =	vand.u32 $0x7FFF, v6;
	s15 =	sadd.s32 $0x10, s15;
	p1 =	slt.u32 s18, $0x1F0  }
.Ltmp3:
0x44: {  	v5 =	vor.u32 v2, v5;
	v4 =	vsel vm1, $0xFFFFFFFF, v4;
	v7 =	vsel vm1, $0xFFFFFFFF, v6;
	(pc) =	sbr.rel @p1 .LBB2_3-.Ltmp3, $4  }
0x45: {  	v2 =	vshrl.u32 v4, $0x3;
	v6 =	vshll.u32 v7, $0x3;
	v4 =	vshll.u32 v4, $0x7;
	[tilespmem:s16], [sflag:$0x1] =	stream.indirect_vreg.gather [hbm4b:s4+s10], $0x1, v0, vm0, $0x4038;
	[tilespmem:$0x800] =	vst v63  }
0x46: {  	v0 =	vor.u32 v3, v5;
	s16 =	smov.u32 s15;
	v8 =	vmul.u32 $0x24C00, v2;
	v2 =	vand.u32 $0x380, v4  }
0x47: {  	s17 =	sadd.s32 $0x10, s17;
	v9 =	vand.u32 $0xFFFFFC00, v6  }
0x48: {  	v3 =	vand.u32 $0x7F, v7;
	v6 =	vshrl.u32 v1, $0x5;
	v5 =	vadd.s32 v8, v9;
	(ifvalue) =	ssetifvalue $0x7FFFFFFF;
	v4 =	vmovc v1;
	v1 =	vld.msk [tilespmem:s17+$0x0 ss:$0x1], $0xffff  }
.Ltmp4:
0x49: {  	_ = 	snop;
	(pc) =	sbr.rel .LBB2_4-.Ltmp4, $1  }
0x4a: {  	_ =	sdelay $0x3  }
.LBB2_6:
0x4b: {  	_ =	sfence.sel $0x180000  }
0x4c: {  	s2 =	simm.s32 $0x2;
	[bflag:$0x0] =	sbarrier.arrive $0xFFFF  }
0x4d: {  	s30 =	simm.s32 $0x3;
	[sflag:s2] =	ssyncpa.u1 $0x1  }
0x4e: {  	s31 =	simm.s32 $0x1;
	[sflag:s30] =	ssyncpa.u1 $0x1  }
0x4f: {  	[sflag:s31] =	ssyncpa.u1 $0x1  }
0x50: {  	p0 =	sne.s32 s0, $0x0;
	_ =	strace $0x90000047  }
0x51: {  	s0 =	sadd.s32 @!p0 $0x100000, s1;
	[bflag:$0x2] =	sbarrier.arrive $0xFFFF  }
0x52: {  	[sflag:s0] =	ssyncadd.tile.s32 @!p0 $0x1;
	_ =	shalt  }
.Lfunc_end2:
_tile_overlayer_lowered:
.L_overlay_start_2:
0x53: {  	(tag) =	ssettag $0x2  }
0x54: {  	s0 =	rddreg [dreg:$0x0];
	s2 =	stileid.u32  }
0x55: {  	s1 =	rddreg [dreg:$0x1];
	p0 =	sne.s32 s2, $0x0  }
0x56: {  	s3 =	rddreg [dreg:$0x2];
	[bflag:$0x3] =	sbarrier.arrive $0xFFFF;
	s2 =	simm.s32 @!p0 $0x1C01  }
0x57: {  	[timem:s3], [sflag:s2] =	dma.local @!p0 [hbm:s0], s1  }
0x58: {  	s0 =	simm.s32 @!p0 $0x1  }
0x59: {  	_ =	swait.ge @!p0 [sflag:s0], s1  }
0x5a: {  	s1 =	ssub.s32 @!p0 $0x0, s1;
	[sflag:s0] =	ssyncset.done @!p0 $0x0  }
0x5b: {  	[sflag:s0] =	ssyncadd.s32 @!p0 s1  }
0x5c: {  	[bflag:$0x3] =	sbarrier.arrive $0xFFFF  }
0x5d: {  	_ =	shalt  }

</sc_bundles>
